<compile_context>
chip_gen: v7x
topology: tpu7x:2x2x1
jax: 0.10.2.dev20260603
libtpu: 0.0.44.dev20260713+nightly
codegen_flags: <defaults>
</compile_context>

<pallas_src>
import jax
import jax.numpy as jnp
import numpy as np
from jax import lax
from jax.experimental import pallas as pl
from jax.experimental.pallas import tpu as pltpu
from jax.experimental.pallas import tpu_sc as plsc

_N = 10000
_E = 320000
_D = 64
_NC, _NS = 2, 16
_NW = _NC * _NS
_CH = 128
_NCH = 80
_EP = _NW * _NCH * _CH
_PAD = _EP - _E
_NP = 10240
_RPT = _NP // _NS
_ZR = 128
_RB = 2000

def _mesh():
    return plsc.VectorSubcoreMesh(core_axis_name="c", subcore_axis_name="s",
                                  num_cores=_NC, num_subcores=_NS)


def _deg_body(dst_hbm, out_hbm, dstv, onesv, zbuf, acc, *sems):
    c = lax.axis_index("c")
    s = lax.axis_index("s")
    wid = s * _NC + c

    @pl.loop(0, _CH)
    def _fill(i):
        onesv[i, :] = jnp.full((16,), 1.0, dtype=jnp.float32)

    @pl.loop(0, _RPT)
    def _zero(i):
        zbuf[i, :] = jnp.zeros((16,), dtype=jnp.float32)

    pltpu.sync_copy(dst_hbm.at[wid], dstv)
    pltpu.sync_copy(zbuf, acc.at[pl.ds(s * _RPT, _RPT)])
    plsc.subcore_barrier()

    @pl.loop(0, _NCH, step=4)
    def _scat(i):
        ds_ = [pltpu.async_copy(onesv, acc.at[dstv.at[i + k]], sems[k],
                                add=True) for k in range(4)]
        for k in range(4):
            ds_[k].wait()

    plsc.subcore_barrier()
    pltpu.sync_copy(acc.at[pl.ds(s * _RPT, _RPT)],
                    out_hbm.at[c].at[pl.ds(s * _RPT, _RPT)])


def _deg_partials(dst):
    return pl.kernel(
        _deg_body,
        out_type=jax.ShapeDtypeStruct((_NC, _NP, 16), jnp.float32),
        mesh=_mesh(),
        compiler_params=pltpu.CompilerParams(use_tc_tiling_on_sc=False),
        scratch_types=[
            pltpu.VMEM((_NCH, _CH), jnp.int32),
            pltpu.VMEM((_CH, 16), jnp.float32),
            pltpu.VMEM((_RPT, 16), jnp.float32),
            pltpu.VMEM_SHARED((_NP, 16), jnp.float32),
        ] + [pltpu.SemaphoreType.DMA] * 4,
    )(dst)


def _agg_body(g_hbm, src_hbm, dst_hbm, out_hbm,
              srcv, dstv, bufs, acc, gsems, ssems):
    c = lax.axis_index("c")
    s = lax.axis_index("s")
    wid = s * _NC + c

    zbuf = bufs[0]

    @pl.loop(0, _ZR)
    def _zero(i):
        @pl.loop(0, _D // 16)
        def _zero_in(j):
            zbuf[i, pl.ds(j * 16, 16)] = jnp.zeros((16,), dtype=jnp.float32)

    @pl.loop(0, _RPT // _ZR)
    def _zacc(j):
        pltpu.sync_copy(zbuf, acc.at[pl.ds(s * _RPT + j * _ZR, _ZR)])

    pltpu.sync_copy(src_hbm.at[wid], srcv)
    pltpu.sync_copy(dst_hbm.at[wid], dstv)
    plsc.subcore_barrier()

    bA, bB = bufs[:4], bufs[4:]
    gA, gB = gsems[:4], gsems[4:]
    sA, sB = ssems[:4], ssems[4:]

    for k in range(4):
        pltpu.async_copy(g_hbm.at[srcv.at[k]], bA[k], gA[k])

    def _drain(sem, buf):
        pltpu.make_async_copy(g_hbm.at[pl.ds(0, _CH)], buf, sem).wait()

    @pl.loop(0, _NCH, step=8)
    def _pipe(i):
        dB = [pltpu.async_copy(g_hbm.at[srcv.at[i + 4 + k]], bB[k], gB[k])
              for k in range(4)]
        dsA = []
        for k in range(4):
            _drain(gA[k], bA[k])
            dsA.append(pltpu.async_copy(bA[k], acc.at[dstv.at[i + k]],
                                        sA[k], add=True))
        for k in range(4):
            dsA[k].wait()

            @pl.when(i + 8 + k < _NCH)
            def _():
                pltpu.async_copy(g_hbm.at[srcv.at[i + 8 + k]], bA[k], gA[k])
        dsB = []
        for k in range(4):
            dB[k].wait()
            dsB.append(pltpu.async_copy(bB[k], acc.at[dstv.at[i + 4 + k]],
                                        sB[k], add=True))
        for k in range(4):
            dsB[k].wait()

    plsc.subcore_barrier()
    pltpu.sync_copy(acc.at[pl.ds(s * _RPT, _RPT)],
                    out_hbm.at[c].at[pl.ds(s * _RPT, _RPT)])


def _aggregate(g, src, dst):
    return pl.kernel(
        _agg_body2,
        out_type=jax.ShapeDtypeStruct((_NC, _NP, _D), jnp.float32),
        mesh=_mesh(),
        compiler_params=pltpu.CompilerParams(use_tc_tiling_on_sc=False),
        scratch_types=[
            pltpu.VMEM((_NCH, _CH), jnp.int32),
            pltpu.VMEM((_NCH, _CH), jnp.int32),
        ] + [pltpu.VMEM((_CH, _D), jnp.float32)] * 8 + [
            pltpu.VMEM_SHARED((_NP, _D), jnp.float32),
        ] + [pltpu.SemaphoreType.DMA] * 16,
    )(g, src, dst)


def _agg_body2(g_hbm, src_hbm, dst_hbm, out_hbm, srcv, dstv, *rest):
    bufs, acc = list(rest[:8]), rest[8]
    gsems, ssems = list(rest[9:17]), list(rest[17:25])
    _agg_body(g_hbm, src_hbm, dst_hbm, out_hbm,
              srcv, dstv, bufs, acc, gsems, ssems)


def _matmul1(x, W1):
    def body(x_ref, w_ref, o_ref):
        o_ref[...] = jnp.dot(x_ref[...], w_ref[...],
                             preferred_element_type=jnp.float32)

    return pl.pallas_call(
        body,
        grid=(_N // _RB,),
        in_specs=[pl.BlockSpec((_RB, 128), lambda i: (i, 0)),
                  pl.BlockSpec((128, _D), lambda i: (0, 0))],
        out_specs=pl.BlockSpec((_RB, _D), lambda i: (i, 0)),
        out_shape=jax.ShapeDtypeStruct((_N, _D), jnp.float32),
    )(x, W1)


def _combine1(degp, h1, b1):
    def body(p_ref, h_ref, b_ref, g_ref, st_ref, dis_ref):
        dis = lax.rsqrt(1.0 + p_ref[0] + p_ref[1])
        dcol = dis[:, 0:1]
        h = h_ref[...]
        g_ref[...] = h * dcol
        st_ref[...] = h * (dcol * dcol) + b_ref[...]
        dis_ref[...] = dis

    return pl.pallas_call(
        body,
        grid=(_N // _RB,),
        in_specs=[pl.BlockSpec((_NC, _RB, 16), lambda i: (0, i, 0)),
                  pl.BlockSpec((_RB, _D), lambda i: (i, 0)),
                  pl.BlockSpec((1, _D), lambda i: (0, 0))],
        out_specs=[pl.BlockSpec((_RB, _D), lambda i: (i, 0))] * 2 +
                  [pl.BlockSpec((_RB, 16), lambda i: (i, 0))],
        out_shape=[jax.ShapeDtypeStruct((_N, _D), jnp.float32)] * 2 +
                  [jax.ShapeDtypeStruct((_N, 16), jnp.float32)],
    )(degp, h1, b1)


def _combine2(s1, dis16, st1):
    def body(p_ref, d_ref, st_ref, g_ref, st2_ref):
        dcol = d_ref[:, 0:1]
        h = jnp.maximum(dcol * (p_ref[0] + p_ref[1]) + st_ref[...], 0.0)
        g_ref[...] = h * dcol
        st2_ref[...] = h * (dcol * dcol)

    return pl.pallas_call(
        body,
        grid=(_N // _RB,),
        in_specs=[pl.BlockSpec((_NC, _RB, _D), lambda i: (0, i, 0)),
                  pl.BlockSpec((_RB, 16), lambda i: (i, 0)),
                  pl.BlockSpec((_RB, _D), lambda i: (i, 0))],
        out_specs=[pl.BlockSpec((_RB, _D), lambda i: (i, 0))] * 2,
        out_shape=[jax.ShapeDtypeStruct((_N, _D), jnp.float32)] * 2,
    )(s1, dis16, st1)


def _final(s2, dis16, st2, W2, b2):
    def body(p_ref, d_ref, st_ref, w_ref, b_ref, o_ref):
        a2 = d_ref[:, 0:1] * (p_ref[0] + p_ref[1]) + st_ref[...]
        o_ref[...] = jnp.dot(a2, w_ref[...],
                             preferred_element_type=jnp.float32) + b_ref[...]

    return pl.pallas_call(
        body,
        grid=(_N // _RB,),
        in_specs=[pl.BlockSpec((_NC, _RB, _D), lambda i: (0, i, 0)),
                  pl.BlockSpec((_RB, 16), lambda i: (i, 0)),
                  pl.BlockSpec((_RB, _D), lambda i: (i, 0)),
                  pl.BlockSpec((_D, 128), lambda i: (0, 0)),
                  pl.BlockSpec((1, 128), lambda i: (0, 0))],
        out_specs=pl.BlockSpec((_RB, 128), lambda i: (i, 0)),
        out_shape=jax.ShapeDtypeStruct((_N, 128), jnp.float32),
    )(s2, dis16, st2, W2, b2)


_PAD_SRC = np.arange(_PAD, dtype=np.int32) % _N
_PAD_DST = (_N + np.arange(_PAD, dtype=np.int32) % (_NP - _N)).astype(np.int32)


def kernel(x, edge_index, W1, b1, W2, b2):
    ei = edge_index.astype(jnp.int32)
    dst = jnp.concatenate([ei[1], _PAD_DST]).reshape(_NW, _NCH, _CH)

    degp = _deg_partials(dst)
    h1 = _matmul1(x, W1)

    src = jnp.concatenate([ei[0], _PAD_SRC]).reshape(_NW, _NCH, _CH)

    g1, st1, dis16 = _combine1(degp, h1, b1.reshape(1, _D))
    s1 = _aggregate(g1, src, dst)
    g2, st2 = _combine2(s1, dis16, st1)
    s2 = _aggregate(g2, src, dst)
    return _final(s2, dis16, st2, W2, b2.reshape(1, 128))

# --- scband reference (transcript-rebuilt; emitter-appended) ---
"""Pipeline reference for scband-gcn-46359876993041 (READ-ONLY COPY).

The authoritative reference and input builder live on the scoring server;
editing this copy changes nothing except your own understanding.
"""

import jax, jax.numpy as jnp
import numpy as np

N_NODES = 10000
N_EDGES = 320000
D_IN = 128
D_HID = 64
D_OUT = 128


def setup_inputs(seed: int = 0) -> dict:
    key = jax.random.key(seed)
    k1, k2, k3, k4, k5, k6 = jax.random.split(key, 6)
    x = jax.random.normal(k1, (N_NODES, D_IN), dtype=jnp.float32)
    edge_index = jax.random.randint(k2, (2, N_EDGES), 0, N_NODES, dtype=jnp.int64)
    # GCNConv layer 1: D_IN -> D_HID (glorot-ish init)
    W1 = jax.random.normal(k3, (D_IN, D_HID), dtype=jnp.float32) / np.sqrt(D_IN)
    b1 = jnp.zeros((D_HID,), dtype=jnp.float32)
    # GCNConv layer 2: D_HID -> D_OUT
    W2 = jax.random.normal(k4, (D_HID, D_OUT), dtype=jnp.float32) / np.sqrt(D_HID)
    b2 = jnp.zeros((D_OUT,), dtype=jnp.float32)
    return {"x": x, "edge_index": edge_index, "W1": W1, "b1": b1, "W2": W2, "b2": b2}


def _gcn_conv(x, src, dst, norm, W, b):
    # x' = D^{-1/2} (A + I) D^{-1/2} X W + b  (PyG GCNConv with self-loops)
    h = x @ W
    msg = jnp.take(h, src, axis=0) * norm[:, None]
    out = jnp.zeros((x.shape[0], W.shape[1]), dtype=x.dtype).at[dst].add(msg)
    return out + b


def reference(x, edge_index, W1, b1, W2, b2):
    N = x.shape[0]
    loop = jnp.arange(N, dtype=edge_index.dtype)
    src = jnp.concatenate([edge_index[0], loop])
    dst = jnp.concatenate([edge_index[1], loop])
    deg = jnp.zeros((N,), dtype=jnp.float32).at[dst].add(1.0)
    deg_inv_sqrt = jnp.where(deg > 0, jax.lax.rsqrt(deg), 0.0)
    norm = deg_inv_sqrt[src] * deg_inv_sqrt[dst]
    h = _gcn_conv(x, src, dst, norm, W1, b1)
    h = jax.nn.relu(h)
    out = _gcn_conv(h, src, dst, norm, W2, b2)
    return out

if __name__ == "__main__":
    import jax
    _d = setup_inputs()
    print(jax.jit(kernel)(*tuple(_d.values())))

</pallas_src>

<mosaic_0001>
#map = affine_map<(d0, d1) -> (0, 0)>
#map1 = affine_map<(d0, d1) -> (0, 0, 0)>
module attributes {stable_mosaic.version = 14 : i64} {
  func.func @_agg_body2(%arg0: i32, %arg1: i32, %arg2: memref<10000x64xf32, #tpu.memory_space<hbm>>, %arg3: memref<32x80x128xi32, #tpu.memory_space<hbm>>, %arg4: memref<32x80x128xi32, #tpu.memory_space<hbm>>, %arg5: memref<2x10240x64xf32, #tpu.memory_space<hbm>>, %arg6: memref<80x128xi32, #tpu.memory_space<vmem>>, %arg7: memref<80x128xi32, #tpu.memory_space<vmem>>, %arg8: memref<128x64xf32, #tpu.memory_space<vmem>>, %arg9: memref<128x64xf32, #tpu.memory_space<vmem>>, %arg10: memref<128x64xf32, #tpu.memory_space<vmem>>, %arg11: memref<128x64xf32, #tpu.memory_space<vmem>>, %arg12: memref<128x64xf32, #tpu.memory_space<vmem>>, %arg13: memref<128x64xf32, #tpu.memory_space<vmem>>, %arg14: memref<128x64xf32, #tpu.memory_space<vmem>>, %arg15: memref<128x64xf32, #tpu.memory_space<vmem>>, %arg16: memref<10240x64xf32, #tpu.memory_space<vmem_shared>>, %arg17: memref<!tpu.dma_semaphore, #tpu.memory_space<semaphore_mem>>, %arg18: memref<!tpu.dma_semaphore, #tpu.memory_space<semaphore_mem>>, %arg19: memref<!tpu.dma_semaphore, #tpu.memory_space<semaphore_mem>>, %arg20: memref<!tpu.dma_semaphore, #tpu.memory_space<semaphore_mem>>, %arg21: memref<!tpu.dma_semaphore, #tpu.memory_space<semaphore_mem>>, %arg22: memref<!tpu.dma_semaphore, #tpu.memory_space<semaphore_mem>>, %arg23: memref<!tpu.dma_semaphore, #tpu.memory_space<semaphore_mem>>, %arg24: memref<!tpu.dma_semaphore, #tpu.memory_space<semaphore_mem>>, %arg25: memref<!tpu.dma_semaphore, #tpu.memory_space<semaphore_mem>>, %arg26: memref<!tpu.dma_semaphore, #tpu.memory_space<semaphore_mem>>, %arg27: memref<!tpu.dma_semaphore, #tpu.memory_space<semaphore_mem>>, %arg28: memref<!tpu.dma_semaphore, #tpu.memory_space<semaphore_mem>>, %arg29: memref<!tpu.dma_semaphore, #tpu.memory_space<semaphore_mem>>, %arg30: memref<!tpu.dma_semaphore, #tpu.memory_space<semaphore_mem>>, %arg31: memref<!tpu.dma_semaphore, #tpu.memory_space<semaphore_mem>>, %arg32: memref<!tpu.dma_semaphore, #tpu.memory_space<semaphore_mem>>) attributes {dimension_semantics = [#tpu.dimension_semantics<core_parallel>, #tpu.dimension_semantics<subcore_parallel>], iteration_bounds = array<i64: 2, 16>, scalar_prefetch = 0 : i64, scratch_operands = 27 : i64, tpu.core_type = #tpu.core_type<sc_vector_subcore>, window_params = [{transform_indices = #map}, {transform_indices = #map1}, {transform_indices = #map1}, {transform_indices = #map1}]} {
    %mul3A = arith.constant 2 : i32
    %mul3A_0 = arith.muli %arg1, %mul3A : i32
    %add3A = arith.addi %mul3A_0, %arg0 : i32
    %scan3A = arith.constant 0 : i32
    %scan3A_1 = arith.constant 128 : i32
    %scan3A_2 = arith.addi %scan3A, %scan3A_1 : i32
    %scan3A_3 = arith.constant 1 : i32
    scf.for %scan3A_47 = %scan3A to %scan3A_2 step %scan3A_3  : i32 {
      %mul3A_48 = arith.constant 1 : i32
      %mul3A_49 = arith.muli %scan3A_47, %mul3A_48 : i32
      %add3A_50 = arith.constant 0 : i32
      %add3A_51 = arith.addi %add3A_50, %mul3A_49 : i32
      %scan3A_52 = arith.constant 0 : i32
      %scan3A_53 = arith.constant 4 : i32
      %scan3A_54 = arith.addi %scan3A_52, %scan3A_53 : i32
      %scan3A_55 = arith.constant 1 : i32
      scf.for %scan3A_57 = %scan3A_52 to %scan3A_54 step %scan3A_55  : i32 {
        %mul3A_58 = arith.constant 1 : i32
        %mul3A_59 = arith.muli %scan3A_57, %mul3A_58 : i32
        %add3A_60 = arith.constant 0 : i32
        %add3A_61 = arith.addi %add3A_60, %mul3A_59 : i32
        %broadcast_in_dim3A = arith.constant 0.000000e+00 : f32
        %broadcast_in_dim3A_62 = vector.broadcast %broadcast_in_dim3A : f32 to vector<16xf32>
        %mul3A_63 = arith.constant 16 : i32
        %mul3A_64 = arith.muli %add3A_61, %mul3A_63 : i32
        %swap3A = arith.index_cast %add3A_51 : i32 to index
        %swap3A_65 = arith.index_cast %mul3A_64 : i32 to index
        %swap3A_66 = tpu.vector_load %arg8[%swap3A, %swap3A_65] {strides = array<i32>} : memref<128x64xf32, #tpu.memory_space<vmem>>, vector<1x16xf32>,
        %swap3A_67 = vector.shape_cast %swap3A_66 : vector<1x16xf32> to vector<16xf32>
        %swap3A_68 = vector.shape_cast %broadcast_in_dim3A_62 : vector<16xf32> to vector<1x16xf32>
        tpu.vector_store %arg8[%swap3A, %swap3A_65], %swap3A_68 {strides = array<i32>} : memref<128x64xf32, #tpu.memory_space<vmem>>, vector<1x16xf32>,
      }
      %scan3A_56 = arith.constant 4 : i32
    }
    %scan3A_4 = arith.constant 128 : i32
    %scan3A_5 = arith.constant 0 : i32
    %scan3A_6 = arith.constant 5 : i32
    %scan3A_7 = arith.addi %scan3A_5, %scan3A_6 : i32
    %scan3A_8 = arith.constant 1 : i32
    scf.for %scan3A_47 = %scan3A_5 to %scan3A_7 step %scan3A_8  : i32 {
      %mul3A_48 = arith.constant 1 : i32
      %mul3A_49 = arith.muli %scan3A_47, %mul3A_48 : i32
      %add3A_50 = arith.constant 0 : i32
      %add3A_51 = arith.addi %add3A_50, %mul3A_49 : i32
      %mul3A_52 = arith.constant 640 : i32
      %mul3A_53 = arith.muli %arg1, %mul3A_52 : i32
      %mul3A_54 = arith.constant 128 : i32
      %mul3A_55 = arith.muli %add3A_51, %mul3A_54 : i32
      %add3A_56 = arith.addi %mul3A_53, %mul3A_55 : i32
      "tpu.region"() ({
        %run_scoped3A = tpu.sem_alloc : memref<!tpu.dma_semaphore, #tpu.memory_space<semaphore_mem>>
        %dma_start3A_57 = arith.constant 0 : i32
        %dma_start3A_58 = tpu.memref_slice %arg16[%add3A_56, %dma_start3A_57] : memref<10240x64xf32, #tpu.memory_space<vmem_shared>> -> memref<128x64xf32, #tpu.memory_space<vmem_shared>>
        %dma_start3A_59 = arith.constant 0 : i32
        %dma_start3A_60 = tpu.memref_slice %arg16[%add3A_56, %dma_start3A_59] : memref<10240x64xf32, #tpu.memory_space<vmem_shared>> -> memref<128x64xf32, #tpu.memory_space<vmem_shared>>
        tpu.enqueue_dma source(%arg8 : memref<128x64xf32, #tpu.memory_space<vmem>>) target(%dma_start3A_60 : memref<128x64xf32, #tpu.memory_space<vmem_shared>>) target_semaphore(%run_scoped3A : memref<!tpu.dma_semaphore, #tpu.memory_space<semaphore_mem>>)
        %dma_wait3A = arith.constant 0 : i32
        %dma_wait3A_61 = tpu.memref_slice %arg16[%add3A_56, %dma_wait3A] : memref<10240x64xf32, #tpu.memory_space<vmem_shared>> -> memref<128x64xf32, #tpu.memory_space<vmem_shared>>
        %dma_wait3A_62 = arith.constant 0 : i32
        %dma_wait3A_63 = tpu.memref_slice %arg16[%add3A_56, %dma_wait3A_62] : memref<10240x64xf32, #tpu.memory_space<vmem_shared>> -> memref<128x64xf32, #tpu.memory_space<vmem_shared>>
        tpu.wait_dma2 semaphore(%run_scoped3A : memref<!tpu.dma_semaphore, #tpu.memory_space<semaphore_mem>>) src(%arg8 : memref<128x64xf32, #tpu.memory_space<vmem>>) dst(%dma_wait3A_63 : memref<128x64xf32, #tpu.memory_space<vmem_shared>>)
        tpu.yield
      }) : () -> ()
    }
    %scan3A_9 = arith.constant 5 : i32
    "tpu.region"() ({
      %run_scoped3A = tpu.sem_alloc : memref<!tpu.dma_semaphore, #tpu.memory_space<semaphore_mem>>
      %dma_start3A_47 = arith.constant 0 : i32
      %dma_start3A_48 = arith.constant 0 : i32
      %dma_start3A_49 = tpu.memref_slice %arg3[%add3A, %dma_start3A_47, %dma_start3A_48] : memref<32x80x128xi32, #tpu.memory_space<hbm>> -> memref<1x80x128xi32, #tpu.memory_space<hbm>>
      %dma_start3A_50 = tpu.memref_squeeze %dma_start3A_49 : memref<1x80x128xi32, #tpu.memory_space<hbm>> -> memref<80x128xi32, #tpu.memory_space<hbm>>
      %dma_start3A_51 = arith.constant 0 : i32
      %dma_start3A_52 = arith.constant 0 : i32
      %dma_start3A_53 = tpu.memref_slice %arg3[%add3A, %dma_start3A_51, %dma_start3A_52] : memref<32x80x128xi32, #tpu.memory_space<hbm>> -> memref<1x80x128xi32, #tpu.memory_space<hbm>>
      %dma_start3A_54 = tpu.memref_squeeze %dma_start3A_53 : memref<1x80x128xi32, #tpu.memory_space<hbm>> -> memref<80x128xi32, #tpu.memory_space<hbm>>
      tpu.enqueue_dma source(%dma_start3A_54 : memref<80x128xi32, #tpu.memory_space<hbm>>) target(%arg6 : memref<80x128xi32, #tpu.memory_space<vmem>>) target_semaphore(%run_scoped3A : memref<!tpu.dma_semaphore, #tpu.memory_space<semaphore_mem>>)
      %dma_wait3A = arith.constant 0 : i32
      %dma_wait3A_55 = arith.constant 0 : i32
      %dma_wait3A_56 = tpu.memref_slice %arg3[%add3A, %dma_wait3A, %dma_wait3A_55] : memref<32x80x128xi32, #tpu.memory_space<hbm>> -> memref<1x80x128xi32, #tpu.memory_space<hbm>>
      %dma_wait3A_57 = tpu.memref_squeeze %dma_wait3A_56 : memref<1x80x128xi32, #tpu.memory_space<hbm>> -> memref<80x128xi32, #tpu.memory_space<hbm>>
      %dma_wait3A_58 = arith.constant 0 : i32
      %dma_wait3A_59 = arith.constant 0 : i32
      %dma_wait3A_60 = tpu.memref_slice %arg3[%add3A, %dma_wait3A_58, %dma_wait3A_59] : memref<32x80x128xi32, #tpu.memory_space<hbm>> -> memref<1x80x128xi32, #tpu.memory_space<hbm>>
      %dma_wait3A_61 = tpu.memref_squeeze %dma_wait3A_60 : memref<1x80x128xi32, #tpu.memory_space<hbm>> -> memref<80x128xi32, #tpu.memory_space<hbm>>
      tpu.wait_dma2 semaphore(%run_scoped3A : memref<!tpu.dma_semaphore, #tpu.memory_space<semaphore_mem>>) src(%dma_wait3A_61 : memref<80x128xi32, #tpu.memory_space<hbm>>) dst(%arg6 : memref<80x128xi32, #tpu.memory_space<vmem>>)
      tpu.yield
    }) : () -> ()
    "tpu.region"() ({
      %run_scoped3A = tpu.sem_alloc : memref<!tpu.dma_semaphore, #tpu.memory_space<semaphore_mem>>
      %dma_start3A_47 = arith.constant 0 : i32
      %dma_start3A_48 = arith.constant 0 : i32
      %dma_start3A_49 = tpu.memref_slice %arg4[%add3A, %dma_start3A_47, %dma_start3A_48] : memref<32x80x128xi32, #tpu.memory_space<hbm>> -> memref<1x80x128xi32, #tpu.memory_space<hbm>>
      %dma_start3A_50 = tpu.memref_squeeze %dma_start3A_49 : memref<1x80x128xi32, #tpu.memory_space<hbm>> -> memref<80x128xi32, #tpu.memory_space<hbm>>
      %dma_start3A_51 = arith.constant 0 : i32
      %dma_start3A_52 = arith.constant 0 : i32
      %dma_start3A_53 = tpu.memref_slice %arg4[%add3A, %dma_start3A_51, %dma_start3A_52] : memref<32x80x128xi32, #tpu.memory_space<hbm>> -> memref<1x80x128xi32, #tpu.memory_space<hbm>>
      %dma_start3A_54 = tpu.memref_squeeze %dma_start3A_53 : memref<1x80x128xi32, #tpu.memory_space<hbm>> -> memref<80x128xi32, #tpu.memory_space<hbm>>
      tpu.enqueue_dma source(%dma_start3A_54 : memref<80x128xi32, #tpu.memory_space<hbm>>) target(%arg7 : memref<80x128xi32, #tpu.memory_space<vmem>>) target_semaphore(%run_scoped3A : memref<!tpu.dma_semaphore, #tpu.memory_space<semaphore_mem>>)
      %dma_wait3A = arith.constant 0 : i32
      %dma_wait3A_55 = arith.constant 0 : i32
      %dma_wait3A_56 = tpu.memref_slice %arg4[%add3A, %dma_wait3A, %dma_wait3A_55] : memref<32x80x128xi32, #tpu.memory_space<hbm>> -> memref<1x80x128xi32, #tpu.memory_space<hbm>>
      %dma_wait3A_57 = tpu.memref_squeeze %dma_wait3A_56 : memref<1x80x128xi32, #tpu.memory_space<hbm>> -> memref<80x128xi32, #tpu.memory_space<hbm>>
      %dma_wait3A_58 = arith.constant 0 : i32
      %dma_wait3A_59 = arith.constant 0 : i32
      %dma_wait3A_60 = tpu.memref_slice %arg4[%add3A, %dma_wait3A_58, %dma_wait3A_59] : memref<32x80x128xi32, #tpu.memory_space<hbm>> -> memref<1x80x128xi32, #tpu.memory_space<hbm>>
      %dma_wait3A_61 = tpu.memref_squeeze %dma_wait3A_60 : memref<1x80x128xi32, #tpu.memory_space<hbm>> -> memref<80x128xi32, #tpu.memory_space<hbm>>
      tpu.wait_dma2 semaphore(%run_scoped3A : memref<!tpu.dma_semaphore, #tpu.memory_space<semaphore_mem>>) src(%dma_wait3A_61 : memref<80x128xi32, #tpu.memory_space<hbm>>) dst(%arg7 : memref<80x128xi32, #tpu.memory_space<vmem>>)
      tpu.yield
    }) : () -> ()
    %barrier3A = arith.constant 0 : index
    tpu.barrier barrier_id(%barrier3A)
    %dma_start3A = arith.constant 0 : i32
    %dma_start3A_10 = arith.constant 0 : i32
    %dma_start3A_11 = tpu.memref_slice %arg6[%dma_start3A, %dma_start3A_10] : memref<80x128xi32, #tpu.memory_space<vmem>> -> memref<1x128xi32, #tpu.memory_space<vmem>>
    %dma_start3A_12 = tpu.memref_squeeze %dma_start3A_11 : memref<1x128xi32, #tpu.memory_space<vmem>> -> memref<128xi32, #tpu.memory_space<vmem>>
    %dma_start3A_13 = arith.constant 0 : i32
    %dma_start3A_14 = arith.constant 0 : i32
    %dma_start3A_15 = tpu.memref_slice %arg2[%dma_start3A_13, %dma_start3A_14] : memref<10000x64xf32, #tpu.memory_space<hbm>> -> memref<10000x64xf32, #tpu.memory_space<hbm>>
    tpu.enqueue_indirect_dma source(%dma_start3A_15 : memref<10000x64xf32, #tpu.memory_space<hbm>>) target(%arg8 : memref<128x64xf32, #tpu.memory_space<vmem>>) offsets(%dma_start3A_12 : memref<128xi32, #tpu.memory_space<vmem>>) semaphore(%arg17 : memref<!tpu.dma_semaphore, #tpu.memory_space<semaphore_mem>>)
    %dma_start3A_16 = arith.constant 1 : i32
    %dma_start3A_17 = arith.constant 0 : i32
    %dma_start3A_18 = tpu.memref_slice %arg6[%dma_start3A_16, %dma_start3A_17] : memref<80x128xi32, #tpu.memory_space<vmem>> -> memref<1x128xi32, #tpu.memory_space<vmem>>
    %dma_start3A_19 = tpu.memref_squeeze %dma_start3A_18 : memref<1x128xi32, #tpu.memory_space<vmem>> -> memref<128xi32, #tpu.memory_space<vmem>>
    %dma_start3A_20 = arith.constant 0 : i32
    %dma_start3A_21 = arith.constant 0 : i32
    %dma_start3A_22 = tpu.memref_slice %arg2[%dma_start3A_20, %dma_start3A_21] : memref<10000x64xf32, #tpu.memory_space<hbm>> -> memref<10000x64xf32, #tpu.memory_space<hbm>>
    tpu.enqueue_indirect_dma source(%dma_start3A_22 : memref<10000x64xf32, #tpu.memory_space<hbm>>) target(%arg9 : memref<128x64xf32, #tpu.memory_space<vmem>>) offsets(%dma_start3A_19 : memref<128xi32, #tpu.memory_space<vmem>>) semaphore(%arg18 : memref<!tpu.dma_semaphore, #tpu.memory_space<semaphore_mem>>)
    %dma_start3A_23 = arith.constant 2 : i32
    %dma_start3A_24 = arith.constant 0 : i32
    %dma_start3A_25 = tpu.memref_slice %arg6[%dma_start3A_23, %dma_start3A_24] : memref<80x128xi32, #tpu.memory_space<vmem>> -> memref<1x128xi32, #tpu.memory_space<vmem>>
    %dma_start3A_26 = tpu.memref_squeeze %dma_start3A_25 : memref<1x128xi32, #tpu.memory_space<vmem>> -> memref<128xi32, #tpu.memory_space<vmem>>
    %dma_start3A_27 = arith.constant 0 : i32
    %dma_start3A_28 = arith.constant 0 : i32
    %dma_start3A_29 = tpu.memref_slice %arg2[%dma_start3A_27, %dma_start3A_28] : memref<10000x64xf32, #tpu.memory_space<hbm>> -> memref<10000x64xf32, #tpu.memory_space<hbm>>
    tpu.enqueue_indirect_dma source(%dma_start3A_29 : memref<10000x64xf32, #tpu.memory_space<hbm>>) target(%arg10 : memref<128x64xf32, #tpu.memory_space<vmem>>) offsets(%dma_start3A_26 : memref<128xi32, #tpu.memory_space<vmem>>) semaphore(%arg19 : memref<!tpu.dma_semaphore, #tpu.memory_space<semaphore_mem>>)
    %dma_start3A_30 = arith.constant 3 : i32
    %dma_start3A_31 = arith.constant 0 : i32
    %dma_start3A_32 = tpu.memref_slice %arg6[%dma_start3A_30, %dma_start3A_31] : memref<80x128xi32, #tpu.memory_space<vmem>> -> memref<1x128xi32, #tpu.memory_space<vmem>>
    %dma_start3A_33 = tpu.memref_squeeze %dma_start3A_32 : memref<1x128xi32, #tpu.memory_space<vmem>> -> memref<128xi32, #tpu.memory_space<vmem>>
    %dma_start3A_34 = arith.constant 0 : i32
    %dma_start3A_35 = arith.constant 0 : i32
    %dma_start3A_36 = tpu.memref_slice %arg2[%dma_start3A_34, %dma_start3A_35] : memref<10000x64xf32, #tpu.memory_space<hbm>> -> memref<10000x64xf32, #tpu.memory_space<hbm>>
    tpu.enqueue_indirect_dma source(%dma_start3A_36 : memref<10000x64xf32, #tpu.memory_space<hbm>>) target(%arg11 : memref<128x64xf32, #tpu.memory_space<vmem>>) offsets(%dma_start3A_33 : memref<128xi32, #tpu.memory_space<vmem>>) semaphore(%arg20 : memref<!tpu.dma_semaphore, #tpu.memory_space<semaphore_mem>>)
    %scan3A_37 = arith.constant 0 : i32
    %scan3A_38 = arith.constant 10 : i32
    %scan3A_39 = arith.addi %scan3A_37, %scan3A_38 : i32
    %scan3A_40 = arith.constant 1 : i32
    scf.for %scan3A_47 = %scan3A_37 to %scan3A_39 step %scan3A_40  : i32 {
      %mul3A_48 = arith.constant 8 : i32
      %mul3A_49 = arith.muli %scan3A_47, %mul3A_48 : i32
      %add3A_50 = arith.constant 0 : i32
      %add3A_51 = arith.addi %add3A_50, %mul3A_49 : i32
      %add3A_52 = arith.constant 4 : i32
      %add3A_53 = arith.addi %add3A_51, %add3A_52 : i32
      %add3A_54 = arith.constant 0 : i32
      %add3A_55 = arith.addi %add3A_53, %add3A_54 : i32
      %dma_start3A_56 = arith.constant 0 : i32
      %dma_start3A_57 = tpu.memref_slice %arg6[%add3A_55, %dma_start3A_56] : memref<80x128xi32, #tpu.memory_space<vmem>> -> memref<1x128xi32, #tpu.memory_space<vmem>>
      %dma_start3A_58 = tpu.memref_squeeze %dma_start3A_57 : memref<1x128xi32, #tpu.memory_space<vmem>> -> memref<128xi32, #tpu.memory_space<vmem>>
      %dma_start3A_59 = arith.constant 0 : i32
      %dma_start3A_60 = arith.constant 0 : i32
      %dma_start3A_61 = tpu.memref_slice %arg2[%dma_start3A_59, %dma_start3A_60] : memref<10000x64xf32, #tpu.memory_space<hbm>> -> memref<10000x64xf32, #tpu.memory_space<hbm>>
      tpu.enqueue_indirect_dma source(%dma_start3A_61 : memref<10000x64xf32, #tpu.memory_space<hbm>>) target(%arg12 : memref<128x64xf32, #tpu.memory_space<vmem>>) offsets(%dma_start3A_58 : memref<128xi32, #tpu.memory_space<vmem>>) semaphore(%arg21 : memref<!tpu.dma_semaphore, #tpu.memory_space<semaphore_mem>>)
      %add3A_62 = arith.constant 4 : i32
      %add3A_63 = arith.addi %add3A_51, %add3A_62 : i32
      %add3A_64 = arith.constant 1 : i32
      %add3A_65 = arith.addi %add3A_63, %add3A_64 : i32
      %dma_start3A_66 = arith.constant 0 : i32
      %dma_start3A_67 = tpu.memref_slice %arg6[%add3A_65, %dma_start3A_66] : memref<80x128xi32, #tpu.memory_space<vmem>> -> memref<1x128xi32, #tpu.memory_space<vmem>>
      %dma_start3A_68 = tpu.memref_squeeze %dma_start3A_67 : memref<1x128xi32, #tpu.memory_space<vmem>> -> memref<128xi32, #tpu.memory_space<vmem>>
      %dma_start3A_69 = arith.constant 0 : i32
      %dma_start3A_70 = arith.constant 0 : i32
      %dma_start3A_71 = tpu.memref_slice %arg2[%dma_start3A_69, %dma_start3A_70] : memref<10000x64xf32, #tpu.memory_space<hbm>> -> memref<10000x64xf32, #tpu.memory_space<hbm>>
      tpu.enqueue_indirect_dma source(%dma_start3A_71 : memref<10000x64xf32, #tpu.memory_space<hbm>>) target(%arg13 : memref<128x64xf32, #tpu.memory_space<vmem>>) offsets(%dma_start3A_68 : memref<128xi32, #tpu.memory_space<vmem>>) semaphore(%arg22 : memref<!tpu.dma_semaphore, #tpu.memory_space<semaphore_mem>>)
      %add3A_72 = arith.constant 4 : i32
      %add3A_73 = arith.addi %add3A_51, %add3A_72 : i32
      %add3A_74 = arith.constant 2 : i32
      %add3A_75 = arith.addi %add3A_73, %add3A_74 : i32
      %dma_start3A_76 = arith.constant 0 : i32
      %dma_start3A_77 = tpu.memref_slice %arg6[%add3A_75, %dma_start3A_76] : memref<80x128xi32, #tpu.memory_space<vmem>> -> memref<1x128xi32, #tpu.memory_space<vmem>>
      %dma_start3A_78 = tpu.memref_squeeze %dma_start3A_77 : memref<1x128xi32, #tpu.memory_space<vmem>> -> memref<128xi32, #tpu.memory_space<vmem>>
      %dma_start3A_79 = arith.constant 0 : i32
      %dma_start3A_80 = arith.constant 0 : i32
      %dma_start3A_81 = tpu.memref_slice %arg2[%dma_start3A_79, %dma_start3A_80] : memref<10000x64xf32, #tpu.memory_space<hbm>> -> memref<10000x64xf32, #tpu.memory_space<hbm>>
      tpu.enqueue_indirect_dma source(%dma_start3A_81 : memref<10000x64xf32, #tpu.memory_space<hbm>>) target(%arg14 : memref<128x64xf32, #tpu.memory_space<vmem>>) offsets(%dma_start3A_78 : memref<128xi32, #tpu.memory_space<vmem>>) semaphore(%arg23 : memref<!tpu.dma_semaphore, #tpu.memory_space<semaphore_mem>>)
      %add3A_82 = arith.constant 4 : i32
      %add3A_83 = arith.addi %add3A_51, %add3A_82 : i32
      %add3A_84 = arith.constant 3 : i32
      %add3A_85 = arith.addi %add3A_83, %add3A_84 : i32
      %dma_start3A_86 = arith.constant 0 : i32
      %dma_start3A_87 = tpu.memref_slice %arg6[%add3A_85, %dma_start3A_86] : memref<80x128xi32, #tpu.memory_space<vmem>> -> memref<1x128xi32, #tpu.memory_space<vmem>>
      %dma_start3A_88 = tpu.memref_squeeze %dma_start3A_87 : memref<1x128xi32, #tpu.memory_space<vmem>> -> memref<128xi32, #tpu.memory_space<vmem>>
      %dma_start3A_89 = arith.constant 0 : i32
      %dma_start3A_90 = arith.constant 0 : i32
      %dma_start3A_91 = tpu.memref_slice %arg2[%dma_start3A_89, %dma_start3A_90] : memref<10000x64xf32, #tpu.memory_space<hbm>> -> memref<10000x64xf32, #tpu.memory_space<hbm>>
      tpu.enqueue_indirect_dma source(%dma_start3A_91 : memref<10000x64xf32, #tpu.memory_space<hbm>>) target(%arg15 : memref<128x64xf32, #tpu.memory_space<vmem>>) offsets(%dma_start3A_88 : memref<128xi32, #tpu.memory_space<vmem>>) semaphore(%arg24 : memref<!tpu.dma_semaphore, #tpu.memory_space<semaphore_mem>>)
      %dma_wait3A = arith.constant 0 : i32
      %dma_wait3A_92 = arith.constant 0 : i32
      %dma_wait3A_93 = tpu.memref_slice %arg2[%dma_wait3A, %dma_wait3A_92] : memref<10000x64xf32, #tpu.memory_space<hbm>> -> memref<128x64xf32, #tpu.memory_space<hbm>>
      %dma_wait3A_94 = arith.constant 0 : i32
      %dma_wait3A_95 = arith.constant 0 : i32
      %dma_wait3A_96 = tpu.memref_slice %arg2[%dma_wait3A_94, %dma_wait3A_95] : memref<10000x64xf32, #tpu.memory_space<hbm>> -> memref<128x64xf32, #tpu.memory_space<hbm>>
      tpu.wait_dma2 semaphore(%arg17 : memref<!tpu.dma_semaphore, #tpu.memory_space<semaphore_mem>>) src(%dma_wait3A_96 : memref<128x64xf32, #tpu.memory_space<hbm>>) dst(%arg8 : memref<128x64xf32, #tpu.memory_space<vmem>>)
      %add3A_97 = arith.constant 0 : i32
      %add3A_98 = arith.addi %add3A_51, %add3A_97 : i32
      %dma_start3A_99 = arith.constant 0 : i32
      %dma_start3A_100 = tpu.memref_slice %arg7[%add3A_98, %dma_start3A_99] : memref<80x128xi32, #tpu.memory_space<vmem>> -> memref<1x128xi32, #tpu.memory_space<vmem>>
      %dma_start3A_101 = tpu.memref_squeeze %dma_start3A_100 : memref<1x128xi32, #tpu.memory_space<vmem>> -> memref<128xi32, #tpu.memory_space<vmem>>
      %dma_start3A_102 = arith.constant 0 : i32
      %dma_start3A_103 = arith.constant 0 : i32
      %dma_start3A_104 = tpu.memref_slice %arg16[%dma_start3A_102, %dma_start3A_103] : memref<10240x64xf32, #tpu.memory_space<vmem_shared>> -> memref<10240x64xf32, #tpu.memory_space<vmem_shared>>
      tpu.enqueue_indirect_dma source(%arg8 : memref<128x64xf32, #tpu.memory_space<vmem>>) target(%dma_start3A_104 : memref<10240x64xf32, #tpu.memory_space<vmem_shared>>) offsets(%dma_start3A_101 : memref<128xi32, #tpu.memory_space<vmem>>) semaphore(%arg25 : memref<!tpu.dma_semaphore, #tpu.memory_space<semaphore_mem>>) {add = true}
      %dma_wait3A_105 = arith.constant 0 : i32
      %dma_wait3A_106 = arith.constant 0 : i32
      %dma_wait3A_107 = tpu.memref_slice %arg2[%dma_wait3A_105, %dma_wait3A_106] : memref<10000x64xf32, #tpu.memory_space<hbm>> -> memref<128x64xf32, #tpu.memory_space<hbm>>
      %dma_wait3A_108 = arith.constant 0 : i32
      %dma_wait3A_109 = arith.constant 0 : i32
      %dma_wait3A_110 = tpu.memref_slice %arg2[%dma_wait3A_108, %dma_wait3A_109] : memref<10000x64xf32, #tpu.memory_space<hbm>> -> memref<128x64xf32, #tpu.memory_space<hbm>>
      tpu.wait_dma2 semaphore(%arg18 : memref<!tpu.dma_semaphore, #tpu.memory_space<semaphore_mem>>) src(%dma_wait3A_110 : memref<128x64xf32, #tpu.memory_space<hbm>>) dst(%arg9 : memref<128x64xf32, #tpu.memory_space<vmem>>)
      %add3A_111 = arith.constant 1 : i32
      %add3A_112 = arith.addi %add3A_51, %add3A_111 : i32
      %dma_start3A_113 = arith.constant 0 : i32
      %dma_start3A_114 = tpu.memref_slice %arg7[%add3A_112, %dma_start3A_113] : memref<80x128xi32, #tpu.memory_space<vmem>> -> memref<1x128xi32, #tpu.memory_space<vmem>>
      %dma_start3A_115 = tpu.memref_squeeze %dma_start3A_114 : memref<1x128xi32, #tpu.memory_space<vmem>> -> memref<128xi32, #tpu.memory_space<vmem>>
      %dma_start3A_116 = arith.constant 0 : i32
      %dma_start3A_117 = arith.constant 0 : i32
      %dma_start3A_118 = tpu.memref_slice %arg16[%dma_start3A_116, %dma_start3A_117] : memref<10240x64xf32, #tpu.memory_space<vmem_shared>> -> memref<10240x64xf32, #tpu.memory_space<vmem_shared>>
      tpu.enqueue_indirect_dma source(%arg9 : memref<128x64xf32, #tpu.memory_space<vmem>>) target(%dma_start3A_118 : memref<10240x64xf32, #tpu.memory_space<vmem_shared>>) offsets(%dma_start3A_115 : memref<128xi32, #tpu.memory_space<vmem>>) semaphore(%arg26 : memref<!tpu.dma_semaphore, #tpu.memory_space<semaphore_mem>>) {add = true}
      %dma_wait3A_119 = arith.constant 0 : i32
      %dma_wait3A_120 = arith.constant 0 : i32
      %dma_wait3A_121 = tpu.memref_slice %arg2[%dma_wait3A_119, %dma_wait3A_120] : memref<10000x64xf32, #tpu.memory_space<hbm>> -> memref<128x64xf32, #tpu.memory_space<hbm>>
      %dma_wait3A_122 = arith.constant 0 : i32
      %dma_wait3A_123 = arith.constant 0 : i32
      %dma_wait3A_124 = tpu.memref_slice %arg2[%dma_wait3A_122, %dma_wait3A_123] : memref<10000x64xf32, #tpu.memory_space<hbm>> -> memref<128x64xf32, #tpu.memory_space<hbm>>
      tpu.wait_dma2 semaphore(%arg19 : memref<!tpu.dma_semaphore, #tpu.memory_space<semaphore_mem>>) src(%dma_wait3A_124 : memref<128x64xf32, #tpu.memory_space<hbm>>) dst(%arg10 : memref<128x64xf32, #tpu.memory_space<vmem>>)
      %add3A_125 = arith.constant 2 : i32
      %add3A_126 = arith.addi %add3A_51, %add3A_125 : i32
      %dma_start3A_127 = arith.constant 0 : i32
      %dma_start3A_128 = tpu.memref_slice %arg7[%add3A_126, %dma_start3A_127] : memref<80x128xi32, #tpu.memory_space<vmem>> -> memref<1x128xi32, #tpu.memory_space<vmem>>
      %dma_start3A_129 = tpu.memref_squeeze %dma_start3A_128 : memref<1x128xi32, #tpu.memory_space<vmem>> -> memref<128xi32, #tpu.memory_space<vmem>>
      %dma_start3A_130 = arith.constant 0 : i32
      %dma_start3A_131 = arith.constant 0 : i32
      %dma_start3A_132 = tpu.memref_slice %arg16[%dma_start3A_130, %dma_start3A_131] : memref<10240x64xf32, #tpu.memory_space<vmem_shared>> -> memref<10240x64xf32, #tpu.memory_space<vmem_shared>>
      tpu.enqueue_indirect_dma source(%arg10 : memref<128x64xf32, #tpu.memory_space<vmem>>) target(%dma_start3A_132 : memref<10240x64xf32, #tpu.memory_space<vmem_shared>>) offsets(%dma_start3A_129 : memref<128xi32, #tpu.memory_space<vmem>>) semaphore(%arg27 : memref<!tpu.dma_semaphore, #tpu.memory_space<semaphore_mem>>) {add = true}
      %dma_wait3A_133 = arith.constant 0 : i32
      %dma_wait3A_134 = arith.constant 0 : i32
      %dma_wait3A_135 = tpu.memref_slice %arg2[%dma_wait3A_133, %dma_wait3A_134] : memref<10000x64xf32, #tpu.memory_space<hbm>> -> memref<128x64xf32, #tpu.memory_space<hbm>>
      %dma_wait3A_136 = arith.constant 0 : i32
      %dma_wait3A_137 = arith.constant 0 : i32
      %dma_wait3A_138 = tpu.memref_slice %arg2[%dma_wait3A_136, %dma_wait3A_137] : memref<10000x64xf32, #tpu.memory_space<hbm>> -> memref<128x64xf32, #tpu.memory_space<hbm>>
      tpu.wait_dma2 semaphore(%arg20 : memref<!tpu.dma_semaphore, #tpu.memory_space<semaphore_mem>>) src(%dma_wait3A_138 : memref<128x64xf32, #tpu.memory_space<hbm>>) dst(%arg11 : memref<128x64xf32, #tpu.memory_space<vmem>>)
      %add3A_139 = arith.constant 3 : i32
      %add3A_140 = arith.addi %add3A_51, %add3A_139 : i32
      %dma_start3A_141 = arith.constant 0 : i32
      %dma_start3A_142 = tpu.memref_slice %arg7[%add3A_140, %dma_start3A_141] : memref<80x128xi32, #tpu.memory_space<vmem>> -> memref<1x128xi32, #tpu.memory_space<vmem>>
      %dma_start3A_143 = tpu.memref_squeeze %dma_start3A_142 : memref<1x128xi32, #tpu.memory_space<vmem>> -> memref<128xi32, #tpu.memory_space<vmem>>
      %dma_start3A_144 = arith.constant 0 : i32
      %dma_start3A_145 = arith.constant 0 : i32
      %dma_start3A_146 = tpu.memref_slice %arg16[%dma_start3A_144, %dma_start3A_145] : memref<10240x64xf32, #tpu.memory_space<vmem_shared>> -> memref<10240x64xf32, #tpu.memory_space<vmem_shared>>
      tpu.enqueue_indirect_dma source(%arg11 : memref<128x64xf32, #tpu.memory_space<vmem>>) target(%dma_start3A_146 : memref<10240x64xf32, #tpu.memory_space<vmem_shared>>) offsets(%dma_start3A_143 : memref<128xi32, #tpu.memory_space<vmem>>) semaphore(%arg28 : memref<!tpu.dma_semaphore, #tpu.memory_space<semaphore_mem>>) {add = true}
      %dma_wait3A_147 = arith.constant 0 : i32
      %dma_wait3A_148 = tpu.memref_slice %arg7[%add3A_98, %dma_wait3A_147] : memref<80x128xi32, #tpu.memory_space<vmem>> -> memref<1x128xi32, #tpu.memory_space<vmem>>
      %dma_wait3A_149 = tpu.memref_squeeze %dma_wait3A_148 : memref<1x128xi32, #tpu.memory_space<vmem>> -> memref<128xi32, #tpu.memory_space<vmem>>
      %dma_wait3A_150 = arith.constant 0 : i32
      %dma_wait3A_151 = arith.constant 0 : i32
      %dma_wait3A_152 = tpu.memref_slice %arg16[%dma_wait3A_150, %dma_wait3A_151] : memref<10240x64xf32, #tpu.memory_space<vmem_shared>> -> memref<10240x64xf32, #tpu.memory_space<vmem_shared>>
      tpu.wait_indirect_dma semaphore(%arg25 : memref<!tpu.dma_semaphore, #tpu.memory_space<semaphore_mem>>) src(%arg8 : memref<128x64xf32, #tpu.memory_space<vmem>>) dst(%dma_wait3A_152 : memref<10240x64xf32, #tpu.memory_space<vmem_shared>>)
      %add3A_153 = arith.constant 8 : i32
      %add3A_154 = arith.addi %add3A_51, %add3A_153 : i32
      %add3A_155 = arith.constant 0 : i32
      %add3A_156 = arith.addi %add3A_154, %add3A_155 : i32
      %lt3A = arith.constant 80 : i32
      %lt3A_157 = arith.cmpi slt, %add3A_156, %lt3A : i32
      %convert_element_type3A = arith.extui %lt3A_157 : i1 to i32
      %cond3A = arith.constant 0 : i32
      %cond3A_158 = arith.cmpi ne, %convert_element_type3A, %cond3A : i32
      scf.if %cond3A_158 {
        %add3A_292 = arith.constant 8 : i32
        %add3A_293 = arith.addi %add3A_51, %add3A_292 : i32
        %add3A_294 = arith.constant 0 : i32
        %add3A_295 = arith.addi %add3A_293, %add3A_294 : i32
        %dma_start3A_296 = arith.constant 0 : i32
        %dma_start3A_297 = tpu.memref_slice %arg6[%add3A_295, %dma_start3A_296] : memref<80x128xi32, #tpu.memory_space<vmem>> -> memref<1x128xi32, #tpu.memory_space<vmem>>
        %dma_start3A_298 = tpu.memref_squeeze %dma_start3A_297 : memref<1x128xi32, #tpu.memory_space<vmem>> -> memref<128xi32, #tpu.memory_space<vmem>>
        %dma_start3A_299 = arith.constant 0 : i32
        %dma_start3A_300 = arith.constant 0 : i32
        %dma_start3A_301 = tpu.memref_slice %arg2[%dma_start3A_299, %dma_start3A_300] : memref<10000x64xf32, #tpu.memory_space<hbm>> -> memref<10000x64xf32, #tpu.memory_space<hbm>>
        tpu.enqueue_indirect_dma source(%dma_start3A_301 : memref<10000x64xf32, #tpu.memory_space<hbm>>) target(%arg8 : memref<128x64xf32, #tpu.memory_space<vmem>>) offsets(%dma_start3A_298 : memref<128xi32, #tpu.memory_space<vmem>>) semaphore(%arg17 : memref<!tpu.dma_semaphore, #tpu.memory_space<semaphore_mem>>)
      } else {
      }
      %dma_wait3A_159 = arith.constant 0 : i32
      %dma_wait3A_160 = tpu.memref_slice %arg7[%add3A_112, %dma_wait3A_159] : memref<80x128xi32, #tpu.memory_space<vmem>> -> memref<1x128xi32, #tpu.memory_space<vmem>>
      %dma_wait3A_161 = tpu.memref_squeeze %dma_wait3A_160 : memref<1x128xi32, #tpu.memory_space<vmem>> -> memref<128xi32, #tpu.memory_space<vmem>>
      %dma_wait3A_162 = arith.constant 0 : i32
      %dma_wait3A_163 = arith.constant 0 : i32
      %dma_wait3A_164 = tpu.memref_slice %arg16[%dma_wait3A_162, %dma_wait3A_163] : memref<10240x64xf32, #tpu.memory_space<vmem_shared>> -> memref<10240x64xf32, #tpu.memory_space<vmem_shared>>
      tpu.wait_indirect_dma semaphore(%arg26 : memref<!tpu.dma_semaphore, #tpu.memory_space<semaphore_mem>>) src(%arg9 : memref<128x64xf32, #tpu.memory_space<vmem>>) dst(%dma_wait3A_164 : memref<10240x64xf32, #tpu.memory_space<vmem_shared>>)
      %add3A_165 = arith.constant 8 : i32
      %add3A_166 = arith.addi %add3A_51, %add3A_165 : i32
      %add3A_167 = arith.constant 1 : i32
      %add3A_168 = arith.addi %add3A_166, %add3A_167 : i32
      %lt3A_169 = arith.constant 80 : i32
      %lt3A_170 = arith.cmpi slt, %add3A_168, %lt3A_169 : i32
      %convert_element_type3A_171 = arith.extui %lt3A_170 : i1 to i32
      %cond3A_172 = arith.constant 0 : i32
      %cond3A_173 = arith.cmpi ne, %convert_element_type3A_171, %cond3A_172 : i32
      scf.if %cond3A_173 {
        %add3A_292 = arith.constant 8 : i32
        %add3A_293 = arith.addi %add3A_51, %add3A_292 : i32
        %add3A_294 = arith.constant 1 : i32
        %add3A_295 = arith.addi %add3A_293, %add3A_294 : i32
        %dma_start3A_296 = arith.constant 0 : i32
        %dma_start3A_297 = tpu.memref_slice %arg6[%add3A_295, %dma_start3A_296] : memref<80x128xi32, #tpu.memory_space<vmem>> -> memref<1x128xi32, #tpu.memory_space<vmem>>
        %dma_start3A_298 = tpu.memref_squeeze %dma_start3A_297 : memref<1x128xi32, #tpu.memory_space<vmem>> -> memref<128xi32, #tpu.memory_space<vmem>>
        %dma_start3A_299 = arith.constant 0 : i32
        %dma_start3A_300 = arith.constant 0 : i32
        %dma_start3A_301 = tpu.memref_slice %arg2[%dma_start3A_299, %dma_start3A_300] : memref<10000x64xf32, #tpu.memory_space<hbm>> -> memref<10000x64xf32, #tpu.memory_space<hbm>>
        tpu.enqueue_indirect_dma source(%dma_start3A_301 : memref<10000x64xf32, #tpu.memory_space<hbm>>) target(%arg9 : memref<128x64xf32, #tpu.memory_space<vmem>>) offsets(%dma_start3A_298 : memref<128xi32, #tpu.memory_space<vmem>>) semaphore(%arg18 : memref<!tpu.dma_semaphore, #tpu.memory_space<semaphore_mem>>)
      } else {
      }
      %dma_wait3A_174 = arith.constant 0 : i32
      %dma_wait3A_175 = tpu.memref_slice %arg7[%add3A_126, %dma_wait3A_174] : memref<80x128xi32, #tpu.memory_space<vmem>> -> memref<1x128xi32, #tpu.memory_space<vmem>>
      %dma_wait3A_176 = tpu.memref_squeeze %dma_wait3A_175 : memref<1x128xi32, #tpu.memory_space<vmem>> -> memref<128xi32, #tpu.memory_space<vmem>>
      %dma_wait3A_177 = arith.constant 0 : i32
      %dma_wait3A_178 = arith.constant 0 : i32
      %dma_wait3A_179 = tpu.memref_slice %arg16[%dma_wait3A_177, %dma_wait3A_178] : memref<10240x64xf32, #tpu.memory_space<vmem_shared>> -> memref<10240x64xf32, #tpu.memory_space<vmem_shared>>
      tpu.wait_indirect_dma semaphore(%arg27 : memref<!tpu.dma_semaphore, #tpu.memory_space<semaphore_mem>>) src(%arg10 : memref<128x64xf32, #tpu.memory_space<vmem>>) dst(%dma_wait3A_179 : memref<10240x64xf32, #tpu.memory_space<vmem_shared>>)
      %add3A_180 = arith.constant 8 : i32
      %add3A_181 = arith.addi %add3A_51, %add3A_180 : i32
      %add3A_182 = arith.constant 2 : i32
      %add3A_183 = arith.addi %add3A_181, %add3A_182 : i32
      %lt3A_184 = arith.constant 80 : i32
      %lt3A_185 = arith.cmpi slt, %add3A_183, %lt3A_184 : i32
      %convert_element_type3A_186 = arith.extui %lt3A_185 : i1 to i32
      %cond3A_187 = arith.constant 0 : i32
      %cond3A_188 = arith.cmpi ne, %convert_element_type3A_186, %cond3A_187 : i32
      scf.if %cond3A_188 {
        %add3A_292 = arith.constant 8 : i32
        %add3A_293 = arith.addi %add3A_51, %add3A_292 : i32
        %add3A_294 = arith.constant 2 : i32
        %add3A_295 = arith.addi %add3A_293, %add3A_294 : i32
        %dma_start3A_296 = arith.constant 0 : i32
        %dma_start3A_297 = tpu.memref_slice %arg6[%add3A_295, %dma_start3A_296] : memref<80x128xi32, #tpu.memory_space<vmem>> -> memref<1x128xi32, #tpu.memory_space<vmem>>
        %dma_start3A_298 = tpu.memref_squeeze %dma_start3A_297 : memref<1x128xi32, #tpu.memory_space<vmem>> -> memref<128xi32, #tpu.memory_space<vmem>>
        %dma_start3A_299 = arith.constant 0 : i32
        %dma_start3A_300 = arith.constant 0 : i32
        %dma_start3A_301 = tpu.memref_slice %arg2[%dma_start3A_299, %dma_start3A_300] : memref<10000x64xf32, #tpu.memory_space<hbm>> -> memref<10000x64xf32, #tpu.memory_space<hbm>>
        tpu.enqueue_indirect_dma source(%dma_start3A_301 : memref<10000x64xf32, #tpu.memory_space<hbm>>) target(%arg10 : memref<128x64xf32, #tpu.memory_space<vmem>>) offsets(%dma_start3A_298 : memref<128xi32, #tpu.memory_space<vmem>>) semaphore(%arg19 : memref<!tpu.dma_semaphore, #tpu.memory_space<semaphore_mem>>)
      } else {
      }
      %dma_wait3A_189 = arith.constant 0 : i32
      %dma_wait3A_190 = tpu.memref_slice %arg7[%add3A_140, %dma_wait3A_189] : memref<80x128xi32, #tpu.memory_space<vmem>> -> memref<1x128xi32, #tpu.memory_space<vmem>>
      %dma_wait3A_191 = tpu.memref_squeeze %dma_wait3A_190 : memref<1x128xi32, #tpu.memory_space<vmem>> -> memref<128xi32, #tpu.memory_space<vmem>>
      %dma_wait3A_192 = arith.constant 0 : i32
      %dma_wait3A_193 = arith.constant 0 : i32
      %dma_wait3A_194 = tpu.memref_slice %arg16[%dma_wait3A_192, %dma_wait3A_193] : memref<10240x64xf32, #tpu.memory_space<vmem_shared>> -> memref<10240x64xf32, #tpu.memory_space<vmem_shared>>
      tpu.wait_indirect_dma semaphore(%arg28 : memref<!tpu.dma_semaphore, #tpu.memory_space<semaphore_mem>>) src(%arg11 : memref<128x64xf32, #tpu.memory_space<vmem>>) dst(%dma_wait3A_194 : memref<10240x64xf32, #tpu.memory_space<vmem_shared>>)
      %add3A_195 = arith.constant 8 : i32
      %add3A_196 = arith.addi %add3A_51, %add3A_195 : i32
      %add3A_197 = arith.constant 3 : i32
      %add3A_198 = arith.addi %add3A_196, %add3A_197 : i32
      %lt3A_199 = arith.constant 80 : i32
      %lt3A_200 = arith.cmpi slt, %add3A_198, %lt3A_199 : i32
      %convert_element_type3A_201 = arith.extui %lt3A_200 : i1 to i32
      %cond3A_202 = arith.constant 0 : i32
      %cond3A_203 = arith.cmpi ne, %convert_element_type3A_201, %cond3A_202 : i32
      scf.if %cond3A_203 {
        %add3A_292 = arith.constant 8 : i32
        %add3A_293 = arith.addi %add3A_51, %add3A_292 : i32
        %add3A_294 = arith.constant 3 : i32
        %add3A_295 = arith.addi %add3A_293, %add3A_294 : i32
        %dma_start3A_296 = arith.constant 0 : i32
        %dma_start3A_297 = tpu.memref_slice %arg6[%add3A_295, %dma_start3A_296] : memref<80x128xi32, #tpu.memory_space<vmem>> -> memref<1x128xi32, #tpu.memory_space<vmem>>
        %dma_start3A_298 = tpu.memref_squeeze %dma_start3A_297 : memref<1x128xi32, #tpu.memory_space<vmem>> -> memref<128xi32, #tpu.memory_space<vmem>>
        %dma_start3A_299 = arith.constant 0 : i32
        %dma_start3A_300 = arith.constant 0 : i32
        %dma_start3A_301 = tpu.memref_slice %arg2[%dma_start3A_299, %dma_start3A_300] : memref<10000x64xf32, #tpu.memory_space<hbm>> -> memref<10000x64xf32, #tpu.memory_space<hbm>>
        tpu.enqueue_indirect_dma source(%dma_start3A_301 : memref<10000x64xf32, #tpu.memory_space<hbm>>) target(%arg11 : memref<128x64xf32, #tpu.memory_space<vmem>>) offsets(%dma_start3A_298 : memref<128xi32, #tpu.memory_space<vmem>>) semaphore(%arg20 : memref<!tpu.dma_semaphore, #tpu.memory_space<semaphore_mem>>)
      } else {
      }
      %dma_wait3A_204 = arith.constant 0 : i32
      %dma_wait3A_205 = tpu.memref_slice %arg6[%add3A_55, %dma_wait3A_204] : memref<80x128xi32, #tpu.memory_space<vmem>> -> memref<1x128xi32, #tpu.memory_space<vmem>>
      %dma_wait3A_206 = tpu.memref_squeeze %dma_wait3A_205 : memref<1x128xi32, #tpu.memory_space<vmem>> -> memref<128xi32, #tpu.memory_space<vmem>>
      %dma_wait3A_207 = arith.constant 0 : i32
      %dma_wait3A_208 = arith.constant 0 : i32
      %dma_wait3A_209 = tpu.memref_slice %arg2[%dma_wait3A_207, %dma_wait3A_208] : memref<10000x64xf32, #tpu.memory_space<hbm>> -> memref<10000x64xf32, #tpu.memory_space<hbm>>
      tpu.wait_indirect_dma semaphore(%arg21 : memref<!tpu.dma_semaphore, #tpu.memory_space<semaphore_mem>>) src(%dma_wait3A_209 : memref<10000x64xf32, #tpu.memory_space<hbm>>) dst(%arg12 : memref<128x64xf32, #tpu.memory_space<vmem>>)
      %add3A_210 = arith.constant 4 : i32
      %add3A_211 = arith.addi %add3A_51, %add3A_210 : i32
      %add3A_212 = arith.constant 0 : i32
      %add3A_213 = arith.addi %add3A_211, %add3A_212 : i32
      %dma_start3A_214 = arith.constant 0 : i32
      %dma_start3A_215 = tpu.memref_slice %arg7[%add3A_213, %dma_start3A_214] : memref<80x128xi32, #tpu.memory_space<vmem>> -> memref<1x128xi32, #tpu.memory_space<vmem>>
      %dma_start3A_216 = tpu.memref_squeeze %dma_start3A_215 : memref<1x128xi32, #tpu.memory_space<vmem>> -> memref<128xi32, #tpu.memory_space<vmem>>
      %dma_start3A_217 = arith.constant 0 : i32
      %dma_start3A_218 = arith.constant 0 : i32
      %dma_start3A_219 = tpu.memref_slice %arg16[%dma_start3A_217, %dma_start3A_218] : memref<10240x64xf32, #tpu.memory_space<vmem_shared>> -> memref<10240x64xf32, #tpu.memory_space<vmem_shared>>
      tpu.enqueue_indirect_dma source(%arg12 : memref<128x64xf32, #tpu.memory_space<vmem>>) target(%dma_start3A_219 : memref<10240x64xf32, #tpu.memory_space<vmem_shared>>) offsets(%dma_start3A_216 : memref<128xi32, #tpu.memory_space<vmem>>) semaphore(%arg29 : memref<!tpu.dma_semaphore, #tpu.memory_space<semaphore_mem>>) {add = true}
      %dma_wait3A_220 = arith.constant 0 : i32
      %dma_wait3A_221 = tpu.memref_slice %arg6[%add3A_65, %dma_wait3A_220] : memref<80x128xi32, #tpu.memory_space<vmem>> -> memref<1x128xi32, #tpu.memory_space<vmem>>
      %dma_wait3A_222 = tpu.memref_squeeze %dma_wait3A_221 : memref<1x128xi32, #tpu.memory_space<vmem>> -> memref<128xi32, #tpu.memory_space<vmem>>
      %dma_wait3A_223 = arith.constant 0 : i32
      %dma_wait3A_224 = arith.constant 0 : i32
      %dma_wait3A_225 = tpu.memref_slice %arg2[%dma_wait3A_223, %dma_wait3A_224] : memref<10000x64xf32, #tpu.memory_space<hbm>> -> memref<10000x64xf32, #tpu.memory_space<hbm>>
      tpu.wait_indirect_dma semaphore(%arg22 : memref<!tpu.dma_semaphore, #tpu.memory_space<semaphore_mem>>) src(%dma_wait3A_225 : memref<10000x64xf32, #tpu.memory_space<hbm>>) dst(%arg13 : memref<128x64xf32, #tpu.memory_space<vmem>>)
      %add3A_226 = arith.constant 4 : i32
      %add3A_227 = arith.addi %add3A_51, %add3A_226 : i32
      %add3A_228 = arith.constant 1 : i32
      %add3A_229 = arith.addi %add3A_227, %add3A_228 : i32
      %dma_start3A_230 = arith.constant 0 : i32
      %dma_start3A_231 = tpu.memref_slice %arg7[%add3A_229, %dma_start3A_230] : memref<80x128xi32, #tpu.memory_space<vmem>> -> memref<1x128xi32, #tpu.memory_space<vmem>>
      %dma_start3A_232 = tpu.memref_squeeze %dma_start3A_231 : memref<1x128xi32, #tpu.memory_space<vmem>> -> memref<128xi32, #tpu.memory_space<vmem>>
      %dma_start3A_233 = arith.constant 0 : i32
      %dma_start3A_234 = arith.constant 0 : i32
      %dma_start3A_235 = tpu.memref_slice %arg16[%dma_start3A_233, %dma_start3A_234] : memref<10240x64xf32, #tpu.memory_space<vmem_shared>> -> memref<10240x64xf32, #tpu.memory_space<vmem_shared>>
      tpu.enqueue_indirect_dma source(%arg13 : memref<128x64xf32, #tpu.memory_space<vmem>>) target(%dma_start3A_235 : memref<10240x64xf32, #tpu.memory_space<vmem_shared>>) offsets(%dma_start3A_232 : memref<128xi32, #tpu.memory_space<vmem>>) semaphore(%arg30 : memref<!tpu.dma_semaphore, #tpu.memory_space<semaphore_mem>>) {add = true}
      %dma_wait3A_236 = arith.constant 0 : i32
      %dma_wait3A_237 = tpu.memref_slice %arg6[%add3A_75, %dma_wait3A_236] : memref<80x128xi32, #tpu.memory_space<vmem>> -> memref<1x128xi32, #tpu.memory_space<vmem>>
      %dma_wait3A_238 = tpu.memref_squeeze %dma_wait3A_237 : memref<1x128xi32, #tpu.memory_space<vmem>> -> memref<128xi32, #tpu.memory_space<vmem>>
      %dma_wait3A_239 = arith.constant 0 : i32
      %dma_wait3A_240 = arith.constant 0 : i32
      %dma_wait3A_241 = tpu.memref_slice %arg2[%dma_wait3A_239, %dma_wait3A_240] : memref<10000x64xf32, #tpu.memory_space<hbm>> -> memref<10000x64xf32, #tpu.memory_space<hbm>>
      tpu.wait_indirect_dma semaphore(%arg23 : memref<!tpu.dma_semaphore, #tpu.memory_space<semaphore_mem>>) src(%dma_wait3A_241 : memref<10000x64xf32, #tpu.memory_space<hbm>>) dst(%arg14 : memref<128x64xf32, #tpu.memory_space<vmem>>)
      %add3A_242 = arith.constant 4 : i32
      %add3A_243 = arith.addi %add3A_51, %add3A_242 : i32
      %add3A_244 = arith.constant 2 : i32
      %add3A_245 = arith.addi %add3A_243, %add3A_244 : i32
      %dma_start3A_246 = arith.constant 0 : i32
      %dma_start3A_247 = tpu.memref_slice %arg7[%add3A_245, %dma_start3A_246] : memref<80x128xi32, #tpu.memory_space<vmem>> -> memref<1x128xi32, #tpu.memory_space<vmem>>
      %dma_start3A_248 = tpu.memref_squeeze %dma_start3A_247 : memref<1x128xi32, #tpu.memory_space<vmem>> -> memref<128xi32, #tpu.memory_space<vmem>>
      %dma_start3A_249 = arith.constant 0 : i32
      %dma_start3A_250 = arith.constant 0 : i32
      %dma_start3A_251 = tpu.memref_slice %arg16[%dma_start3A_249, %dma_start3A_250] : memref<10240x64xf32, #tpu.memory_space<vmem_shared>> -> memref<10240x64xf32, #tpu.memory_space<vmem_shared>>
      tpu.enqueue_indirect_dma source(%arg14 : memref<128x64xf32, #tpu.memory_space<vmem>>) target(%dma_start3A_251 : memref<10240x64xf32, #tpu.memory_space<vmem_shared>>) offsets(%dma_start3A_248 : memref<128xi32, #tpu.memory_space<vmem>>) semaphore(%arg31 : memref<!tpu.dma_semaphore, #tpu.memory_space<semaphore_mem>>) {add = true}
      %dma_wait3A_252 = arith.constant 0 : i32
      %dma_wait3A_253 = tpu.memref_slice %arg6[%add3A_85, %dma_wait3A_252] : memref<80x128xi32, #tpu.memory_space<vmem>> -> memref<1x128xi32, #tpu.memory_space<vmem>>
      %dma_wait3A_254 = tpu.memref_squeeze %dma_wait3A_253 : memref<1x128xi32, #tpu.memory_space<vmem>> -> memref<128xi32, #tpu.memory_space<vmem>>
      %dma_wait3A_255 = arith.constant 0 : i32
      %dma_wait3A_256 = arith.constant 0 : i32
      %dma_wait3A_257 = tpu.memref_slice %arg2[%dma_wait3A_255, %dma_wait3A_256] : memref<10000x64xf32, #tpu.memory_space<hbm>> -> memref<10000x64xf32, #tpu.memory_space<hbm>>
      tpu.wait_indirect_dma semaphore(%arg24 : memref<!tpu.dma_semaphore, #tpu.memory_space<semaphore_mem>>) src(%dma_wait3A_257 : memref<10000x64xf32, #tpu.memory_space<hbm>>) dst(%arg15 : memref<128x64xf32, #tpu.memory_space<vmem>>)
      %add3A_258 = arith.constant 4 : i32
      %add3A_259 = arith.addi %add3A_51, %add3A_258 : i32
      %add3A_260 = arith.constant 3 : i32
      %add3A_261 = arith.addi %add3A_259, %add3A_260 : i32
      %dma_start3A_262 = arith.constant 0 : i32
      %dma_start3A_263 = tpu.memref_slice %arg7[%add3A_261, %dma_start3A_262] : memref<80x128xi32, #tpu.memory_space<vmem>> -> memref<1x128xi32, #tpu.memory_space<vmem>>
      %dma_start3A_264 = tpu.memref_squeeze %dma_start3A_263 : memref<1x128xi32, #tpu.memory_space<vmem>> -> memref<128xi32, #tpu.memory_space<vmem>>
      %dma_start3A_265 = arith.constant 0 : i32
      %dma_start3A_266 = arith.constant 0 : i32
      %dma_start3A_267 = tpu.memref_slice %arg16[%dma_start3A_265, %dma_start3A_266] : memref<10240x64xf32, #tpu.memory_space<vmem_shared>> -> memref<10240x64xf32, #tpu.memory_space<vmem_shared>>
      tpu.enqueue_indirect_dma source(%arg15 : memref<128x64xf32, #tpu.memory_space<vmem>>) target(%dma_start3A_267 : memref<10240x64xf32, #tpu.memory_space<vmem_shared>>) offsets(%dma_start3A_264 : memref<128xi32, #tpu.memory_space<vmem>>) semaphore(%arg32 : memref<!tpu.dma_semaphore, #tpu.memory_space<semaphore_mem>>) {add = true}
      %dma_wait3A_268 = arith.constant 0 : i32
      %dma_wait3A_269 = tpu.memref_slice %arg7[%add3A_213, %dma_wait3A_268] : memref<80x128xi32, #tpu.memory_space<vmem>> -> memref<1x128xi32, #tpu.memory_space<vmem>>
      %dma_wait3A_270 = tpu.memref_squeeze %dma_wait3A_269 : memref<1x128xi32, #tpu.memory_space<vmem>> -> memref<128xi32, #tpu.memory_space<vmem>>
      %dma_wait3A_271 = arith.constant 0 : i32
      %dma_wait3A_272 = arith.constant 0 : i32
      %dma_wait3A_273 = tpu.memref_slice %arg16[%dma_wait3A_271, %dma_wait3A_272] : memref<10240x64xf32, #tpu.memory_space<vmem_shared>> -> memref<10240x64xf32, #tpu.memory_space<vmem_shared>>
      tpu.wait_indirect_dma semaphore(%arg29 : memref<!tpu.dma_semaphore, #tpu.memory_space<semaphore_mem>>) src(%arg12 : memref<128x64xf32, #tpu.memory_space<vmem>>) dst(%dma_wait3A_273 : memref<10240x64xf32, #tpu.memory_space<vmem_shared>>)
      %dma_wait3A_274 = arith.constant 0 : i32
      %dma_wait3A_275 = tpu.memref_slice %arg7[%add3A_229, %dma_wait3A_274] : memref<80x128xi32, #tpu.memory_space<vmem>> -> memref<1x128xi32, #tpu.memory_space<vmem>>
      %dma_wait3A_276 = tpu.memref_squeeze %dma_wait3A_275 : memref<1x128xi32, #tpu.memory_space<vmem>> -> memref<128xi32, #tpu.memory_space<vmem>>
      %dma_wait3A_277 = arith.constant 0 : i32
      %dma_wait3A_278 = arith.constant 0 : i32
      %dma_wait3A_279 = tpu.memref_slice %arg16[%dma_wait3A_277, %dma_wait3A_278] : memref<10240x64xf32, #tpu.memory_space<vmem_shared>> -> memref<10240x64xf32, #tpu.memory_space<vmem_shared>>
      tpu.wait_indirect_dma semaphore(%arg30 : memref<!tpu.dma_semaphore, #tpu.memory_space<semaphore_mem>>) src(%arg13 : memref<128x64xf32, #tpu.memory_space<vmem>>) dst(%dma_wait3A_279 : memref<10240x64xf32, #tpu.memory_space<vmem_shared>>)
      %dma_wait3A_280 = arith.constant 0 : i32
      %dma_wait3A_281 = tpu.memref_slice %arg7[%add3A_245, %dma_wait3A_280] : memref<80x128xi32, #tpu.memory_space<vmem>> -> memref<1x128xi32, #tpu.memory_space<vmem>>
      %dma_wait3A_282 = tpu.memref_squeeze %dma_wait3A_281 : memref<1x128xi32, #tpu.memory_space<vmem>> -> memref<128xi32, #tpu.memory_space<vmem>>
      %dma_wait3A_283 = arith.constant 0 : i32
      %dma_wait3A_284 = arith.constant 0 : i32
      %dma_wait3A_285 = tpu.memref_slice %arg16[%dma_wait3A_283, %dma_wait3A_284] : memref<10240x64xf32, #tpu.memory_space<vmem_shared>> -> memref<10240x64xf32, #tpu.memory_space<vmem_shared>>
      tpu.wait_indirect_dma semaphore(%arg31 : memref<!tpu.dma_semaphore, #tpu.memory_space<semaphore_mem>>) src(%arg14 : memref<128x64xf32, #tpu.memory_space<vmem>>) dst(%dma_wait3A_285 : memref<10240x64xf32, #tpu.memory_space<vmem_shared>>)
      %dma_wait3A_286 = arith.constant 0 : i32
      %dma_wait3A_287 = tpu.memref_slice %arg7[%add3A_261, %dma_wait3A_286] : memref<80x128xi32, #tpu.memory_space<vmem>> -> memref<1x128xi32, #tpu.memory_space<vmem>>
      %dma_wait3A_288 = tpu.memref_squeeze %dma_wait3A_287 : memref<1x128xi32, #tpu.memory_space<vmem>> -> memref<128xi32, #tpu.memory_space<vmem>>
      %dma_wait3A_289 = arith.constant 0 : i32
      %dma_wait3A_290 = arith.constant 0 : i32
      %dma_wait3A_291 = tpu.memref_slice %arg16[%dma_wait3A_289, %dma_wait3A_290] : memref<10240x64xf32, #tpu.memory_space<vmem_shared>> -> memref<10240x64xf32, #tpu.memory_space<vmem_shared>>
      tpu.wait_indirect_dma semaphore(%arg32 : memref<!tpu.dma_semaphore, #tpu.memory_space<semaphore_mem>>) src(%arg15 : memref<128x64xf32, #tpu.memory_space<vmem>>) dst(%dma_wait3A_291 : memref<10240x64xf32, #tpu.memory_space<vmem_shared>>)
    }
    %scan3A_41 = arith.constant 10 : i32
    %barrier3A_42 = arith.constant 0 : index
    tpu.barrier barrier_id(%barrier3A_42)
    %mul3A_43 = arith.constant 640 : i32
    %mul3A_44 = arith.muli %arg1, %mul3A_43 : i32
    %mul3A_45 = arith.constant 640 : i32
    %mul3A_46 = arith.muli %arg1, %mul3A_45 : i32
    "tpu.region"() ({
      %run_scoped3A = tpu.sem_alloc : memref<!tpu.dma_semaphore, #tpu.memory_space<semaphore_mem>>
      %dma_start3A_47 = arith.constant 0 : i32
      %dma_start3A_48 = arith.constant 0 : i32
      %dma_start3A_49 = tpu.memref_slice %arg5[%arg0, %dma_start3A_47, %dma_start3A_48] : memref<2x10240x64xf32, #tpu.memory_space<hbm>> -> memref<1x10240x64xf32, #tpu.memory_space<hbm>>
      %dma_start3A_50 = tpu.memref_squeeze %dma_start3A_49 : memref<1x10240x64xf32, #tpu.memory_space<hbm>> -> memref<10240x64xf32, #tpu.memory_space<hbm>>
      %dma_start3A_51 = arith.constant 0 : i32
      %dma_start3A_52 = tpu.memref_slice %dma_start3A_50[%mul3A_46, %dma_start3A_51] : memref<10240x64xf32, #tpu.memory_space<hbm>> -> memref<640x64xf32, #tpu.memory_space<hbm>>
      %dma_start3A_53 = arith.constant 0 : i32
      %dma_start3A_54 = tpu.memref_slice %arg16[%mul3A_44, %dma_start3A_53] : memref<10240x64xf32, #tpu.memory_space<vmem_shared>> -> memref<640x64xf32, #tpu.memory_space<vmem_shared>>
      tpu.enqueue_dma source(%dma_start3A_54 : memref<640x64xf32, #tpu.memory_space<vmem_shared>>) target(%dma_start3A_52 : memref<640x64xf32, #tpu.memory_space<hbm>>) target_semaphore(%run_scoped3A : memref<!tpu.dma_semaphore, #tpu.memory_space<semaphore_mem>>)
      %dma_wait3A = arith.constant 0 : i32
      %dma_wait3A_55 = arith.constant 0 : i32
      %dma_wait3A_56 = tpu.memref_slice %arg5[%arg0, %dma_wait3A, %dma_wait3A_55] : memref<2x10240x64xf32, #tpu.memory_space<hbm>> -> memref<1x10240x64xf32, #tpu.memory_space<hbm>>
      %dma_wait3A_57 = tpu.memref_squeeze %dma_wait3A_56 : memref<1x10240x64xf32, #tpu.memory_space<hbm>> -> memref<10240x64xf32, #tpu.memory_space<hbm>>
      %dma_wait3A_58 = arith.constant 0 : i32
      %dma_wait3A_59 = tpu.memref_slice %dma_wait3A_57[%mul3A_46, %dma_wait3A_58] : memref<10240x64xf32, #tpu.memory_space<hbm>> -> memref<640x64xf32, #tpu.memory_space<hbm>>
      %dma_wait3A_60 = arith.constant 0 : i32
      %dma_wait3A_61 = tpu.memref_slice %arg16[%mul3A_44, %dma_wait3A_60] : memref<10240x64xf32, #tpu.memory_space<vmem_shared>> -> memref<640x64xf32, #tpu.memory_space<vmem_shared>>
      tpu.wait_dma2 semaphore(%run_scoped3A : memref<!tpu.dma_semaphore, #tpu.memory_space<semaphore_mem>>) src(%dma_wait3A_61 : memref<640x64xf32, #tpu.memory_space<vmem_shared>>) dst(%dma_wait3A_59 : memref<640x64xf32, #tpu.memory_space<hbm>>)
      tpu.yield
    }) : () -> ()
    return
  }
}

#map = affine_map<(d0, d1) -> (0, 0, 0)>
module attributes {stable_mosaic.version = 14 : i64} {
  func.func @_deg_body(%arg0: i32, %arg1: i32, %arg2: memref<32x80x128xi32, #tpu.memory_space<hbm>>, %arg3: memref<2x10240x16xf32, #tpu.memory_space<hbm>>, %arg4: memref<80x128xi32, #tpu.memory_space<vmem>>, %arg5: memref<128x16xf32, #tpu.memory_space<vmem>>, %arg6: memref<640x16xf32, #tpu.memory_space<vmem>>, %arg7: memref<10240x16xf32, #tpu.memory_space<vmem_shared>>, %arg8: memref<!tpu.dma_semaphore, #tpu.memory_space<semaphore_mem>>, %arg9: memref<!tpu.dma_semaphore, #tpu.memory_space<semaphore_mem>>, %arg10: memref<!tpu.dma_semaphore, #tpu.memory_space<semaphore_mem>>, %arg11: memref<!tpu.dma_semaphore, #tpu.memory_space<semaphore_mem>>) attributes {dimension_semantics = [#tpu.dimension_semantics<core_parallel>, #tpu.dimension_semantics<subcore_parallel>], iteration_bounds = array<i64: 2, 16>, scalar_prefetch = 0 : i64, scratch_operands = 8 : i64, tpu.core_type = #tpu.core_type<sc_vector_subcore>, window_params = [{transform_indices = #map}, {transform_indices = #map}]} {
    %mul3A = arith.constant 2 : i32
    %mul3A_0 = arith.muli %arg1, %mul3A : i32
    %add3A = arith.addi %mul3A_0, %arg0 : i32
    %scan3A = arith.constant 0 : i32
    %scan3A_1 = arith.constant 128 : i32
    %scan3A_2 = arith.addi %scan3A, %scan3A_1 : i32
    %scan3A_3 = arith.constant 1 : i32
    scf.for %scan3A_22 = %scan3A to %scan3A_2 step %scan3A_3  : i32 {
      %mul3A_23 = arith.constant 1 : i32
      %mul3A_24 = arith.muli %scan3A_22, %mul3A_23 : i32
      %add3A_25 = arith.constant 0 : i32
      %add3A_26 = arith.addi %add3A_25, %mul3A_24 : i32
      %broadcast_in_dim3A = arith.constant 1.000000e+00 : f32
      %broadcast_in_dim3A_27 = vector.broadcast %broadcast_in_dim3A : f32 to vector<16xf32>
      %swap3A = arith.index_cast %add3A_26 : i32 to index
      %swap3A_28 = arith.constant 0 : index
      %swap3A_29 = tpu.vector_load %arg5[%swap3A, %swap3A_28] {strides = array<i32>} : memref<128x16xf32, #tpu.memory_space<vmem>>, vector<1x16xf32>,
      %swap3A_30 = vector.shape_cast %swap3A_29 : vector<1x16xf32> to vector<16xf32>
      %swap3A_31 = vector.shape_cast %broadcast_in_dim3A_27 : vector<16xf32> to vector<1x16xf32>
      tpu.vector_store %arg5[%swap3A, %swap3A_28], %swap3A_31 {strides = array<i32>} : memref<128x16xf32, #tpu.memory_space<vmem>>, vector<1x16xf32>,
    }
    %scan3A_4 = arith.constant 128 : i32
    %scan3A_5 = arith.constant 0 : i32
    %scan3A_6 = arith.constant 640 : i32
    %scan3A_7 = arith.addi %scan3A_5, %scan3A_6 : i32
    %scan3A_8 = arith.constant 1 : i32
    scf.for %scan3A_22 = %scan3A_5 to %scan3A_7 step %scan3A_8  : i32 {
      %mul3A_23 = arith.constant 1 : i32
      %mul3A_24 = arith.muli %scan3A_22, %mul3A_23 : i32
      %add3A_25 = arith.constant 0 : i32
      %add3A_26 = arith.addi %add3A_25, %mul3A_24 : i32
      %broadcast_in_dim3A = arith.constant 0.000000e+00 : f32
      %broadcast_in_dim3A_27 = vector.broadcast %broadcast_in_dim3A : f32 to vector<16xf32>
      %swap3A = arith.index_cast %add3A_26 : i32 to index
      %swap3A_28 = arith.constant 0 : index
      %swap3A_29 = tpu.vector_load %arg6[%swap3A, %swap3A_28] {strides = array<i32>} : memref<640x16xf32, #tpu.memory_space<vmem>>, vector<1x16xf32>,
      %swap3A_30 = vector.shape_cast %swap3A_29 : vector<1x16xf32> to vector<16xf32>
      %swap3A_31 = vector.shape_cast %broadcast_in_dim3A_27 : vector<16xf32> to vector<1x16xf32>
      tpu.vector_store %arg6[%swap3A, %swap3A_28], %swap3A_31 {strides = array<i32>} : memref<640x16xf32, #tpu.memory_space<vmem>>, vector<1x16xf32>,
    }
    %scan3A_9 = arith.constant 640 : i32
    "tpu.region"() ({
      %run_scoped3A = tpu.sem_alloc : memref<!tpu.dma_semaphore, #tpu.memory_space<semaphore_mem>>
      %dma_start3A = arith.constant 0 : i32
      %dma_start3A_22 = arith.constant 0 : i32
      %dma_start3A_23 = tpu.memref_slice %arg2[%add3A, %dma_start3A, %dma_start3A_22] : memref<32x80x128xi32, #tpu.memory_space<hbm>> -> memref<1x80x128xi32, #tpu.memory_space<hbm>>
      %dma_start3A_24 = tpu.memref_squeeze %dma_start3A_23 : memref<1x80x128xi32, #tpu.memory_space<hbm>> -> memref<80x128xi32, #tpu.memory_space<hbm>>
      %dma_start3A_25 = arith.constant 0 : i32
      %dma_start3A_26 = arith.constant 0 : i32
      %dma_start3A_27 = tpu.memref_slice %arg2[%add3A, %dma_start3A_25, %dma_start3A_26] : memref<32x80x128xi32, #tpu.memory_space<hbm>> -> memref<1x80x128xi32, #tpu.memory_space<hbm>>
      %dma_start3A_28 = tpu.memref_squeeze %dma_start3A_27 : memref<1x80x128xi32, #tpu.memory_space<hbm>> -> memref<80x128xi32, #tpu.memory_space<hbm>>
      tpu.enqueue_dma source(%dma_start3A_28 : memref<80x128xi32, #tpu.memory_space<hbm>>) target(%arg4 : memref<80x128xi32, #tpu.memory_space<vmem>>) target_semaphore(%run_scoped3A : memref<!tpu.dma_semaphore, #tpu.memory_space<semaphore_mem>>)
      %dma_wait3A = arith.constant 0 : i32
      %dma_wait3A_29 = arith.constant 0 : i32
      %dma_wait3A_30 = tpu.memref_slice %arg2[%add3A, %dma_wait3A, %dma_wait3A_29] : memref<32x80x128xi32, #tpu.memory_space<hbm>> -> memref<1x80x128xi32, #tpu.memory_space<hbm>>
      %dma_wait3A_31 = tpu.memref_squeeze %dma_wait3A_30 : memref<1x80x128xi32, #tpu.memory_space<hbm>> -> memref<80x128xi32, #tpu.memory_space<hbm>>
      %dma_wait3A_32 = arith.constant 0 : i32
      %dma_wait3A_33 = arith.constant 0 : i32
      %dma_wait3A_34 = tpu.memref_slice %arg2[%add3A, %dma_wait3A_32, %dma_wait3A_33] : memref<32x80x128xi32, #tpu.memory_space<hbm>> -> memref<1x80x128xi32, #tpu.memory_space<hbm>>
      %dma_wait3A_35 = tpu.memref_squeeze %dma_wait3A_34 : memref<1x80x128xi32, #tpu.memory_space<hbm>> -> memref<80x128xi32, #tpu.memory_space<hbm>>
      tpu.wait_dma2 semaphore(%run_scoped3A : memref<!tpu.dma_semaphore, #tpu.memory_space<semaphore_mem>>) src(%dma_wait3A_35 : memref<80x128xi32, #tpu.memory_space<hbm>>) dst(%arg4 : memref<80x128xi32, #tpu.memory_space<vmem>>)
      tpu.yield
    }) : () -> ()
    %mul3A_10 = arith.constant 640 : i32
    %mul3A_11 = arith.muli %arg1, %mul3A_10 : i32
    "tpu.region"() ({
      %run_scoped3A = tpu.sem_alloc : memref<!tpu.dma_semaphore, #tpu.memory_space<semaphore_mem>>
      %dma_start3A = arith.constant 0 : i32
      %dma_start3A_22 = tpu.memref_slice %arg7[%mul3A_11, %dma_start3A] : memref<10240x16xf32, #tpu.memory_space<vmem_shared>> -> memref<640x16xf32, #tpu.memory_space<vmem_shared>>
      %dma_start3A_23 = arith.constant 0 : i32
      %dma_start3A_24 = tpu.memref_slice %arg7[%mul3A_11, %dma_start3A_23] : memref<10240x16xf32, #tpu.memory_space<vmem_shared>> -> memref<640x16xf32, #tpu.memory_space<vmem_shared>>
      tpu.enqueue_dma source(%arg6 : memref<640x16xf32, #tpu.memory_space<vmem>>) target(%dma_start3A_24 : memref<640x16xf32, #tpu.memory_space<vmem_shared>>) target_semaphore(%run_scoped3A : memref<!tpu.dma_semaphore, #tpu.memory_space<semaphore_mem>>)
      %dma_wait3A = arith.constant 0 : i32
      %dma_wait3A_25 = tpu.memref_slice %arg7[%mul3A_11, %dma_wait3A] : memref<10240x16xf32, #tpu.memory_space<vmem_shared>> -> memref<640x16xf32, #tpu.memory_space<vmem_shared>>
      %dma_wait3A_26 = arith.constant 0 : i32
      %dma_wait3A_27 = tpu.memref_slice %arg7[%mul3A_11, %dma_wait3A_26] : memref<10240x16xf32, #tpu.memory_space<vmem_shared>> -> memref<640x16xf32, #tpu.memory_space<vmem_shared>>
      tpu.wait_dma2 semaphore(%run_scoped3A : memref<!tpu.dma_semaphore, #tpu.memory_space<semaphore_mem>>) src(%arg6 : memref<640x16xf32, #tpu.memory_space<vmem>>) dst(%dma_wait3A_27 : memref<640x16xf32, #tpu.memory_space<vmem_shared>>)
      tpu.yield
    }) : () -> ()
    %barrier3A = arith.constant 0 : index
    tpu.barrier barrier_id(%barrier3A)
    %scan3A_12 = arith.constant 0 : i32
    %scan3A_13 = arith.constant 20 : i32
    %scan3A_14 = arith.addi %scan3A_12, %scan3A_13 : i32
    %scan3A_15 = arith.constant 1 : i32
    scf.for %scan3A_22 = %scan3A_12 to %scan3A_14 step %scan3A_15  : i32 {
      %mul3A_23 = arith.constant 4 : i32
      %mul3A_24 = arith.muli %scan3A_22, %mul3A_23 : i32
      %add3A_25 = arith.constant 0 : i32
      %add3A_26 = arith.addi %add3A_25, %mul3A_24 : i32
      %add3A_27 = arith.constant 0 : i32
      %add3A_28 = arith.addi %add3A_26, %add3A_27 : i32
      %dma_start3A = arith.constant 0 : i32
      %dma_start3A_29 = tpu.memref_slice %arg4[%add3A_28, %dma_start3A] : memref<80x128xi32, #tpu.memory_space<vmem>> -> memref<1x128xi32, #tpu.memory_space<vmem>>
      %dma_start3A_30 = tpu.memref_squeeze %dma_start3A_29 : memref<1x128xi32, #tpu.memory_space<vmem>> -> memref<128xi32, #tpu.memory_space<vmem>>
      %dma_start3A_31 = arith.constant 0 : i32
      %dma_start3A_32 = arith.constant 0 : i32
      %dma_start3A_33 = tpu.memref_slice %arg7[%dma_start3A_31, %dma_start3A_32] : memref<10240x16xf32, #tpu.memory_space<vmem_shared>> -> memref<10240x16xf32, #tpu.memory_space<vmem_shared>>
      tpu.enqueue_indirect_dma source(%arg5 : memref<128x16xf32, #tpu.memory_space<vmem>>) target(%dma_start3A_33 : memref<10240x16xf32, #tpu.memory_space<vmem_shared>>) offsets(%dma_start3A_30 : memref<128xi32, #tpu.memory_space<vmem>>) semaphore(%arg8 : memref<!tpu.dma_semaphore, #tpu.memory_space<semaphore_mem>>) {add = true}
      %add3A_34 = arith.constant 1 : i32
      %add3A_35 = arith.addi %add3A_26, %add3A_34 : i32
      %dma_start3A_36 = arith.constant 0 : i32
      %dma_start3A_37 = tpu.memref_slice %arg4[%add3A_35, %dma_start3A_36] : memref<80x128xi32, #tpu.memory_space<vmem>> -> memref<1x128xi32, #tpu.memory_space<vmem>>
      %dma_start3A_38 = tpu.memref_squeeze %dma_start3A_37 : memref<1x128xi32, #tpu.memory_space<vmem>> -> memref<128xi32, #tpu.memory_space<vmem>>
      %dma_start3A_39 = arith.constant 0 : i32
      %dma_start3A_40 = arith.constant 0 : i32
      %dma_start3A_41 = tpu.memref_slice %arg7[%dma_start3A_39, %dma_start3A_40] : memref<10240x16xf32, #tpu.memory_space<vmem_shared>> -> memref<10240x16xf32, #tpu.memory_space<vmem_shared>>
      tpu.enqueue_indirect_dma source(%arg5 : memref<128x16xf32, #tpu.memory_space<vmem>>) target(%dma_start3A_41 : memref<10240x16xf32, #tpu.memory_space<vmem_shared>>) offsets(%dma_start3A_38 : memref<128xi32, #tpu.memory_space<vmem>>) semaphore(%arg9 : memref<!tpu.dma_semaphore, #tpu.memory_space<semaphore_mem>>) {add = true}
      %add3A_42 = arith.constant 2 : i32
      %add3A_43 = arith.addi %add3A_26, %add3A_42 : i32
      %dma_start3A_44 = arith.constant 0 : i32
      %dma_start3A_45 = tpu.memref_slice %arg4[%add3A_43, %dma_start3A_44] : memref<80x128xi32, #tpu.memory_space<vmem>> -> memref<1x128xi32, #tpu.memory_space<vmem>>
      %dma_start3A_46 = tpu.memref_squeeze %dma_start3A_45 : memref<1x128xi32, #tpu.memory_space<vmem>> -> memref<128xi32, #tpu.memory_space<vmem>>
      %dma_start3A_47 = arith.constant 0 : i32
      %dma_start3A_48 = arith.constant 0 : i32
      %dma_start3A_49 = tpu.memref_slice %arg7[%dma_start3A_47, %dma_start3A_48] : memref<10240x16xf32, #tpu.memory_space<vmem_shared>> -> memref<10240x16xf32, #tpu.memory_space<vmem_shared>>
      tpu.enqueue_indirect_dma source(%arg5 : memref<128x16xf32, #tpu.memory_space<vmem>>) target(%dma_start3A_49 : memref<10240x16xf32, #tpu.memory_space<vmem_shared>>) offsets(%dma_start3A_46 : memref<128xi32, #tpu.memory_space<vmem>>) semaphore(%arg10 : memref<!tpu.dma_semaphore, #tpu.memory_space<semaphore_mem>>) {add = true}
      %add3A_50 = arith.constant 3 : i32
      %add3A_51 = arith.addi %add3A_26, %add3A_50 : i32
      %dma_start3A_52 = arith.constant 0 : i32
      %dma_start3A_53 = tpu.memref_slice %arg4[%add3A_51, %dma_start3A_52] : memref<80x128xi32, #tpu.memory_space<vmem>> -> memref<1x128xi32, #tpu.memory_space<vmem>>
      %dma_start3A_54 = tpu.memref_squeeze %dma_start3A_53 : memref<1x128xi32, #tpu.memory_space<vmem>> -> memref<128xi32, #tpu.memory_space<vmem>>
      %dma_start3A_55 = arith.constant 0 : i32
      %dma_start3A_56 = arith.constant 0 : i32
      %dma_start3A_57 = tpu.memref_slice %arg7[%dma_start3A_55, %dma_start3A_56] : memref<10240x16xf32, #tpu.memory_space<vmem_shared>> -> memref<10240x16xf32, #tpu.memory_space<vmem_shared>>
      tpu.enqueue_indirect_dma source(%arg5 : memref<128x16xf32, #tpu.memory_space<vmem>>) target(%dma_start3A_57 : memref<10240x16xf32, #tpu.memory_space<vmem_shared>>) offsets(%dma_start3A_54 : memref<128xi32, #tpu.memory_space<vmem>>) semaphore(%arg11 : memref<!tpu.dma_semaphore, #tpu.memory_space<semaphore_mem>>) {add = true}
      %dma_wait3A = arith.constant 0 : i32
      %dma_wait3A_58 = tpu.memref_slice %arg4[%add3A_28, %dma_wait3A] : memref<80x128xi32, #tpu.memory_space<vmem>> -> memref<1x128xi32, #tpu.memory_space<vmem>>
      %dma_wait3A_59 = tpu.memref_squeeze %dma_wait3A_58 : memref<1x128xi32, #tpu.memory_space<vmem>> -> memref<128xi32, #tpu.memory_space<vmem>>
      %dma_wait3A_60 = arith.constant 0 : i32
      %dma_wait3A_61 = arith.constant 0 : i32
      %dma_wait3A_62 = tpu.memref_slice %arg7[%dma_wait3A_60, %dma_wait3A_61] : memref<10240x16xf32, #tpu.memory_space<vmem_shared>> -> memref<10240x16xf32, #tpu.memory_space<vmem_shared>>
      tpu.wait_indirect_dma semaphore(%arg8 : memref<!tpu.dma_semaphore, #tpu.memory_space<semaphore_mem>>) src(%arg5 : memref<128x16xf32, #tpu.memory_space<vmem>>) dst(%dma_wait3A_62 : memref<10240x16xf32, #tpu.memory_space<vmem_shared>>)
      %dma_wait3A_63 = arith.constant 0 : i32
      %dma_wait3A_64 = tpu.memref_slice %arg4[%add3A_35, %dma_wait3A_63] : memref<80x128xi32, #tpu.memory_space<vmem>> -> memref<1x128xi32, #tpu.memory_space<vmem>>
      %dma_wait3A_65 = tpu.memref_squeeze %dma_wait3A_64 : memref<1x128xi32, #tpu.memory_space<vmem>> -> memref<128xi32, #tpu.memory_space<vmem>>
      %dma_wait3A_66 = arith.constant 0 : i32
      %dma_wait3A_67 = arith.constant 0 : i32
      %dma_wait3A_68 = tpu.memref_slice %arg7[%dma_wait3A_66, %dma_wait3A_67] : memref<10240x16xf32, #tpu.memory_space<vmem_shared>> -> memref<10240x16xf32, #tpu.memory_space<vmem_shared>>
      tpu.wait_indirect_dma semaphore(%arg9 : memref<!tpu.dma_semaphore, #tpu.memory_space<semaphore_mem>>) src(%arg5 : memref<128x16xf32, #tpu.memory_space<vmem>>) dst(%dma_wait3A_68 : memref<10240x16xf32, #tpu.memory_space<vmem_shared>>)
      %dma_wait3A_69 = arith.constant 0 : i32
      %dma_wait3A_70 = tpu.memref_slice %arg4[%add3A_43, %dma_wait3A_69] : memref<80x128xi32, #tpu.memory_space<vmem>> -> memref<1x128xi32, #tpu.memory_space<vmem>>
      %dma_wait3A_71 = tpu.memref_squeeze %dma_wait3A_70 : memref<1x128xi32, #tpu.memory_space<vmem>> -> memref<128xi32, #tpu.memory_space<vmem>>
      %dma_wait3A_72 = arith.constant 0 : i32
      %dma_wait3A_73 = arith.constant 0 : i32
      %dma_wait3A_74 = tpu.memref_slice %arg7[%dma_wait3A_72, %dma_wait3A_73] : memref<10240x16xf32, #tpu.memory_space<vmem_shared>> -> memref<10240x16xf32, #tpu.memory_space<vmem_shared>>
      tpu.wait_indirect_dma semaphore(%arg10 : memref<!tpu.dma_semaphore, #tpu.memory_space<semaphore_mem>>) src(%arg5 : memref<128x16xf32, #tpu.memory_space<vmem>>) dst(%dma_wait3A_74 : memref<10240x16xf32, #tpu.memory_space<vmem_shared>>)
      %dma_wait3A_75 = arith.constant 0 : i32
      %dma_wait3A_76 = tpu.memref_slice %arg4[%add3A_51, %dma_wait3A_75] : memref<80x128xi32, #tpu.memory_space<vmem>> -> memref<1x128xi32, #tpu.memory_space<vmem>>
      %dma_wait3A_77 = tpu.memref_squeeze %dma_wait3A_76 : memref<1x128xi32, #tpu.memory_space<vmem>> -> memref<128xi32, #tpu.memory_space<vmem>>
      %dma_wait3A_78 = arith.constant 0 : i32
      %dma_wait3A_79 = arith.constant 0 : i32
      %dma_wait3A_80 = tpu.memref_slice %arg7[%dma_wait3A_78, %dma_wait3A_79] : memref<10240x16xf32, #tpu.memory_space<vmem_shared>> -> memref<10240x16xf32, #tpu.memory_space<vmem_shared>>
      tpu.wait_indirect_dma semaphore(%arg11 : memref<!tpu.dma_semaphore, #tpu.memory_space<semaphore_mem>>) src(%arg5 : memref<128x16xf32, #tpu.memory_space<vmem>>) dst(%dma_wait3A_80 : memref<10240x16xf32, #tpu.memory_space<vmem_shared>>)
    }
    %scan3A_16 = arith.constant 20 : i32
    %barrier3A_17 = arith.constant 0 : index
    tpu.barrier barrier_id(%barrier3A_17)
    %mul3A_18 = arith.constant 640 : i32
    %mul3A_19 = arith.muli %arg1, %mul3A_18 : i32
    %mul3A_20 = arith.constant 640 : i32
    %mul3A_21 = arith.muli %arg1, %mul3A_20 : i32
    "tpu.region"() ({
      %run_scoped3A = tpu.sem_alloc : memref<!tpu.dma_semaphore, #tpu.memory_space<semaphore_mem>>
      %dma_start3A = arith.constant 0 : i32
      %dma_start3A_22 = arith.constant 0 : i32
      %dma_start3A_23 = tpu.memref_slice %arg3[%arg0, %dma_start3A, %dma_start3A_22] : memref<2x10240x16xf32, #tpu.memory_space<hbm>> -> memref<1x10240x16xf32, #tpu.memory_space<hbm>>
      %dma_start3A_24 = tpu.memref_squeeze %dma_start3A_23 : memref<1x10240x16xf32, #tpu.memory_space<hbm>> -> memref<10240x16xf32, #tpu.memory_space<hbm>>
      %dma_start3A_25 = arith.constant 0 : i32
      %dma_start3A_26 = tpu.memref_slice %dma_start3A_24[%mul3A_21, %dma_start3A_25] : memref<10240x16xf32, #tpu.memory_space<hbm>> -> memref<640x16xf32, #tpu.memory_space<hbm>>
      %dma_start3A_27 = arith.constant 0 : i32
      %dma_start3A_28 = tpu.memref_slice %arg7[%mul3A_19, %dma_start3A_27] : memref<10240x16xf32, #tpu.memory_space<vmem_shared>> -> memref<640x16xf32, #tpu.memory_space<vmem_shared>>
      tpu.enqueue_dma source(%dma_start3A_28 : memref<640x16xf32, #tpu.memory_space<vmem_shared>>) target(%dma_start3A_26 : memref<640x16xf32, #tpu.memory_space<hbm>>) target_semaphore(%run_scoped3A : memref<!tpu.dma_semaphore, #tpu.memory_space<semaphore_mem>>)
      %dma_wait3A = arith.constant 0 : i32
      %dma_wait3A_29 = arith.constant 0 : i32
      %dma_wait3A_30 = tpu.memref_slice %arg3[%arg0, %dma_wait3A, %dma_wait3A_29] : memref<2x10240x16xf32, #tpu.memory_space<hbm>> -> memref<1x10240x16xf32, #tpu.memory_space<hbm>>
      %dma_wait3A_31 = tpu.memref_squeeze %dma_wait3A_30 : memref<1x10240x16xf32, #tpu.memory_space<hbm>> -> memref<10240x16xf32, #tpu.memory_space<hbm>>
      %dma_wait3A_32 = arith.constant 0 : i32
      %dma_wait3A_33 = tpu.memref_slice %dma_wait3A_31[%mul3A_21, %dma_wait3A_32] : memref<10240x16xf32, #tpu.memory_space<hbm>> -> memref<640x16xf32, #tpu.memory_space<hbm>>
      %dma_wait3A_34 = arith.constant 0 : i32
      %dma_wait3A_35 = tpu.memref_slice %arg7[%mul3A_19, %dma_wait3A_34] : memref<10240x16xf32, #tpu.memory_space<vmem_shared>> -> memref<640x16xf32, #tpu.memory_space<vmem_shared>>
      tpu.wait_dma2 semaphore(%run_scoped3A : memref<!tpu.dma_semaphore, #tpu.memory_space<semaphore_mem>>) src(%dma_wait3A_35 : memref<640x16xf32, #tpu.memory_space<vmem_shared>>) dst(%dma_wait3A_33 : memref<640x16xf32, #tpu.memory_space<hbm>>)
      tpu.yield
    }) : () -> ()
    return
  }
}

#map = affine_map<(d0, d1) -> (0, 0)>
#map1 = affine_map<(d0, d1) -> (0, 0, 0)>
module attributes {stable_mosaic.version = 14 : i64} {
  func.func @_agg_body2(%arg0: i32, %arg1: i32, %arg2: memref<10000x64xf32, #tpu.memory_space<hbm>>, %arg3: memref<32x80x128xi32, #tpu.memory_space<hbm>>, %arg4: memref<32x80x128xi32, #tpu.memory_space<hbm>>, %arg5: memref<2x10240x64xf32, #tpu.memory_space<hbm>>, %arg6: memref<80x128xi32, #tpu.memory_space<vmem>>, %arg7: memref<80x128xi32, #tpu.memory_space<vmem>>, %arg8: memref<128x64xf32, #tpu.memory_space<vmem>>, %arg9: memref<128x64xf32, #tpu.memory_space<vmem>>, %arg10: memref<128x64xf32, #tpu.memory_space<vmem>>, %arg11: memref<128x64xf32, #tpu.memory_space<vmem>>, %arg12: memref<128x64xf32, #tpu.memory_space<vmem>>, %arg13: memref<128x64xf32, #tpu.memory_space<vmem>>, %arg14: memref<128x64xf32, #tpu.memory_space<vmem>>, %arg15: memref<128x64xf32, #tpu.memory_space<vmem>>, %arg16: memref<10240x64xf32, #tpu.memory_space<vmem_shared>>, %arg17: memref<!tpu.dma_semaphore, #tpu.memory_space<semaphore_mem>>, %arg18: memref<!tpu.dma_semaphore, #tpu.memory_space<semaphore_mem>>, %arg19: memref<!tpu.dma_semaphore, #tpu.memory_space<semaphore_mem>>, %arg20: memref<!tpu.dma_semaphore, #tpu.memory_space<semaphore_mem>>, %arg21: memref<!tpu.dma_semaphore, #tpu.memory_space<semaphore_mem>>, %arg22: memref<!tpu.dma_semaphore, #tpu.memory_space<semaphore_mem>>, %arg23: memref<!tpu.dma_semaphore, #tpu.memory_space<semaphore_mem>>, %arg24: memref<!tpu.dma_semaphore, #tpu.memory_space<semaphore_mem>>, %arg25: memref<!tpu.dma_semaphore, #tpu.memory_space<semaphore_mem>>, %arg26: memref<!tpu.dma_semaphore, #tpu.memory_space<semaphore_mem>>, %arg27: memref<!tpu.dma_semaphore, #tpu.memory_space<semaphore_mem>>, %arg28: memref<!tpu.dma_semaphore, #tpu.memory_space<semaphore_mem>>, %arg29: memref<!tpu.dma_semaphore, #tpu.memory_space<semaphore_mem>>, %arg30: memref<!tpu.dma_semaphore, #tpu.memory_space<semaphore_mem>>, %arg31: memref<!tpu.dma_semaphore, #tpu.memory_space<semaphore_mem>>, %arg32: memref<!tpu.dma_semaphore, #tpu.memory_space<semaphore_mem>>) attributes {dimension_semantics = [#tpu.dimension_semantics<core_parallel>, #tpu.dimension_semantics<subcore_parallel>], iteration_bounds = array<i64: 2, 16>, scalar_prefetch = 0 : i64, scratch_operands = 27 : i64, tpu.core_type = #tpu.core_type<sc_vector_subcore>, window_params = [{transform_indices = #map}, {transform_indices = #map1}, {transform_indices = #map1}, {transform_indices = #map1}]} {
    %mul3A = arith.constant 2 : i32
    %mul3A_0 = arith.muli %arg1, %mul3A : i32
    %add3A = arith.addi %mul3A_0, %arg0 : i32
    %scan3A = arith.constant 0 : i32
    %scan3A_1 = arith.constant 128 : i32
    %scan3A_2 = arith.addi %scan3A, %scan3A_1 : i32
    %scan3A_3 = arith.constant 1 : i32
    scf.for %scan3A_47 = %scan3A to %scan3A_2 step %scan3A_3  : i32 {
      %mul3A_48 = arith.constant 1 : i32
      %mul3A_49 = arith.muli %scan3A_47, %mul3A_48 : i32
      %add3A_50 = arith.constant 0 : i32
      %add3A_51 = arith.addi %add3A_50, %mul3A_49 : i32
      %scan3A_52 = arith.constant 0 : i32
      %scan3A_53 = arith.constant 4 : i32
      %scan3A_54 = arith.addi %scan3A_52, %scan3A_53 : i32
      %scan3A_55 = arith.constant 1 : i32
      scf.for %scan3A_57 = %scan3A_52 to %scan3A_54 step %scan3A_55  : i32 {
        %mul3A_58 = arith.constant 1 : i32
        %mul3A_59 = arith.muli %scan3A_57, %mul3A_58 : i32
        %add3A_60 = arith.constant 0 : i32
        %add3A_61 = arith.addi %add3A_60, %mul3A_59 : i32
        %broadcast_in_dim3A = arith.constant 0.000000e+00 : f32
        %broadcast_in_dim3A_62 = vector.broadcast %broadcast_in_dim3A : f32 to vector<16xf32>
        %mul3A_63 = arith.constant 16 : i32
        %mul3A_64 = arith.muli %add3A_61, %mul3A_63 : i32
        %swap3A = arith.index_cast %add3A_51 : i32 to index
        %swap3A_65 = arith.index_cast %mul3A_64 : i32 to index
        %swap3A_66 = tpu.vector_load %arg8[%swap3A, %swap3A_65] {strides = array<i32>} : memref<128x64xf32, #tpu.memory_space<vmem>>, vector<1x16xf32>,
        %swap3A_67 = vector.shape_cast %swap3A_66 : vector<1x16xf32> to vector<16xf32>
        %swap3A_68 = vector.shape_cast %broadcast_in_dim3A_62 : vector<16xf32> to vector<1x16xf32>
        tpu.vector_store %arg8[%swap3A, %swap3A_65], %swap3A_68 {strides = array<i32>} : memref<128x64xf32, #tpu.memory_space<vmem>>, vector<1x16xf32>,
      }
      %scan3A_56 = arith.constant 4 : i32
    }
    %scan3A_4 = arith.constant 128 : i32
    %scan3A_5 = arith.constant 0 : i32
    %scan3A_6 = arith.constant 5 : i32
    %scan3A_7 = arith.addi %scan3A_5, %scan3A_6 : i32
    %scan3A_8 = arith.constant 1 : i32
    scf.for %scan3A_47 = %scan3A_5 to %scan3A_7 step %scan3A_8  : i32 {
      %mul3A_48 = arith.constant 1 : i32
      %mul3A_49 = arith.muli %scan3A_47, %mul3A_48 : i32
      %add3A_50 = arith.constant 0 : i32
      %add3A_51 = arith.addi %add3A_50, %mul3A_49 : i32
      %mul3A_52 = arith.constant 640 : i32
      %mul3A_53 = arith.muli %arg1, %mul3A_52 : i32
      %mul3A_54 = arith.constant 128 : i32
      %mul3A_55 = arith.muli %add3A_51, %mul3A_54 : i32
      %add3A_56 = arith.addi %mul3A_53, %mul3A_55 : i32
      "tpu.region"() ({
        %run_scoped3A = tpu.sem_alloc : memref<!tpu.dma_semaphore, #tpu.memory_space<semaphore_mem>>
        %dma_start3A_57 = arith.constant 0 : i32
        %dma_start3A_58 = tpu.memref_slice %arg16[%add3A_56, %dma_start3A_57] : memref<10240x64xf32, #tpu.memory_space<vmem_shared>> -> memref<128x64xf32, #tpu.memory_space<vmem_shared>>
        %dma_start3A_59 = arith.constant 0 : i32
        %dma_start3A_60 = tpu.memref_slice %arg16[%add3A_56, %dma_start3A_59] : memref<10240x64xf32, #tpu.memory_space<vmem_shared>> -> memref<128x64xf32, #tpu.memory_space<vmem_shared>>
        tpu.enqueue_dma source(%arg8 : memref<128x64xf32, #tpu.memory_space<vmem>>) target(%dma_start3A_60 : memref<128x64xf32, #tpu.memory_space<vmem_shared>>) target_semaphore(%run_scoped3A : memref<!tpu.dma_semaphore, #tpu.memory_space<semaphore_mem>>)
        %dma_wait3A = arith.constant 0 : i32
        %dma_wait3A_61 = tpu.memref_slice %arg16[%add3A_56, %dma_wait3A] : memref<10240x64xf32, #tpu.memory_space<vmem_shared>> -> memref<128x64xf32, #tpu.memory_space<vmem_shared>>
        %dma_wait3A_62 = arith.constant 0 : i32
        %dma_wait3A_63 = tpu.memref_slice %arg16[%add3A_56, %dma_wait3A_62] : memref<10240x64xf32, #tpu.memory_space<vmem_shared>> -> memref<128x64xf32, #tpu.memory_space<vmem_shared>>
        tpu.wait_dma2 semaphore(%run_scoped3A : memref<!tpu.dma_semaphore, #tpu.memory_space<semaphore_mem>>) src(%arg8 : memref<128x64xf32, #tpu.memory_space<vmem>>) dst(%dma_wait3A_63 : memref<128x64xf32, #tpu.memory_space<vmem_shared>>)
        tpu.yield
      }) : () -> ()
    }
    %scan3A_9 = arith.constant 5 : i32
    "tpu.region"() ({
      %run_scoped3A = tpu.sem_alloc : memref<!tpu.dma_semaphore, #tpu.memory_space<semaphore_mem>>
      %dma_start3A_47 = arith.constant 0 : i32
      %dma_start3A_48 = arith.constant 0 : i32
      %dma_start3A_49 = tpu.memref_slice %arg3[%add3A, %dma_start3A_47, %dma_start3A_48] : memref<32x80x128xi32, #tpu.memory_space<hbm>> -> memref<1x80x128xi32, #tpu.memory_space<hbm>>
      %dma_start3A_50 = tpu.memref_squeeze %dma_start3A_49 : memref<1x80x128xi32, #tpu.memory_space<hbm>> -> memref<80x128xi32, #tpu.memory_space<hbm>>
      %dma_start3A_51 = arith.constant 0 : i32
      %dma_start3A_52 = arith.constant 0 : i32
      %dma_start3A_53 = tpu.memref_slice %arg3[%add3A, %dma_start3A_51, %dma_start3A_52] : memref<32x80x128xi32, #tpu.memory_space<hbm>> -> memref<1x80x128xi32, #tpu.memory_space<hbm>>
      %dma_start3A_54 = tpu.memref_squeeze %dma_start3A_53 : memref<1x80x128xi32, #tpu.memory_space<hbm>> -> memref<80x128xi32, #tpu.memory_space<hbm>>
      tpu.enqueue_dma source(%dma_start3A_54 : memref<80x128xi32, #tpu.memory_space<hbm>>) target(%arg6 : memref<80x128xi32, #tpu.memory_space<vmem>>) target_semaphore(%run_scoped3A : memref<!tpu.dma_semaphore, #tpu.memory_space<semaphore_mem>>)
      %dma_wait3A = arith.constant 0 : i32
      %dma_wait3A_55 = arith.constant 0 : i32
      %dma_wait3A_56 = tpu.memref_slice %arg3[%add3A, %dma_wait3A, %dma_wait3A_55] : memref<32x80x128xi32, #tpu.memory_space<hbm>> -> memref<1x80x128xi32, #tpu.memory_space<hbm>>
      %dma_wait3A_57 = tpu.memref_squeeze %dma_wait3A_56 : memref<1x80x128xi32, #tpu.memory_space<hbm>> -> memref<80x128xi32, #tpu.memory_space<hbm>>
      %dma_wait3A_58 = arith.constant 0 : i32
      %dma_wait3A_59 = arith.constant 0 : i32
      %dma_wait3A_60 = tpu.memref_slice %arg3[%add3A, %dma_wait3A_58, %dma_wait3A_59] : memref<32x80x128xi32, #tpu.memory_space<hbm>> -> memref<1x80x128xi32, #tpu.memory_space<hbm>>
      %dma_wait3A_61 = tpu.memref_squeeze %dma_wait3A_60 : memref<1x80x128xi32, #tpu.memory_space<hbm>> -> memref<80x128xi32, #tpu.memory_space<hbm>>
      tpu.wait_dma2 semaphore(%run_scoped3A : memref<!tpu.dma_semaphore, #tpu.memory_space<semaphore_mem>>) src(%dma_wait3A_61 : memref<80x128xi32, #tpu.memory_space<hbm>>) dst(%arg6 : memref<80x128xi32, #tpu.memory_space<vmem>>)
      tpu.yield
    }) : () -> ()
    "tpu.region"() ({
      %run_scoped3A = tpu.sem_alloc : memref<!tpu.dma_semaphore, #tpu.memory_space<semaphore_mem>>
      %dma_start3A_47 = arith.constant 0 : i32
      %dma_start3A_48 = arith.constant 0 : i32
      %dma_start3A_49 = tpu.memref_slice %arg4[%add3A, %dma_start3A_47, %dma_start3A_48] : memref<32x80x128xi32, #tpu.memory_space<hbm>> -> memref<1x80x128xi32, #tpu.memory_space<hbm>>
      %dma_start3A_50 = tpu.memref_squeeze %dma_start3A_49 : memref<1x80x128xi32, #tpu.memory_space<hbm>> -> memref<80x128xi32, #tpu.memory_space<hbm>>
      %dma_start3A_51 = arith.constant 0 : i32
      %dma_start3A_52 = arith.constant 0 : i32
      %dma_start3A_53 = tpu.memref_slice %arg4[%add3A, %dma_start3A_51, %dma_start3A_52] : memref<32x80x128xi32, #tpu.memory_space<hbm>> -> memref<1x80x128xi32, #tpu.memory_space<hbm>>
      %dma_start3A_54 = tpu.memref_squeeze %dma_start3A_53 : memref<1x80x128xi32, #tpu.memory_space<hbm>> -> memref<80x128xi32, #tpu.memory_space<hbm>>
      tpu.enqueue_dma source(%dma_start3A_54 : memref<80x128xi32, #tpu.memory_space<hbm>>) target(%arg7 : memref<80x128xi32, #tpu.memory_space<vmem>>) target_semaphore(%run_scoped3A : memref<!tpu.dma_semaphore, #tpu.memory_space<semaphore_mem>>)
      %dma_wait3A = arith.constant 0 : i32
      %dma_wait3A_55 = arith.constant 0 : i32
      %dma_wait3A_56 = tpu.memref_slice %arg4[%add3A, %dma_wait3A, %dma_wait3A_55] : memref<32x80x128xi32, #tpu.memory_space<hbm>> -> memref<1x80x128xi32, #tpu.memory_space<hbm>>
      %dma_wait3A_57 = tpu.memref_squeeze %dma_wait3A_56 : memref<1x80x128xi32, #tpu.memory_space<hbm>> -> memref<80x128xi32, #tpu.memory_space<hbm>>
      %dma_wait3A_58 = arith.constant 0 : i32
      %dma_wait3A_59 = arith.constant 0 : i32
      %dma_wait3A_60 = tpu.memref_slice %arg4[%add3A, %dma_wait3A_58, %dma_wait3A_59] : memref<32x80x128xi32, #tpu.memory_space<hbm>> -> memref<1x80x128xi32, #tpu.memory_space<hbm>>
      %dma_wait3A_61 = tpu.memref_squeeze %dma_wait3A_60 : memref<1x80x128xi32, #tpu.memory_space<hbm>> -> memref<80x128xi32, #tpu.memory_space<hbm>>
      tpu.wait_dma2 semaphore(%run_scoped3A : memref<!tpu.dma_semaphore, #tpu.memory_space<semaphore_mem>>) src(%dma_wait3A_61 : memref<80x128xi32, #tpu.memory_space<hbm>>) dst(%arg7 : memref<80x128xi32, #tpu.memory_space<vmem>>)
      tpu.yield
    }) : () -> ()
    %barrier3A = arith.constant 0 : index
    tpu.barrier barrier_id(%barrier3A)
    %dma_start3A = arith.constant 0 : i32
    %dma_start3A_10 = arith.constant 0 : i32
    %dma_start3A_11 = tpu.memref_slice %arg6[%dma_start3A, %dma_start3A_10] : memref<80x128xi32, #tpu.memory_space<vmem>> -> memref<1x128xi32, #tpu.memory_space<vmem>>
    %dma_start3A_12 = tpu.memref_squeeze %dma_start3A_11 : memref<1x128xi32, #tpu.memory_space<vmem>> -> memref<128xi32, #tpu.memory_space<vmem>>
    %dma_start3A_13 = arith.constant 0 : i32
    %dma_start3A_14 = arith.constant 0 : i32
    %dma_start3A_15 = tpu.memref_slice %arg2[%dma_start3A_13, %dma_start3A_14] : memref<10000x64xf32, #tpu.memory_space<hbm>> -> memref<10000x64xf32, #tpu.memory_space<hbm>>
    tpu.enqueue_indirect_dma source(%dma_start3A_15 : memref<10000x64xf32, #tpu.memory_space<hbm>>) target(%arg8 : memref<128x64xf32, #tpu.memory_space<vmem>>) offsets(%dma_start3A_12 : memref<128xi32, #tpu.memory_space<vmem>>) semaphore(%arg17 : memref<!tpu.dma_semaphore, #tpu.memory_space<semaphore_mem>>)
    %dma_start3A_16 = arith.constant 1 : i32
    %dma_start3A_17 = arith.constant 0 : i32
    %dma_start3A_18 = tpu.memref_slice %arg6[%dma_start3A_16, %dma_start3A_17] : memref<80x128xi32, #tpu.memory_space<vmem>> -> memref<1x128xi32, #tpu.memory_space<vmem>>
    %dma_start3A_19 = tpu.memref_squeeze %dma_start3A_18 : memref<1x128xi32, #tpu.memory_space<vmem>> -> memref<128xi32, #tpu.memory_space<vmem>>
    %dma_start3A_20 = arith.constant 0 : i32
    %dma_start3A_21 = arith.constant 0 : i32
    %dma_start3A_22 = tpu.memref_slice %arg2[%dma_start3A_20, %dma_start3A_21] : memref<10000x64xf32, #tpu.memory_space<hbm>> -> memref<10000x64xf32, #tpu.memory_space<hbm>>
    tpu.enqueue_indirect_dma source(%dma_start3A_22 : memref<10000x64xf32, #tpu.memory_space<hbm>>) target(%arg9 : memref<128x64xf32, #tpu.memory_space<vmem>>) offsets(%dma_start3A_19 : memref<128xi32, #tpu.memory_space<vmem>>) semaphore(%arg18 : memref<!tpu.dma_semaphore, #tpu.memory_space<semaphore_mem>>)
    %dma_start3A_23 = arith.constant 2 : i32
    %dma_start3A_24 = arith.constant 0 : i32
    %dma_start3A_25 = tpu.memref_slice %arg6[%dma_start3A_23, %dma_start3A_24] : memref<80x128xi32, #tpu.memory_space<vmem>> -> memref<1x128xi32, #tpu.memory_space<vmem>>
    %dma_start3A_26 = tpu.memref_squeeze %dma_start3A_25 : memref<1x128xi32, #tpu.memory_space<vmem>> -> memref<128xi32, #tpu.memory_space<vmem>>
    %dma_start3A_27 = arith.constant 0 : i32
    %dma_start3A_28 = arith.constant 0 : i32
    %dma_start3A_29 = tpu.memref_slice %arg2[%dma_start3A_27, %dma_start3A_28] : memref<10000x64xf32, #tpu.memory_space<hbm>> -> memref<10000x64xf32, #tpu.memory_space<hbm>>
    tpu.enqueue_indirect_dma source(%dma_start3A_29 : memref<10000x64xf32, #tpu.memory_space<hbm>>) target(%arg10 : memref<128x64xf32, #tpu.memory_space<vmem>>) offsets(%dma_start3A_26 : memref<128xi32, #tpu.memory_space<vmem>>) semaphore(%arg19 : memref<!tpu.dma_semaphore, #tpu.memory_space<semaphore_mem>>)
    %dma_start3A_30 = arith.constant 3 : i32
    %dma_start3A_31 = arith.constant 0 : i32
    %dma_start3A_32 = tpu.memref_slice %arg6[%dma_start3A_30, %dma_start3A_31] : memref<80x128xi32, #tpu.memory_space<vmem>> -> memref<1x128xi32, #tpu.memory_space<vmem>>
    %dma_start3A_33 = tpu.memref_squeeze %dma_start3A_32 : memref<1x128xi32, #tpu.memory_space<vmem>> -> memref<128xi32, #tpu.memory_space<vmem>>
    %dma_start3A_34 = arith.constant 0 : i32
    %dma_start3A_35 = arith.constant 0 : i32
    %dma_start3A_36 = tpu.memref_slice %arg2[%dma_start3A_34, %dma_start3A_35] : memref<10000x64xf32, #tpu.memory_space<hbm>> -> memref<10000x64xf32, #tpu.memory_space<hbm>>
    tpu.enqueue_indirect_dma source(%dma_start3A_36 : memref<10000x64xf32, #tpu.memory_space<hbm>>) target(%arg11 : memref<128x64xf32, #tpu.memory_space<vmem>>) offsets(%dma_start3A_33 : memref<128xi32, #tpu.memory_space<vmem>>) semaphore(%arg20 : memref<!tpu.dma_semaphore, #tpu.memory_space<semaphore_mem>>)
    %scan3A_37 = arith.constant 0 : i32
    %scan3A_38 = arith.constant 10 : i32
    %scan3A_39 = arith.addi %scan3A_37, %scan3A_38 : i32
    %scan3A_40 = arith.constant 1 : i32
    scf.for %scan3A_47 = %scan3A_37 to %scan3A_39 step %scan3A_40  : i32 {
      %mul3A_48 = arith.constant 8 : i32
      %mul3A_49 = arith.muli %scan3A_47, %mul3A_48 : i32
      %add3A_50 = arith.constant 0 : i32
      %add3A_51 = arith.addi %add3A_50, %mul3A_49 : i32
      %add3A_52 = arith.constant 4 : i32
      %add3A_53 = arith.addi %add3A_51, %add3A_52 : i32
      %add3A_54 = arith.constant 0 : i32
      %add3A_55 = arith.addi %add3A_53, %add3A_54 : i32
      %dma_start3A_56 = arith.constant 0 : i32
      %dma_start3A_57 = tpu.memref_slice %arg6[%add3A_55, %dma_start3A_56] : memref<80x128xi32, #tpu.memory_space<vmem>> -> memref<1x128xi32, #tpu.memory_space<vmem>>
      %dma_start3A_58 = tpu.memref_squeeze %dma_start3A_57 : memref<1x128xi32, #tpu.memory_space<vmem>> -> memref<128xi32, #tpu.memory_space<vmem>>
      %dma_start3A_59 = arith.constant 0 : i32
      %dma_start3A_60 = arith.constant 0 : i32
      %dma_start3A_61 = tpu.memref_slice %arg2[%dma_start3A_59, %dma_start3A_60] : memref<10000x64xf32, #tpu.memory_space<hbm>> -> memref<10000x64xf32, #tpu.memory_space<hbm>>
      tpu.enqueue_indirect_dma source(%dma_start3A_61 : memref<10000x64xf32, #tpu.memory_space<hbm>>) target(%arg12 : memref<128x64xf32, #tpu.memory_space<vmem>>) offsets(%dma_start3A_58 : memref<128xi32, #tpu.memory_space<vmem>>) semaphore(%arg21 : memref<!tpu.dma_semaphore, #tpu.memory_space<semaphore_mem>>)
      %add3A_62 = arith.constant 4 : i32
      %add3A_63 = arith.addi %add3A_51, %add3A_62 : i32
      %add3A_64 = arith.constant 1 : i32
      %add3A_65 = arith.addi %add3A_63, %add3A_64 : i32
      %dma_start3A_66 = arith.constant 0 : i32
      %dma_start3A_67 = tpu.memref_slice %arg6[%add3A_65, %dma_start3A_66] : memref<80x128xi32, #tpu.memory_space<vmem>> -> memref<1x128xi32, #tpu.memory_space<vmem>>
      %dma_start3A_68 = tpu.memref_squeeze %dma_start3A_67 : memref<1x128xi32, #tpu.memory_space<vmem>> -> memref<128xi32, #tpu.memory_space<vmem>>
      %dma_start3A_69 = arith.constant 0 : i32
      %dma_start3A_70 = arith.constant 0 : i32
      %dma_start3A_71 = tpu.memref_slice %arg2[%dma_start3A_69, %dma_start3A_70] : memref<10000x64xf32, #tpu.memory_space<hbm>> -> memref<10000x64xf32, #tpu.memory_space<hbm>>
      tpu.enqueue_indirect_dma source(%dma_start3A_71 : memref<10000x64xf32, #tpu.memory_space<hbm>>) target(%arg13 : memref<128x64xf32, #tpu.memory_space<vmem>>) offsets(%dma_start3A_68 : memref<128xi32, #tpu.memory_space<vmem>>) semaphore(%arg22 : memref<!tpu.dma_semaphore, #tpu.memory_space<semaphore_mem>>)
      %add3A_72 = arith.constant 4 : i32
      %add3A_73 = arith.addi %add3A_51, %add3A_72 : i32
      %add3A_74 = arith.constant 2 : i32
      %add3A_75 = arith.addi %add3A_73, %add3A_74 : i32
      %dma_start3A_76 = arith.constant 0 : i32
      %dma_start3A_77 = tpu.memref_slice %arg6[%add3A_75, %dma_start3A_76] : memref<80x128xi32, #tpu.memory_space<vmem>> -> memref<1x128xi32, #tpu.memory_space<vmem>>
      %dma_start3A_78 = tpu.memref_squeeze %dma_start3A_77 : memref<1x128xi32, #tpu.memory_space<vmem>> -> memref<128xi32, #tpu.memory_space<vmem>>
      %dma_start3A_79 = arith.constant 0 : i32
      %dma_start3A_80 = arith.constant 0 : i32
      %dma_start3A_81 = tpu.memref_slice %arg2[%dma_start3A_79, %dma_start3A_80] : memref<10000x64xf32, #tpu.memory_space<hbm>> -> memref<10000x64xf32, #tpu.memory_space<hbm>>
      tpu.enqueue_indirect_dma source(%dma_start3A_81 : memref<10000x64xf32, #tpu.memory_space<hbm>>) target(%arg14 : memref<128x64xf32, #tpu.memory_space<vmem>>) offsets(%dma_start3A_78 : memref<128xi32, #tpu.memory_space<vmem>>) semaphore(%arg23 : memref<!tpu.dma_semaphore, #tpu.memory_space<semaphore_mem>>)
      %add3A_82 = arith.constant 4 : i32
      %add3A_83 = arith.addi %add3A_51, %add3A_82 : i32
      %add3A_84 = arith.constant 3 : i32
      %add3A_85 = arith.addi %add3A_83, %add3A_84 : i32
      %dma_start3A_86 = arith.constant 0 : i32
      %dma_start3A_87 = tpu.memref_slice %arg6[%add3A_85, %dma_start3A_86] : memref<80x128xi32, #tpu.memory_space<vmem>> -> memref<1x128xi32, #tpu.memory_space<vmem>>
      %dma_start3A_88 = tpu.memref_squeeze %dma_start3A_87 : memref<1x128xi32, #tpu.memory_space<vmem>> -> memref<128xi32, #tpu.memory_space<vmem>>
      %dma_start3A_89 = arith.constant 0 : i32
      %dma_start3A_90 = arith.constant 0 : i32
      %dma_start3A_91 = tpu.memref_slice %arg2[%dma_start3A_89, %dma_start3A_90] : memref<10000x64xf32, #tpu.memory_space<hbm>> -> memref<10000x64xf32, #tpu.memory_space<hbm>>
      tpu.enqueue_indirect_dma source(%dma_start3A_91 : memref<10000x64xf32, #tpu.memory_space<hbm>>) target(%arg15 : memref<128x64xf32, #tpu.memory_space<vmem>>) offsets(%dma_start3A_88 : memref<128xi32, #tpu.memory_space<vmem>>) semaphore(%arg24 : memref<!tpu.dma_semaphore, #tpu.memory_space<semaphore_mem>>)
      %dma_wait3A = arith.constant 0 : i32
      %dma_wait3A_92 = arith.constant 0 : i32
      %dma_wait3A_93 = tpu.memref_slice %arg2[%dma_wait3A, %dma_wait3A_92] : memref<10000x64xf32, #tpu.memory_space<hbm>> -> memref<128x64xf32, #tpu.memory_space<hbm>>
      %dma_wait3A_94 = arith.constant 0 : i32
      %dma_wait3A_95 = arith.constant 0 : i32
      %dma_wait3A_96 = tpu.memref_slice %arg2[%dma_wait3A_94, %dma_wait3A_95] : memref<10000x64xf32, #tpu.memory_space<hbm>> -> memref<128x64xf32, #tpu.memory_space<hbm>>
      tpu.wait_dma2 semaphore(%arg17 : memref<!tpu.dma_semaphore, #tpu.memory_space<semaphore_mem>>) src(%dma_wait3A_96 : memref<128x64xf32, #tpu.memory_space<hbm>>) dst(%arg8 : memref<128x64xf32, #tpu.memory_space<vmem>>)
      %add3A_97 = arith.constant 0 : i32
      %add3A_98 = arith.addi %add3A_51, %add3A_97 : i32
      %dma_start3A_99 = arith.constant 0 : i32
      %dma_start3A_100 = tpu.memref_slice %arg7[%add3A_98, %dma_start3A_99] : memref<80x128xi32, #tpu.memory_space<vmem>> -> memref<1x128xi32, #tpu.memory_space<vmem>>
      %dma_start3A_101 = tpu.memref_squeeze %dma_start3A_100 : memref<1x128xi32, #tpu.memory_space<vmem>> -> memref<128xi32, #tpu.memory_space<vmem>>
      %dma_start3A_102 = arith.constant 0 : i32
      %dma_start3A_103 = arith.constant 0 : i32
      %dma_start3A_104 = tpu.memref_slice %arg16[%dma_start3A_102, %dma_start3A_103] : memref<10240x64xf32, #tpu.memory_space<vmem_shared>> -> memref<10240x64xf32, #tpu.memory_space<vmem_shared>>
      tpu.enqueue_indirect_dma source(%arg8 : memref<128x64xf32, #tpu.memory_space<vmem>>) target(%dma_start3A_104 : memref<10240x64xf32, #tpu.memory_space<vmem_shared>>) offsets(%dma_start3A_101 : memref<128xi32, #tpu.memory_space<vmem>>) semaphore(%arg25 : memref<!tpu.dma_semaphore, #tpu.memory_space<semaphore_mem>>) {add = true}
      %dma_wait3A_105 = arith.constant 0 : i32
      %dma_wait3A_106 = arith.constant 0 : i32
      %dma_wait3A_107 = tpu.memref_slice %arg2[%dma_wait3A_105, %dma_wait3A_106] : memref<10000x64xf32, #tpu.memory_space<hbm>> -> memref<128x64xf32, #tpu.memory_space<hbm>>
      %dma_wait3A_108 = arith.constant 0 : i32
      %dma_wait3A_109 = arith.constant 0 : i32
      %dma_wait3A_110 = tpu.memref_slice %arg2[%dma_wait3A_108, %dma_wait3A_109] : memref<10000x64xf32, #tpu.memory_space<hbm>> -> memref<128x64xf32, #tpu.memory_space<hbm>>
      tpu.wait_dma2 semaphore(%arg18 : memref<!tpu.dma_semaphore, #tpu.memory_space<semaphore_mem>>) src(%dma_wait3A_110 : memref<128x64xf32, #tpu.memory_space<hbm>>) dst(%arg9 : memref<128x64xf32, #tpu.memory_space<vmem>>)
      %add3A_111 = arith.constant 1 : i32
      %add3A_112 = arith.addi %add3A_51, %add3A_111 : i32
      %dma_start3A_113 = arith.constant 0 : i32
      %dma_start3A_114 = tpu.memref_slice %arg7[%add3A_112, %dma_start3A_113] : memref<80x128xi32, #tpu.memory_space<vmem>> -> memref<1x128xi32, #tpu.memory_space<vmem>>
      %dma_start3A_115 = tpu.memref_squeeze %dma_start3A_114 : memref<1x128xi32, #tpu.memory_space<vmem>> -> memref<128xi32, #tpu.memory_space<vmem>>
      %dma_start3A_116 = arith.constant 0 : i32
      %dma_start3A_117 = arith.constant 0 : i32
      %dma_start3A_118 = tpu.memref_slice %arg16[%dma_start3A_116, %dma_start3A_117] : memref<10240x64xf32, #tpu.memory_space<vmem_shared>> -> memref<10240x64xf32, #tpu.memory_space<vmem_shared>>
      tpu.enqueue_indirect_dma source(%arg9 : memref<128x64xf32, #tpu.memory_space<vmem>>) target(%dma_start3A_118 : memref<10240x64xf32, #tpu.memory_space<vmem_shared>>) offsets(%dma_start3A_115 : memref<128xi32, #tpu.memory_space<vmem>>) semaphore(%arg26 : memref<!tpu.dma_semaphore, #tpu.memory_space<semaphore_mem>>) {add = true}
      %dma_wait3A_119 = arith.constant 0 : i32
      %dma_wait3A_120 = arith.constant 0 : i32
      %dma_wait3A_121 = tpu.memref_slice %arg2[%dma_wait3A_119, %dma_wait3A_120] : memref<10000x64xf32, #tpu.memory_space<hbm>> -> memref<128x64xf32, #tpu.memory_space<hbm>>
      %dma_wait3A_122 = arith.constant 0 : i32
      %dma_wait3A_123 = arith.constant 0 : i32
      %dma_wait3A_124 = tpu.memref_slice %arg2[%dma_wait3A_122, %dma_wait3A_123] : memref<10000x64xf32, #tpu.memory_space<hbm>> -> memref<128x64xf32, #tpu.memory_space<hbm>>
      tpu.wait_dma2 semaphore(%arg19 : memref<!tpu.dma_semaphore, #tpu.memory_space<semaphore_mem>>) src(%dma_wait3A_124 : memref<128x64xf32, #tpu.memory_space<hbm>>) dst(%arg10 : memref<128x64xf32, #tpu.memory_space<vmem>>)
      %add3A_125 = arith.constant 2 : i32
      %add3A_126 = arith.addi %add3A_51, %add3A_125 : i32
      %dma_start3A_127 = arith.constant 0 : i32
      %dma_start3A_128 = tpu.memref_slice %arg7[%add3A_126, %dma_start3A_127] : memref<80x128xi32, #tpu.memory_space<vmem>> -> memref<1x128xi32, #tpu.memory_space<vmem>>
      %dma_start3A_129 = tpu.memref_squeeze %dma_start3A_128 : memref<1x128xi32, #tpu.memory_space<vmem>> -> memref<128xi32, #tpu.memory_space<vmem>>
      %dma_start3A_130 = arith.constant 0 : i32
      %dma_start3A_131 = arith.constant 0 : i32
      %dma_start3A_132 = tpu.memref_slice %arg16[%dma_start3A_130, %dma_start3A_131] : memref<10240x64xf32, #tpu.memory_space<vmem_shared>> -> memref<10240x64xf32, #tpu.memory_space<vmem_shared>>
      tpu.enqueue_indirect_dma source(%arg10 : memref<128x64xf32, #tpu.memory_space<vmem>>) target(%dma_start3A_132 : memref<10240x64xf32, #tpu.memory_space<vmem_shared>>) offsets(%dma_start3A_129 : memref<128xi32, #tpu.memory_space<vmem>>) semaphore(%arg27 : memref<!tpu.dma_semaphore, #tpu.memory_space<semaphore_mem>>) {add = true}
      %dma_wait3A_133 = arith.constant 0 : i32
      %dma_wait3A_134 = arith.constant 0 : i32
      %dma_wait3A_135 = tpu.memref_slice %arg2[%dma_wait3A_133, %dma_wait3A_134] : memref<10000x64xf32, #tpu.memory_space<hbm>> -> memref<128x64xf32, #tpu.memory_space<hbm>>
      %dma_wait3A_136 = arith.constant 0 : i32
      %dma_wait3A_137 = arith.constant 0 : i32
      %dma_wait3A_138 = tpu.memref_slice %arg2[%dma_wait3A_136, %dma_wait3A_137] : memref<10000x64xf32, #tpu.memory_space<hbm>> -> memref<128x64xf32, #tpu.memory_space<hbm>>
      tpu.wait_dma2 semaphore(%arg20 : memref<!tpu.dma_semaphore, #tpu.memory_space<semaphore_mem>>) src(%dma_wait3A_138 : memref<128x64xf32, #tpu.memory_space<hbm>>) dst(%arg11 : memref<128x64xf32, #tpu.memory_space<vmem>>)
      %add3A_139 = arith.constant 3 : i32
      %add3A_140 = arith.addi %add3A_51, %add3A_139 : i32
      %dma_start3A_141 = arith.constant 0 : i32
      %dma_start3A_142 = tpu.memref_slice %arg7[%add3A_140, %dma_start3A_141] : memref<80x128xi32, #tpu.memory_space<vmem>> -> memref<1x128xi32, #tpu.memory_space<vmem>>
      %dma_start3A_143 = tpu.memref_squeeze %dma_start3A_142 : memref<1x128xi32, #tpu.memory_space<vmem>> -> memref<128xi32, #tpu.memory_space<vmem>>
      %dma_start3A_144 = arith.constant 0 : i32
      %dma_start3A_145 = arith.constant 0 : i32
      %dma_start3A_146 = tpu.memref_slice %arg16[%dma_start3A_144, %dma_start3A_145] : memref<10240x64xf32, #tpu.memory_space<vmem_shared>> -> memref<10240x64xf32, #tpu.memory_space<vmem_shared>>
      tpu.enqueue_indirect_dma source(%arg11 : memref<128x64xf32, #tpu.memory_space<vmem>>) target(%dma_start3A_146 : memref<10240x64xf32, #tpu.memory_space<vmem_shared>>) offsets(%dma_start3A_143 : memref<128xi32, #tpu.memory_space<vmem>>) semaphore(%arg28 : memref<!tpu.dma_semaphore, #tpu.memory_space<semaphore_mem>>) {add = true}
      %dma_wait3A_147 = arith.constant 0 : i32
      %dma_wait3A_148 = tpu.memref_slice %arg7[%add3A_98, %dma_wait3A_147] : memref<80x128xi32, #tpu.memory_space<vmem>> -> memref<1x128xi32, #tpu.memory_space<vmem>>
      %dma_wait3A_149 = tpu.memref_squeeze %dma_wait3A_148 : memref<1x128xi32, #tpu.memory_space<vmem>> -> memref<128xi32, #tpu.memory_space<vmem>>
      %dma_wait3A_150 = arith.constant 0 : i32
      %dma_wait3A_151 = arith.constant 0 : i32
      %dma_wait3A_152 = tpu.memref_slice %arg16[%dma_wait3A_150, %dma_wait3A_151] : memref<10240x64xf32, #tpu.memory_space<vmem_shared>> -> memref<10240x64xf32, #tpu.memory_space<vmem_shared>>
      tpu.wait_indirect_dma semaphore(%arg25 : memref<!tpu.dma_semaphore, #tpu.memory_space<semaphore_mem>>) src(%arg8 : memref<128x64xf32, #tpu.memory_space<vmem>>) dst(%dma_wait3A_152 : memref<10240x64xf32, #tpu.memory_space<vmem_shared>>)
      %add3A_153 = arith.constant 8 : i32
      %add3A_154 = arith.addi %add3A_51, %add3A_153 : i32
      %add3A_155 = arith.constant 0 : i32
      %add3A_156 = arith.addi %add3A_154, %add3A_155 : i32
      %lt3A = arith.constant 80 : i32
      %lt3A_157 = arith.cmpi slt, %add3A_156, %lt3A : i32
      %convert_element_type3A = arith.extui %lt3A_157 : i1 to i32
      %cond3A = arith.constant 0 : i32
      %cond3A_158 = arith.cmpi ne, %convert_element_type3A, %cond3A : i32
      scf.if %cond3A_158 {
        %add3A_292 = arith.constant 8 : i32
        %add3A_293 = arith.addi %add3A_51, %add3A_292 : i32
        %add3A_294 = arith.constant 0 : i32
        %add3A_295 = arith.addi %add3A_293, %add3A_294 : i32
        %dma_start3A_296 = arith.constant 0 : i32
        %dma_start3A_297 = tpu.memref_slice %arg6[%add3A_295, %dma_start3A_296] : memref<80x128xi32, #tpu.memory_space<vmem>> -> memref<1x128xi32, #tpu.memory_space<vmem>>
        %dma_start3A_298 = tpu.memref_squeeze %dma_start3A_297 : memref<1x128xi32, #tpu.memory_space<vmem>> -> memref<128xi32, #tpu.memory_space<vmem>>
        %dma_start3A_299 = arith.constant 0 : i32
        %dma_start3A_300 = arith.constant 0 : i32
        %dma_start3A_301 = tpu.memref_slice %arg2[%dma_start3A_299, %dma_start3A_300] : memref<10000x64xf32, #tpu.memory_space<hbm>> -> memref<10000x64xf32, #tpu.memory_space<hbm>>
        tpu.enqueue_indirect_dma source(%dma_start3A_301 : memref<10000x64xf32, #tpu.memory_space<hbm>>) target(%arg8 : memref<128x64xf32, #tpu.memory_space<vmem>>) offsets(%dma_start3A_298 : memref<128xi32, #tpu.memory_space<vmem>>) semaphore(%arg17 : memref<!tpu.dma_semaphore, #tpu.memory_space<semaphore_mem>>)
      } else {
      }
      %dma_wait3A_159 = arith.constant 0 : i32
      %dma_wait3A_160 = tpu.memref_slice %arg7[%add3A_112, %dma_wait3A_159] : memref<80x128xi32, #tpu.memory_space<vmem>> -> memref<1x128xi32, #tpu.memory_space<vmem>>
      %dma_wait3A_161 = tpu.memref_squeeze %dma_wait3A_160 : memref<1x128xi32, #tpu.memory_space<vmem>> -> memref<128xi32, #tpu.memory_space<vmem>>
      %dma_wait3A_162 = arith.constant 0 : i32
      %dma_wait3A_163 = arith.constant 0 : i32
      %dma_wait3A_164 = tpu.memref_slice %arg16[%dma_wait3A_162, %dma_wait3A_163] : memref<10240x64xf32, #tpu.memory_space<vmem_shared>> -> memref<10240x64xf32, #tpu.memory_space<vmem_shared>>
      tpu.wait_indirect_dma semaphore(%arg26 : memref<!tpu.dma_semaphore, #tpu.memory_space<semaphore_mem>>) src(%arg9 : memref<128x64xf32, #tpu.memory_space<vmem>>) dst(%dma_wait3A_164 : memref<10240x64xf32, #tpu.memory_space<vmem_shared>>)
      %add3A_165 = arith.constant 8 : i32
      %add3A_166 = arith.addi %add3A_51, %add3A_165 : i32
      %add3A_167 = arith.constant 1 : i32
      %add3A_168 = arith.addi %add3A_166, %add3A_167 : i32
      %lt3A_169 = arith.constant 80 : i32
      %lt3A_170 = arith.cmpi slt, %add3A_168, %lt3A_169 : i32
      %convert_element_type3A_171 = arith.extui %lt3A_170 : i1 to i32
      %cond3A_172 = arith.constant 0 : i32
      %cond3A_173 = arith.cmpi ne, %convert_element_type3A_171, %cond3A_172 : i32
      scf.if %cond3A_173 {
        %add3A_292 = arith.constant 8 : i32
        %add3A_293 = arith.addi %add3A_51, %add3A_292 : i32
        %add3A_294 = arith.constant 1 : i32
        %add3A_295 = arith.addi %add3A_293, %add3A_294 : i32
        %dma_start3A_296 = arith.constant 0 : i32
        %dma_start3A_297 = tpu.memref_slice %arg6[%add3A_295, %dma_start3A_296] : memref<80x128xi32, #tpu.memory_space<vmem>> -> memref<1x128xi32, #tpu.memory_space<vmem>>
        %dma_start3A_298 = tpu.memref_squeeze %dma_start3A_297 : memref<1x128xi32, #tpu.memory_space<vmem>> -> memref<128xi32, #tpu.memory_space<vmem>>
        %dma_start3A_299 = arith.constant 0 : i32
        %dma_start3A_300 = arith.constant 0 : i32
        %dma_start3A_301 = tpu.memref_slice %arg2[%dma_start3A_299, %dma_start3A_300] : memref<10000x64xf32, #tpu.memory_space<hbm>> -> memref<10000x64xf32, #tpu.memory_space<hbm>>
        tpu.enqueue_indirect_dma source(%dma_start3A_301 : memref<10000x64xf32, #tpu.memory_space<hbm>>) target(%arg9 : memref<128x64xf32, #tpu.memory_space<vmem>>) offsets(%dma_start3A_298 : memref<128xi32, #tpu.memory_space<vmem>>) semaphore(%arg18 : memref<!tpu.dma_semaphore, #tpu.memory_space<semaphore_mem>>)
      } else {
      }
      %dma_wait3A_174 = arith.constant 0 : i32
      %dma_wait3A_175 = tpu.memref_slice %arg7[%add3A_126, %dma_wait3A_174] : memref<80x128xi32, #tpu.memory_space<vmem>> -> memref<1x128xi32, #tpu.memory_space<vmem>>
      %dma_wait3A_176 = tpu.memref_squeeze %dma_wait3A_175 : memref<1x128xi32, #tpu.memory_space<vmem>> -> memref<128xi32, #tpu.memory_space<vmem>>
      %dma_wait3A_177 = arith.constant 0 : i32
      %dma_wait3A_178 = arith.constant 0 : i32
      %dma_wait3A_179 = tpu.memref_slice %arg16[%dma_wait3A_177, %dma_wait3A_178] : memref<10240x64xf32, #tpu.memory_space<vmem_shared>> -> memref<10240x64xf32, #tpu.memory_space<vmem_shared>>
      tpu.wait_indirect_dma semaphore(%arg27 : memref<!tpu.dma_semaphore, #tpu.memory_space<semaphore_mem>>) src(%arg10 : memref<128x64xf32, #tpu.memory_space<vmem>>) dst(%dma_wait3A_179 : memref<10240x64xf32, #tpu.memory_space<vmem_shared>>)
      %add3A_180 = arith.constant 8 : i32
      %add3A_181 = arith.addi %add3A_51, %add3A_180 : i32
      %add3A_182 = arith.constant 2 : i32
      %add3A_183 = arith.addi %add3A_181, %add3A_182 : i32
      %lt3A_184 = arith.constant 80 : i32
      %lt3A_185 = arith.cmpi slt, %add3A_183, %lt3A_184 : i32
      %convert_element_type3A_186 = arith.extui %lt3A_185 : i1 to i32
      %cond3A_187 = arith.constant 0 : i32
      %cond3A_188 = arith.cmpi ne, %convert_element_type3A_186, %cond3A_187 : i32
      scf.if %cond3A_188 {
        %add3A_292 = arith.constant 8 : i32
        %add3A_293 = arith.addi %add3A_51, %add3A_292 : i32
        %add3A_294 = arith.constant 2 : i32
        %add3A_295 = arith.addi %add3A_293, %add3A_294 : i32
        %dma_start3A_296 = arith.constant 0 : i32
        %dma_start3A_297 = tpu.memref_slice %arg6[%add3A_295, %dma_start3A_296] : memref<80x128xi32, #tpu.memory_space<vmem>> -> memref<1x128xi32, #tpu.memory_space<vmem>>
        %dma_start3A_298 = tpu.memref_squeeze %dma_start3A_297 : memref<1x128xi32, #tpu.memory_space<vmem>> -> memref<128xi32, #tpu.memory_space<vmem>>
        %dma_start3A_299 = arith.constant 0 : i32
        %dma_start3A_300 = arith.constant 0 : i32
        %dma_start3A_301 = tpu.memref_slice %arg2[%dma_start3A_299, %dma_start3A_300] : memref<10000x64xf32, #tpu.memory_space<hbm>> -> memref<10000x64xf32, #tpu.memory_space<hbm>>
        tpu.enqueue_indirect_dma source(%dma_start3A_301 : memref<10000x64xf32, #tpu.memory_space<hbm>>) target(%arg10 : memref<128x64xf32, #tpu.memory_space<vmem>>) offsets(%dma_start3A_298 : memref<128xi32, #tpu.memory_space<vmem>>) semaphore(%arg19 : memref<!tpu.dma_semaphore, #tpu.memory_space<semaphore_mem>>)
      } else {
      }
      %dma_wait3A_189 = arith.constant 0 : i32
      %dma_wait3A_190 = tpu.memref_slice %arg7[%add3A_140, %dma_wait3A_189] : memref<80x128xi32, #tpu.memory_space<vmem>> -> memref<1x128xi32, #tpu.memory_space<vmem>>
      %dma_wait3A_191 = tpu.memref_squeeze %dma_wait3A_190 : memref<1x128xi32, #tpu.memory_space<vmem>> -> memref<128xi32, #tpu.memory_space<vmem>>
      %dma_wait3A_192 = arith.constant 0 : i32
      %dma_wait3A_193 = arith.constant 0 : i32
      %dma_wait3A_194 = tpu.memref_slice %arg16[%dma_wait3A_192, %dma_wait3A_193] : memref<10240x64xf32, #tpu.memory_space<vmem_shared>> -> memref<10240x64xf32, #tpu.memory_space<vmem_shared>>
      tpu.wait_indirect_dma semaphore(%arg28 : memref<!tpu.dma_semaphore, #tpu.memory_space<semaphore_mem>>) src(%arg11 : memref<128x64xf32, #tpu.memory_space<vmem>>) dst(%dma_wait3A_194 : memref<10240x64xf32, #tpu.memory_space<vmem_shared>>)
      %add3A_195 = arith.constant 8 : i32
      %add3A_196 = arith.addi %add3A_51, %add3A_195 : i32
      %add3A_197 = arith.constant 3 : i32
      %add3A_198 = arith.addi %add3A_196, %add3A_197 : i32
      %lt3A_199 = arith.constant 80 : i32
      %lt3A_200 = arith.cmpi slt, %add3A_198, %lt3A_199 : i32
      %convert_element_type3A_201 = arith.extui %lt3A_200 : i1 to i32
      %cond3A_202 = arith.constant 0 : i32
      %cond3A_203 = arith.cmpi ne, %convert_element_type3A_201, %cond3A_202 : i32
      scf.if %cond3A_203 {
        %add3A_292 = arith.constant 8 : i32
        %add3A_293 = arith.addi %add3A_51, %add3A_292 : i32
        %add3A_294 = arith.constant 3 : i32
        %add3A_295 = arith.addi %add3A_293, %add3A_294 : i32
        %dma_start3A_296 = arith.constant 0 : i32
        %dma_start3A_297 = tpu.memref_slice %arg6[%add3A_295, %dma_start3A_296] : memref<80x128xi32, #tpu.memory_space<vmem>> -> memref<1x128xi32, #tpu.memory_space<vmem>>
        %dma_start3A_298 = tpu.memref_squeeze %dma_start3A_297 : memref<1x128xi32, #tpu.memory_space<vmem>> -> memref<128xi32, #tpu.memory_space<vmem>>
        %dma_start3A_299 = arith.constant 0 : i32
        %dma_start3A_300 = arith.constant 0 : i32
        %dma_start3A_301 = tpu.memref_slice %arg2[%dma_start3A_299, %dma_start3A_300] : memref<10000x64xf32, #tpu.memory_space<hbm>> -> memref<10000x64xf32, #tpu.memory_space<hbm>>
        tpu.enqueue_indirect_dma source(%dma_start3A_301 : memref<10000x64xf32, #tpu.memory_space<hbm>>) target(%arg11 : memref<128x64xf32, #tpu.memory_space<vmem>>) offsets(%dma_start3A_298 : memref<128xi32, #tpu.memory_space<vmem>>) semaphore(%arg20 : memref<!tpu.dma_semaphore, #tpu.memory_space<semaphore_mem>>)
      } else {
      }
      %dma_wait3A_204 = arith.constant 0 : i32
      %dma_wait3A_205 = tpu.memref_slice %arg6[%add3A_55, %dma_wait3A_204] : memref<80x128xi32, #tpu.memory_space<vmem>> -> memref<1x128xi32, #tpu.memory_space<vmem>>
      %dma_wait3A_206 = tpu.memref_squeeze %dma_wait3A_205 : memref<1x128xi32, #tpu.memory_space<vmem>> -> memref<128xi32, #tpu.memory_space<vmem>>
      %dma_wait3A_207 = arith.constant 0 : i32
      %dma_wait3A_208 = arith.constant 0 : i32
      %dma_wait3A_209 = tpu.memref_slice %arg2[%dma_wait3A_207, %dma_wait3A_208] : memref<10000x64xf32, #tpu.memory_space<hbm>> -> memref<10000x64xf32, #tpu.memory_space<hbm>>
      tpu.wait_indirect_dma semaphore(%arg21 : memref<!tpu.dma_semaphore, #tpu.memory_space<semaphore_mem>>) src(%dma_wait3A_209 : memref<10000x64xf32, #tpu.memory_space<hbm>>) dst(%arg12 : memref<128x64xf32, #tpu.memory_space<vmem>>)
      %add3A_210 = arith.constant 4 : i32
      %add3A_211 = arith.addi %add3A_51, %add3A_210 : i32
      %add3A_212 = arith.constant 0 : i32
      %add3A_213 = arith.addi %add3A_211, %add3A_212 : i32
      %dma_start3A_214 = arith.constant 0 : i32
      %dma_start3A_215 = tpu.memref_slice %arg7[%add3A_213, %dma_start3A_214] : memref<80x128xi32, #tpu.memory_space<vmem>> -> memref<1x128xi32, #tpu.memory_space<vmem>>
      %dma_start3A_216 = tpu.memref_squeeze %dma_start3A_215 : memref<1x128xi32, #tpu.memory_space<vmem>> -> memref<128xi32, #tpu.memory_space<vmem>>
      %dma_start3A_217 = arith.constant 0 : i32
      %dma_start3A_218 = arith.constant 0 : i32
      %dma_start3A_219 = tpu.memref_slice %arg16[%dma_start3A_217, %dma_start3A_218] : memref<10240x64xf32, #tpu.memory_space<vmem_shared>> -> memref<10240x64xf32, #tpu.memory_space<vmem_shared>>
      tpu.enqueue_indirect_dma source(%arg12 : memref<128x64xf32, #tpu.memory_space<vmem>>) target(%dma_start3A_219 : memref<10240x64xf32, #tpu.memory_space<vmem_shared>>) offsets(%dma_start3A_216 : memref<128xi32, #tpu.memory_space<vmem>>) semaphore(%arg29 : memref<!tpu.dma_semaphore, #tpu.memory_space<semaphore_mem>>) {add = true}
      %dma_wait3A_220 = arith.constant 0 : i32
      %dma_wait3A_221 = tpu.memref_slice %arg6[%add3A_65, %dma_wait3A_220] : memref<80x128xi32, #tpu.memory_space<vmem>> -> memref<1x128xi32, #tpu.memory_space<vmem>>
      %dma_wait3A_222 = tpu.memref_squeeze %dma_wait3A_221 : memref<1x128xi32, #tpu.memory_space<vmem>> -> memref<128xi32, #tpu.memory_space<vmem>>
      %dma_wait3A_223 = arith.constant 0 : i32
      %dma_wait3A_224 = arith.constant 0 : i32
      %dma_wait3A_225 = tpu.memref_slice %arg2[%dma_wait3A_223, %dma_wait3A_224] : memref<10000x64xf32, #tpu.memory_space<hbm>> -> memref<10000x64xf32, #tpu.memory_space<hbm>>
      tpu.wait_indirect_dma semaphore(%arg22 : memref<!tpu.dma_semaphore, #tpu.memory_space<semaphore_mem>>) src(%dma_wait3A_225 : memref<10000x64xf32, #tpu.memory_space<hbm>>) dst(%arg13 : memref<128x64xf32, #tpu.memory_space<vmem>>)
      %add3A_226 = arith.constant 4 : i32
      %add3A_227 = arith.addi %add3A_51, %add3A_226 : i32
      %add3A_228 = arith.constant 1 : i32
      %add3A_229 = arith.addi %add3A_227, %add3A_228 : i32
      %dma_start3A_230 = arith.constant 0 : i32
      %dma_start3A_231 = tpu.memref_slice %arg7[%add3A_229, %dma_start3A_230] : memref<80x128xi32, #tpu.memory_space<vmem>> -> memref<1x128xi32, #tpu.memory_space<vmem>>
      %dma_start3A_232 = tpu.memref_squeeze %dma_start3A_231 : memref<1x128xi32, #tpu.memory_space<vmem>> -> memref<128xi32, #tpu.memory_space<vmem>>
      %dma_start3A_233 = arith.constant 0 : i32
      %dma_start3A_234 = arith.constant 0 : i32
      %dma_start3A_235 = tpu.memref_slice %arg16[%dma_start3A_233, %dma_start3A_234] : memref<10240x64xf32, #tpu.memory_space<vmem_shared>> -> memref<10240x64xf32, #tpu.memory_space<vmem_shared>>
      tpu.enqueue_indirect_dma source(%arg13 : memref<128x64xf32, #tpu.memory_space<vmem>>) target(%dma_start3A_235 : memref<10240x64xf32, #tpu.memory_space<vmem_shared>>) offsets(%dma_start3A_232 : memref<128xi32, #tpu.memory_space<vmem>>) semaphore(%arg30 : memref<!tpu.dma_semaphore, #tpu.memory_space<semaphore_mem>>) {add = true}
      %dma_wait3A_236 = arith.constant 0 : i32
      %dma_wait3A_237 = tpu.memref_slice %arg6[%add3A_75, %dma_wait3A_236] : memref<80x128xi32, #tpu.memory_space<vmem>> -> memref<1x128xi32, #tpu.memory_space<vmem>>
      %dma_wait3A_238 = tpu.memref_squeeze %dma_wait3A_237 : memref<1x128xi32, #tpu.memory_space<vmem>> -> memref<128xi32, #tpu.memory_space<vmem>>
      %dma_wait3A_239 = arith.constant 0 : i32
      %dma_wait3A_240 = arith.constant 0 : i32
      %dma_wait3A_241 = tpu.memref_slice %arg2[%dma_wait3A_239, %dma_wait3A_240] : memref<10000x64xf32, #tpu.memory_space<hbm>> -> memref<10000x64xf32, #tpu.memory_space<hbm>>
      tpu.wait_indirect_dma semaphore(%arg23 : memref<!tpu.dma_semaphore, #tpu.memory_space<semaphore_mem>>) src(%dma_wait3A_241 : memref<10000x64xf32, #tpu.memory_space<hbm>>) dst(%arg14 : memref<128x64xf32, #tpu.memory_space<vmem>>)
      %add3A_242 = arith.constant 4 : i32
      %add3A_243 = arith.addi %add3A_51, %add3A_242 : i32
      %add3A_244 = arith.constant 2 : i32
      %add3A_245 = arith.addi %add3A_243, %add3A_244 : i32
      %dma_start3A_246 = arith.constant 0 : i32
      %dma_start3A_247 = tpu.memref_slice %arg7[%add3A_245, %dma_start3A_246] : memref<80x128xi32, #tpu.memory_space<vmem>> -> memref<1x128xi32, #tpu.memory_space<vmem>>
      %dma_start3A_248 = tpu.memref_squeeze %dma_start3A_247 : memref<1x128xi32, #tpu.memory_space<vmem>> -> memref<128xi32, #tpu.memory_space<vmem>>
      %dma_start3A_249 = arith.constant 0 : i32
      %dma_start3A_250 = arith.constant 0 : i32
      %dma_start3A_251 = tpu.memref_slice %arg16[%dma_start3A_249, %dma_start3A_250] : memref<10240x64xf32, #tpu.memory_space<vmem_shared>> -> memref<10240x64xf32, #tpu.memory_space<vmem_shared>>
      tpu.enqueue_indirect_dma source(%arg14 : memref<128x64xf32, #tpu.memory_space<vmem>>) target(%dma_start3A_251 : memref<10240x64xf32, #tpu.memory_space<vmem_shared>>) offsets(%dma_start3A_248 : memref<128xi32, #tpu.memory_space<vmem>>) semaphore(%arg31 : memref<!tpu.dma_semaphore, #tpu.memory_space<semaphore_mem>>) {add = true}
      %dma_wait3A_252 = arith.constant 0 : i32
      %dma_wait3A_253 = tpu.memref_slice %arg6[%add3A_85, %dma_wait3A_252] : memref<80x128xi32, #tpu.memory_space<vmem>> -> memref<1x128xi32, #tpu.memory_space<vmem>>
      %dma_wait3A_254 = tpu.memref_squeeze %dma_wait3A_253 : memref<1x128xi32, #tpu.memory_space<vmem>> -> memref<128xi32, #tpu.memory_space<vmem>>
      %dma_wait3A_255 = arith.constant 0 : i32
      %dma_wait3A_256 = arith.constant 0 : i32
      %dma_wait3A_257 = tpu.memref_slice %arg2[%dma_wait3A_255, %dma_wait3A_256] : memref<10000x64xf32, #tpu.memory_space<hbm>> -> memref<10000x64xf32, #tpu.memory_space<hbm>>
      tpu.wait_indirect_dma semaphore(%arg24 : memref<!tpu.dma_semaphore, #tpu.memory_space<semaphore_mem>>) src(%dma_wait3A_257 : memref<10000x64xf32, #tpu.memory_space<hbm>>) dst(%arg15 : memref<128x64xf32, #tpu.memory_space<vmem>>)
      %add3A_258 = arith.constant 4 : i32
      %add3A_259 = arith.addi %add3A_51, %add3A_258 : i32
      %add3A_260 = arith.constant 3 : i32
      %add3A_261 = arith.addi %add3A_259, %add3A_260 : i32
      %dma_start3A_262 = arith.constant 0 : i32
      %dma_start3A_263 = tpu.memref_slice %arg7[%add3A_261, %dma_start3A_262] : memref<80x128xi32, #tpu.memory_space<vmem>> -> memref<1x128xi32, #tpu.memory_space<vmem>>
      %dma_start3A_264 = tpu.memref_squeeze %dma_start3A_263 : memref<1x128xi32, #tpu.memory_space<vmem>> -> memref<128xi32, #tpu.memory_space<vmem>>
      %dma_start3A_265 = arith.constant 0 : i32
      %dma_start3A_266 = arith.constant 0 : i32
      %dma_start3A_267 = tpu.memref_slice %arg16[%dma_start3A_265, %dma_start3A_266] : memref<10240x64xf32, #tpu.memory_space<vmem_shared>> -> memref<10240x64xf32, #tpu.memory_space<vmem_shared>>
      tpu.enqueue_indirect_dma source(%arg15 : memref<128x64xf32, #tpu.memory_space<vmem>>) target(%dma_start3A_267 : memref<10240x64xf32, #tpu.memory_space<vmem_shared>>) offsets(%dma_start3A_264 : memref<128xi32, #tpu.memory_space<vmem>>) semaphore(%arg32 : memref<!tpu.dma_semaphore, #tpu.memory_space<semaphore_mem>>) {add = true}
      %dma_wait3A_268 = arith.constant 0 : i32
      %dma_wait3A_269 = tpu.memref_slice %arg7[%add3A_213, %dma_wait3A_268] : memref<80x128xi32, #tpu.memory_space<vmem>> -> memref<1x128xi32, #tpu.memory_space<vmem>>
      %dma_wait3A_270 = tpu.memref_squeeze %dma_wait3A_269 : memref<1x128xi32, #tpu.memory_space<vmem>> -> memref<128xi32, #tpu.memory_space<vmem>>
      %dma_wait3A_271 = arith.constant 0 : i32
      %dma_wait3A_272 = arith.constant 0 : i32
      %dma_wait3A_273 = tpu.memref_slice %arg16[%dma_wait3A_271, %dma_wait3A_272] : memref<10240x64xf32, #tpu.memory_space<vmem_shared>> -> memref<10240x64xf32, #tpu.memory_space<vmem_shared>>
      tpu.wait_indirect_dma semaphore(%arg29 : memref<!tpu.dma_semaphore, #tpu.memory_space<semaphore_mem>>) src(%arg12 : memref<128x64xf32, #tpu.memory_space<vmem>>) dst(%dma_wait3A_273 : memref<10240x64xf32, #tpu.memory_space<vmem_shared>>)
      %dma_wait3A_274 = arith.constant 0 : i32
      %dma_wait3A_275 = tpu.memref_slice %arg7[%add3A_229, %dma_wait3A_274] : memref<80x128xi32, #tpu.memory_space<vmem>> -> memref<1x128xi32, #tpu.memory_space<vmem>>
      %dma_wait3A_276 = tpu.memref_squeeze %dma_wait3A_275 : memref<1x128xi32, #tpu.memory_space<vmem>> -> memref<128xi32, #tpu.memory_space<vmem>>
      %dma_wait3A_277 = arith.constant 0 : i32
      %dma_wait3A_278 = arith.constant 0 : i32
      %dma_wait3A_279 = tpu.memref_slice %arg16[%dma_wait3A_277, %dma_wait3A_278] : memref<10240x64xf32, #tpu.memory_space<vmem_shared>> -> memref<10240x64xf32, #tpu.memory_space<vmem_shared>>
      tpu.wait_indirect_dma semaphore(%arg30 : memref<!tpu.dma_semaphore, #tpu.memory_space<semaphore_mem>>) src(%arg13 : memref<128x64xf32, #tpu.memory_space<vmem>>) dst(%dma_wait3A_279 : memref<10240x64xf32, #tpu.memory_space<vmem_shared>>)
      %dma_wait3A_280 = arith.constant 0 : i32
      %dma_wait3A_281 = tpu.memref_slice %arg7[%add3A_245, %dma_wait3A_280] : memref<80x128xi32, #tpu.memory_space<vmem>> -> memref<1x128xi32, #tpu.memory_space<vmem>>
      %dma_wait3A_282 = tpu.memref_squeeze %dma_wait3A_281 : memref<1x128xi32, #tpu.memory_space<vmem>> -> memref<128xi32, #tpu.memory_space<vmem>>
      %dma_wait3A_283 = arith.constant 0 : i32
      %dma_wait3A_284 = arith.constant 0 : i32
      %dma_wait3A_285 = tpu.memref_slice %arg16[%dma_wait3A_283, %dma_wait3A_284] : memref<10240x64xf32, #tpu.memory_space<vmem_shared>> -> memref<10240x64xf32, #tpu.memory_space<vmem_shared>>
      tpu.wait_indirect_dma semaphore(%arg31 : memref<!tpu.dma_semaphore, #tpu.memory_space<semaphore_mem>>) src(%arg14 : memref<128x64xf32, #tpu.memory_space<vmem>>) dst(%dma_wait3A_285 : memref<10240x64xf32, #tpu.memory_space<vmem_shared>>)
      %dma_wait3A_286 = arith.constant 0 : i32
      %dma_wait3A_287 = tpu.memref_slice %arg7[%add3A_261, %dma_wait3A_286] : memref<80x128xi32, #tpu.memory_space<vmem>> -> memref<1x128xi32, #tpu.memory_space<vmem>>
      %dma_wait3A_288 = tpu.memref_squeeze %dma_wait3A_287 : memref<1x128xi32, #tpu.memory_space<vmem>> -> memref<128xi32, #tpu.memory_space<vmem>>
      %dma_wait3A_289 = arith.constant 0 : i32
      %dma_wait3A_290 = arith.constant 0 : i32
      %dma_wait3A_291 = tpu.memref_slice %arg16[%dma_wait3A_289, %dma_wait3A_290] : memref<10240x64xf32, #tpu.memory_space<vmem_shared>> -> memref<10240x64xf32, #tpu.memory_space<vmem_shared>>
      tpu.wait_indirect_dma semaphore(%arg32 : memref<!tpu.dma_semaphore, #tpu.memory_space<semaphore_mem>>) src(%arg15 : memref<128x64xf32, #tpu.memory_space<vmem>>) dst(%dma_wait3A_291 : memref<10240x64xf32, #tpu.memory_space<vmem_shared>>)
    }
    %scan3A_41 = arith.constant 10 : i32
    %barrier3A_42 = arith.constant 0 : index
    tpu.barrier barrier_id(%barrier3A_42)
    %mul3A_43 = arith.constant 640 : i32
    %mul3A_44 = arith.muli %arg1, %mul3A_43 : i32
    %mul3A_45 = arith.constant 640 : i32
    %mul3A_46 = arith.muli %arg1, %mul3A_45 : i32
    "tpu.region"() ({
      %run_scoped3A = tpu.sem_alloc : memref<!tpu.dma_semaphore, #tpu.memory_space<semaphore_mem>>
      %dma_start3A_47 = arith.constant 0 : i32
      %dma_start3A_48 = arith.constant 0 : i32
      %dma_start3A_49 = tpu.memref_slice %arg5[%arg0, %dma_start3A_47, %dma_start3A_48] : memref<2x10240x64xf32, #tpu.memory_space<hbm>> -> memref<1x10240x64xf32, #tpu.memory_space<hbm>>
      %dma_start3A_50 = tpu.memref_squeeze %dma_start3A_49 : memref<1x10240x64xf32, #tpu.memory_space<hbm>> -> memref<10240x64xf32, #tpu.memory_space<hbm>>
      %dma_start3A_51 = arith.constant 0 : i32
      %dma_start3A_52 = tpu.memref_slice %dma_start3A_50[%mul3A_46, %dma_start3A_51] : memref<10240x64xf32, #tpu.memory_space<hbm>> -> memref<640x64xf32, #tpu.memory_space<hbm>>
      %dma_start3A_53 = arith.constant 0 : i32
      %dma_start3A_54 = tpu.memref_slice %arg16[%mul3A_44, %dma_start3A_53] : memref<10240x64xf32, #tpu.memory_space<vmem_shared>> -> memref<640x64xf32, #tpu.memory_space<vmem_shared>>
      tpu.enqueue_dma source(%dma_start3A_54 : memref<640x64xf32, #tpu.memory_space<vmem_shared>>) target(%dma_start3A_52 : memref<640x64xf32, #tpu.memory_space<hbm>>) target_semaphore(%run_scoped3A : memref<!tpu.dma_semaphore, #tpu.memory_space<semaphore_mem>>)
      %dma_wait3A = arith.constant 0 : i32
      %dma_wait3A_55 = arith.constant 0 : i32
      %dma_wait3A_56 = tpu.memref_slice %arg5[%arg0, %dma_wait3A, %dma_wait3A_55] : memref<2x10240x64xf32, #tpu.memory_space<hbm>> -> memref<1x10240x64xf32, #tpu.memory_space<hbm>>
      %dma_wait3A_57 = tpu.memref_squeeze %dma_wait3A_56 : memref<1x10240x64xf32, #tpu.memory_space<hbm>> -> memref<10240x64xf32, #tpu.memory_space<hbm>>
      %dma_wait3A_58 = arith.constant 0 : i32
      %dma_wait3A_59 = tpu.memref_slice %dma_wait3A_57[%mul3A_46, %dma_wait3A_58] : memref<10240x64xf32, #tpu.memory_space<hbm>> -> memref<640x64xf32, #tpu.memory_space<hbm>>
      %dma_wait3A_60 = arith.constant 0 : i32
      %dma_wait3A_61 = tpu.memref_slice %arg16[%mul3A_44, %dma_wait3A_60] : memref<10240x64xf32, #tpu.memory_space<vmem_shared>> -> memref<640x64xf32, #tpu.memory_space<vmem_shared>>
      tpu.wait_dma2 semaphore(%run_scoped3A : memref<!tpu.dma_semaphore, #tpu.memory_space<semaphore_mem>>) src(%dma_wait3A_61 : memref<640x64xf32, #tpu.memory_space<vmem_shared>>) dst(%dma_wait3A_59 : memref<640x64xf32, #tpu.memory_space<hbm>>)
      tpu.yield
    }) : () -> ()
    return
  }
}

module attributes {stable_mosaic.version = 14 : i64} {
  func.func @body(%arg0: i32, %arg1: memref<2000x128xf32, #tpu.memory_space<vmem>>, %arg2: memref<128x64xf32, #tpu.memory_space<vmem>>, %arg3: memref<2000x64xf32, #tpu.memory_space<vmem>>) attributes {dimension_semantics = [#tpu.dimension_semantics<arbitrary>], iteration_bounds = array<i64: 5>, scalar_prefetch = 0 : i64, scratch_operands = 0 : i64, tpu.core_type = #tpu.core_type<tc>, window_params = [{transform_indices = @transform_0, window_bounds = array<i64: 2000, 128>}, {pipeline_mode = #tpu.pipeline_mode<synchronous>, transform_indices = @transform_1, window_bounds = array<i64: 128, 64>}, {transform_indices = @transform_2, window_bounds = array<i64: 2000, 64>}]} {
    %get3A = arith.constant 0 : index
    %get3A_0 = arith.constant 0 : index
    %get3A_1 = vector.load %arg1[%get3A, %get3A_0] : memref<2000x128xf32, #tpu.memory_space<vmem>>, vector<2000x128xf32>
    %get3A_2 = arith.constant 0 : index
    %get3A_3 = arith.constant 0 : index
    %get3A_4 = vector.load %arg2[%get3A_2, %get3A_3] : memref<128x64xf32, #tpu.memory_space<vmem>>, vector<128x64xf32>
    %dot_general3A = arith.constant dense<0.000000e+00> : vector<2000x64xf32>
    %dot_general3A_5 = tpu.matmul %get3A_1, %get3A_4, %dot_general3A {dimension_numbers = #tpu.dot_dimension_numbers<[1], [0], [0], [1], [0, 0, 1, 1], [], []>, transpose_lhs_hint = false} : vector<2000x128xf32>, vector<128x64xf32>, vector<2000x64xf32> -> vector<2000x64xf32>
    %swap3A = arith.constant 0 : index
    %swap3A_6 = arith.constant 0 : index
    %swap3A_7 = vector.load %arg3[%swap3A, %swap3A_6] : memref<2000x64xf32, #tpu.memory_space<vmem>>, vector<2000x64xf32>
    tpu.vector_store %arg3[%swap3A, %swap3A_6], %dot_general3A_5 {strides = array<i32>} : memref<2000x64xf32, #tpu.memory_space<vmem>>, vector<2000x64xf32>,
    return
  }
  func.func @transform_0(%arg0: i32) -> (i32, i32) {
    %c0_i32 = arith.constant 0 : i32
    %c0_i32_0 = arith.constant 0 : i32
    return %arg0, %c0_i32 : i32, i32
  }
  func.func @transform_1(%arg0: i32) -> (i32, i32) {
    %c0_i32 = arith.constant 0 : i32
    %c0_i32_0 = arith.constant 0 : i32
    %c0_i32_1 = arith.constant 0 : i32
    return %c0_i32, %c0_i32_0 : i32, i32
  }
  func.func @transform_2(%arg0: i32) -> (i32, i32) {
    %c0_i32 = arith.constant 0 : i32
    %c0_i32_0 = arith.constant 0 : i32
    return %arg0, %c0_i32 : i32, i32
  }
}

module attributes {stable_mosaic.version = 14 : i64} {
  func.func @body(%arg0: i32, %arg1: memref<2x2000x16xf32, #tpu.memory_space<vmem>>, %arg2: memref<2000x64xf32, #tpu.memory_space<vmem>>, %arg3: memref<1x64xf32, #tpu.memory_space<vmem>>, %arg4: memref<2000x64xf32, #tpu.memory_space<vmem>>, %arg5: memref<2000x64xf32, #tpu.memory_space<vmem>>, %arg6: memref<2000x16xf32, #tpu.memory_space<vmem>>) attributes {dimension_semantics = [#tpu.dimension_semantics<arbitrary>], iteration_bounds = array<i64: 5>, scalar_prefetch = 0 : i64, scratch_operands = 0 : i64, tpu.core_type = #tpu.core_type<tc>, window_params = [{transform_indices = @transform_0, window_bounds = array<i64: 2, 2000, 16>}, {transform_indices = @transform_1, window_bounds = array<i64: 2000, 64>}, {pipeline_mode = #tpu.pipeline_mode<synchronous>, transform_indices = @transform_2, window_bounds = array<i64: 1, 64>}, {transform_indices = @transform_3, window_bounds = array<i64: 2000, 64>}, {transform_indices = @transform_4, window_bounds = array<i64: 2000, 64>}, {transform_indices = @transform_5, window_bounds = array<i64: 2000, 16>}]} {
    %get3A = arith.constant 0 : index
    %get3A_0 = arith.constant 0 : index
    %get3A_1 = arith.constant 0 : index
    %get3A_2 = vector.load %arg1[%get3A, %get3A_0, %get3A_1] : memref<2x2000x16xf32, #tpu.memory_space<vmem>>, vector<1x2000x16xf32>
    %get3A_3 = vector.shape_cast %get3A_2 : vector<1x2000x16xf32> to vector<2000x16xf32>
    %add3A = arith.constant 1.000000e+00 : f32
    %add3A_4 = vector.broadcast %add3A : f32 to vector<2000x16xf32>
    %add3A_5 = arith.addf %add3A_4, %get3A_3 : vector<2000x16xf32>
    %get3A_6 = arith.constant 1 : index
    %get3A_7 = arith.constant 0 : index
    %get3A_8 = arith.constant 0 : index
    %get3A_9 = vector.load %arg1[%get3A_6, %get3A_7, %get3A_8] : memref<2x2000x16xf32, #tpu.memory_space<vmem>>, vector<1x2000x16xf32>
    %get3A_10 = vector.shape_cast %get3A_9 : vector<1x2000x16xf32> to vector<2000x16xf32>
    %add3A_11 = arith.addf %add3A_5, %get3A_10 : vector<2000x16xf32>
    %rsqrt3A = math.rsqrt %add3A_11 : vector<2000x16xf32>
    %slice3A = vector.extract_strided_slice %rsqrt3A {offsets = [0, 0], sizes = [2000, 1], strides = [1, 1]} : vector<2000x16xf32> to vector<2000x1xf32>
    %get3A_12 = arith.constant 0 : index
    %get3A_13 = arith.constant 0 : index
    %get3A_14 = vector.load %arg2[%get3A_12, %get3A_13] : memref<2000x64xf32, #tpu.memory_space<vmem>>, vector<2000x64xf32>
    %mul3A = vector.broadcast %slice3A : vector<2000x1xf32> to vector<2000x64xf32>
    %mul3A_15 = arith.mulf %get3A_14, %mul3A : vector<2000x64xf32>
    %swap3A = arith.constant 0 : index
    %swap3A_16 = arith.constant 0 : index
    %swap3A_17 = vector.load %arg4[%swap3A, %swap3A_16] : memref<2000x64xf32, #tpu.memory_space<vmem>>, vector<2000x64xf32>
    tpu.vector_store %arg4[%swap3A, %swap3A_16], %mul3A_15 {strides = array<i32>} : memref<2000x64xf32, #tpu.memory_space<vmem>>, vector<2000x64xf32>,
    %mul3A_18 = arith.mulf %slice3A, %slice3A : vector<2000x1xf32>
    %mul3A_19 = vector.broadcast %mul3A_18 : vector<2000x1xf32> to vector<2000x64xf32>
    %mul3A_20 = arith.mulf %get3A_14, %mul3A_19 : vector<2000x64xf32>
    %get3A_21 = arith.constant 0 : index
    %get3A_22 = arith.constant 0 : index
    %get3A_23 = vector.load %arg3[%get3A_21, %get3A_22] : memref<1x64xf32, #tpu.memory_space<vmem>>, vector<1x64xf32>
    %add3A_24 = vector.broadcast %get3A_23 : vector<1x64xf32> to vector<2000x64xf32>
    %add3A_25 = arith.addf %mul3A_20, %add3A_24 : vector<2000x64xf32>
    %swap3A_26 = arith.constant 0 : index
    %swap3A_27 = arith.constant 0 : index
    %swap3A_28 = vector.load %arg5[%swap3A_26, %swap3A_27] : memref<2000x64xf32, #tpu.memory_space<vmem>>, vector<2000x64xf32>
    tpu.vector_store %arg5[%swap3A_26, %swap3A_27], %add3A_25 {strides = array<i32>} : memref<2000x64xf32, #tpu.memory_space<vmem>>, vector<2000x64xf32>,
    %swap3A_29 = arith.constant 0 : index
    %swap3A_30 = arith.constant 0 : index
    %swap3A_31 = vector.load %arg6[%swap3A_29, %swap3A_30] : memref<2000x16xf32, #tpu.memory_space<vmem>>, vector<2000x16xf32>
    tpu.vector_store %arg6[%swap3A_29, %swap3A_30], %rsqrt3A {strides = array<i32>} : memref<2000x16xf32, #tpu.memory_space<vmem>>, vector<2000x16xf32>,
    return
  }
  func.func @transform_0(%arg0: i32) -> (i32, i32, i32) {
    %c0_i32 = arith.constant 0 : i32
    %c0_i32_0 = arith.constant 0 : i32
    %c0_i32_1 = arith.constant 0 : i32
    return %c0_i32, %arg0, %c0_i32_0 : i32, i32, i32
  }
  func.func @transform_1(%arg0: i32) -> (i32, i32) {
    %c0_i32 = arith.constant 0 : i32
    %c0_i32_0 = arith.constant 0 : i32
    return %arg0, %c0_i32 : i32, i32
  }
  func.func @transform_2(%arg0: i32) -> (i32, i32) {
    %c0_i32 = arith.constant 0 : i32
    %c0_i32_0 = arith.constant 0 : i32
    %c0_i32_1 = arith.constant 0 : i32
    return %c0_i32, %c0_i32_0 : i32, i32
  }
  func.func @transform_3(%arg0: i32) -> (i32, i32) {
    %c0_i32 = arith.constant 0 : i32
    %c0_i32_0 = arith.constant 0 : i32
    return %arg0, %c0_i32 : i32, i32
  }
  func.func @transform_4(%arg0: i32) -> (i32, i32) {
    %c0_i32 = arith.constant 0 : i32
    %c0_i32_0 = arith.constant 0 : i32
    return %arg0, %c0_i32 : i32, i32
  }
  func.func @transform_5(%arg0: i32) -> (i32, i32) {
    %c0_i32 = arith.constant 0 : i32
    %c0_i32_0 = arith.constant 0 : i32
    return %arg0, %c0_i32 : i32, i32
  }
}

module attributes {stable_mosaic.version = 14 : i64} {
  func.func @body(%arg0: i32, %arg1: memref<2x2000x64xf32, #tpu.memory_space<vmem>>, %arg2: memref<2000x16xf32, #tpu.memory_space<vmem>>, %arg3: memref<2000x64xf32, #tpu.memory_space<vmem>>, %arg4: memref<2000x64xf32, #tpu.memory_space<vmem>>, %arg5: memref<2000x64xf32, #tpu.memory_space<vmem>>) attributes {dimension_semantics = [#tpu.dimension_semantics<arbitrary>], iteration_bounds = array<i64: 5>, scalar_prefetch = 0 : i64, scratch_operands = 0 : i64, tpu.core_type = #tpu.core_type<tc>, window_params = [{transform_indices = @transform_0, window_bounds = array<i64: 2, 2000, 64>}, {transform_indices = @transform_1, window_bounds = array<i64: 2000, 16>}, {transform_indices = @transform_2, window_bounds = array<i64: 2000, 64>}, {transform_indices = @transform_3, window_bounds = array<i64: 2000, 64>}, {transform_indices = @transform_4, window_bounds = array<i64: 2000, 64>}]} {
    %get3A = arith.constant 0 : index
    %get3A_0 = arith.constant 0 : index
    %get3A_1 = vector.load %arg2[%get3A, %get3A_0] : memref<2000x16xf32, #tpu.memory_space<vmem>>, vector<2000x1xf32>
    %get3A_2 = arith.constant 0 : index
    %get3A_3 = arith.constant 0 : index
    %get3A_4 = arith.constant 0 : index
    %get3A_5 = vector.load %arg1[%get3A_2, %get3A_3, %get3A_4] : memref<2x2000x64xf32, #tpu.memory_space<vmem>>, vector<1x2000x64xf32>
    %get3A_6 = vector.shape_cast %get3A_5 : vector<1x2000x64xf32> to vector<2000x64xf32>
    %get3A_7 = arith.constant 1 : index
    %get3A_8 = arith.constant 0 : index
    %get3A_9 = arith.constant 0 : index
    %get3A_10 = vector.load %arg1[%get3A_7, %get3A_8, %get3A_9] : memref<2x2000x64xf32, #tpu.memory_space<vmem>>, vector<1x2000x64xf32>
    %get3A_11 = vector.shape_cast %get3A_10 : vector<1x2000x64xf32> to vector<2000x64xf32>
    %add3A = arith.addf %get3A_6, %get3A_11 : vector<2000x64xf32>
    %mul3A = vector.broadcast %get3A_1 : vector<2000x1xf32> to vector<2000x64xf32>
    %mul3A_12 = arith.mulf %mul3A, %add3A : vector<2000x64xf32>
    %get3A_13 = arith.constant 0 : index
    %get3A_14 = arith.constant 0 : index
    %get3A_15 = vector.load %arg3[%get3A_13, %get3A_14] : memref<2000x64xf32, #tpu.memory_space<vmem>>, vector<2000x64xf32>
    %add3A_16 = arith.addf %mul3A_12, %get3A_15 : vector<2000x64xf32>
    %max3A = arith.constant 0.000000e+00 : f32
    %max3A_17 = vector.broadcast %max3A : f32 to vector<2000x64xf32>
    %max3A_18 = arith.maximumf %add3A_16, %max3A_17 : vector<2000x64xf32>
    %mul3A_19 = vector.broadcast %get3A_1 : vector<2000x1xf32> to vector<2000x64xf32>
    %mul3A_20 = arith.mulf %max3A_18, %mul3A_19 : vector<2000x64xf32>
    %swap3A = arith.constant 0 : index
    %swap3A_21 = arith.constant 0 : index
    %swap3A_22 = vector.load %arg4[%swap3A, %swap3A_21] : memref<2000x64xf32, #tpu.memory_space<vmem>>, vector<2000x64xf32>
    tpu.vector_store %arg4[%swap3A, %swap3A_21], %mul3A_20 {strides = array<i32>} : memref<2000x64xf32, #tpu.memory_space<vmem>>, vector<2000x64xf32>,
    %mul3A_23 = arith.mulf %get3A_1, %get3A_1 : vector<2000x1xf32>
    %mul3A_24 = vector.broadcast %mul3A_23 : vector<2000x1xf32> to vector<2000x64xf32>
    %mul3A_25 = arith.mulf %max3A_18, %mul3A_24 : vector<2000x64xf32>
    %swap3A_26 = arith.constant 0 : index
    %swap3A_27 = arith.constant 0 : index
    %swap3A_28 = vector.load %arg5[%swap3A_26, %swap3A_27] : memref<2000x64xf32, #tpu.memory_space<vmem>>, vector<2000x64xf32>
    tpu.vector_store %arg5[%swap3A_26, %swap3A_27], %mul3A_25 {strides = array<i32>} : memref<2000x64xf32, #tpu.memory_space<vmem>>, vector<2000x64xf32>,
    return
  }
  func.func @transform_0(%arg0: i32) -> (i32, i32, i32) {
    %c0_i32 = arith.constant 0 : i32
    %c0_i32_0 = arith.constant 0 : i32
    %c0_i32_1 = arith.constant 0 : i32
    return %c0_i32, %arg0, %c0_i32_0 : i32, i32, i32
  }
  func.func @transform_1(%arg0: i32) -> (i32, i32) {
    %c0_i32 = arith.constant 0 : i32
    %c0_i32_0 = arith.constant 0 : i32
    return %arg0, %c0_i32 : i32, i32
  }
  func.func @transform_2(%arg0: i32) -> (i32, i32) {
    %c0_i32 = arith.constant 0 : i32
    %c0_i32_0 = arith.constant 0 : i32
    return %arg0, %c0_i32 : i32, i32
  }
  func.func @transform_3(%arg0: i32) -> (i32, i32) {
    %c0_i32 = arith.constant 0 : i32
    %c0_i32_0 = arith.constant 0 : i32
    return %arg0, %c0_i32 : i32, i32
  }
  func.func @transform_4(%arg0: i32) -> (i32, i32) {
    %c0_i32 = arith.constant 0 : i32
    %c0_i32_0 = arith.constant 0 : i32
    return %arg0, %c0_i32 : i32, i32
  }
}

module attributes {stable_mosaic.version = 14 : i64} {
  func.func @body(%arg0: i32, %arg1: memref<2x2000x64xf32, #tpu.memory_space<vmem>>, %arg2: memref<2000x16xf32, #tpu.memory_space<vmem>>, %arg3: memref<2000x64xf32, #tpu.memory_space<vmem>>, %arg4: memref<64x128xf32, #tpu.memory_space<vmem>>, %arg5: memref<1x128xf32, #tpu.memory_space<vmem>>, %arg6: memref<2000x128xf32, #tpu.memory_space<vmem>>) attributes {dimension_semantics = [#tpu.dimension_semantics<arbitrary>], iteration_bounds = array<i64: 5>, scalar_prefetch = 0 : i64, scratch_operands = 0 : i64, tpu.core_type = #tpu.core_type<tc>, window_params = [{transform_indices = @transform_0, window_bounds = array<i64: 2, 2000, 64>}, {transform_indices = @transform_1, window_bounds = array<i64: 2000, 16>}, {transform_indices = @transform_2, window_bounds = array<i64: 2000, 64>}, {pipeline_mode = #tpu.pipeline_mode<synchronous>, transform_indices = @transform_3, window_bounds = array<i64: 64, 128>}, {pipeline_mode = #tpu.pipeline_mode<synchronous>, transform_indices = @transform_4, window_bounds = array<i64: 1, 128>}, {transform_indices = @transform_5, window_bounds = array<i64: 2000, 128>}]} {
    %get3A = arith.constant 0 : index
    %get3A_0 = arith.constant 0 : index
    %get3A_1 = vector.load %arg2[%get3A, %get3A_0] : memref<2000x16xf32, #tpu.memory_space<vmem>>, vector<2000x1xf32>
    %get3A_2 = arith.constant 0 : index
    %get3A_3 = arith.constant 0 : index
    %get3A_4 = arith.constant 0 : index
    %get3A_5 = vector.load %arg1[%get3A_2, %get3A_3, %get3A_4] : memref<2x2000x64xf32, #tpu.memory_space<vmem>>, vector<1x2000x64xf32>
    %get3A_6 = vector.shape_cast %get3A_5 : vector<1x2000x64xf32> to vector<2000x64xf32>
    %get3A_7 = arith.constant 1 : index
    %get3A_8 = arith.constant 0 : index
    %get3A_9 = arith.constant 0 : index
    %get3A_10 = vector.load %arg1[%get3A_7, %get3A_8, %get3A_9] : memref<2x2000x64xf32, #tpu.memory_space<vmem>>, vector<1x2000x64xf32>
    %get3A_11 = vector.shape_cast %get3A_10 : vector<1x2000x64xf32> to vector<2000x64xf32>
    %add3A = arith.addf %get3A_6, %get3A_11 : vector<2000x64xf32>
    %mul3A = vector.broadcast %get3A_1 : vector<2000x1xf32> to vector<2000x64xf32>
    %mul3A_12 = arith.mulf %mul3A, %add3A : vector<2000x64xf32>
    %get3A_13 = arith.constant 0 : index
    %get3A_14 = arith.constant 0 : index
    %get3A_15 = vector.load %arg3[%get3A_13, %get3A_14] : memref<2000x64xf32, #tpu.memory_space<vmem>>, vector<2000x64xf32>
    %add3A_16 = arith.addf %mul3A_12, %get3A_15 : vector<2000x64xf32>
    %get3A_17 = arith.constant 0 : index
    %get3A_18 = arith.constant 0 : index
    %get3A_19 = vector.load %arg4[%get3A_17, %get3A_18] : memref<64x128xf32, #tpu.memory_space<vmem>>, vector<64x128xf32>
    %dot_general3A = arith.constant dense<0.000000e+00> : vector<2000x128xf32>
    %dot_general3A_20 = tpu.matmul %add3A_16, %get3A_19, %dot_general3A {dimension_numbers = #tpu.dot_dimension_numbers<[1], [0], [0], [1], [0, 0, 1, 1], [], []>, transpose_lhs_hint = false} : vector<2000x64xf32>, vector<64x128xf32>, vector<2000x128xf32> -> vector<2000x128xf32>
    %get3A_21 = arith.constant 0 : index
    %get3A_22 = arith.constant 0 : index
    %get3A_23 = vector.load %arg5[%get3A_21, %get3A_22] : memref<1x128xf32, #tpu.memory_space<vmem>>, vector<1x128xf32>
    %add3A_24 = vector.broadcast %get3A_23 : vector<1x128xf32> to vector<2000x128xf32>
    %add3A_25 = arith.addf %dot_general3A_20, %add3A_24 : vector<2000x128xf32>
    %swap3A = arith.constant 0 : index
    %swap3A_26 = arith.constant 0 : index
    %swap3A_27 = vector.load %arg6[%swap3A, %swap3A_26] : memref<2000x128xf32, #tpu.memory_space<vmem>>, vector<2000x128xf32>
    tpu.vector_store %arg6[%swap3A, %swap3A_26], %add3A_25 {strides = array<i32>} : memref<2000x128xf32, #tpu.memory_space<vmem>>, vector<2000x128xf32>,
    return
  }
  func.func @transform_0(%arg0: i32) -> (i32, i32, i32) {
    %c0_i32 = arith.constant 0 : i32
    %c0_i32_0 = arith.constant 0 : i32
    %c0_i32_1 = arith.constant 0 : i32
    return %c0_i32, %arg0, %c0_i32_0 : i32, i32, i32
  }
  func.func @transform_1(%arg0: i32) -> (i32, i32) {
    %c0_i32 = arith.constant 0 : i32
    %c0_i32_0 = arith.constant 0 : i32
    return %arg0, %c0_i32 : i32, i32
  }
  func.func @transform_2(%arg0: i32) -> (i32, i32) {
    %c0_i32 = arith.constant 0 : i32
    %c0_i32_0 = arith.constant 0 : i32
    return %arg0, %c0_i32 : i32, i32
  }
  func.func @transform_3(%arg0: i32) -> (i32, i32) {
    %c0_i32 = arith.constant 0 : i32
    %c0_i32_0 = arith.constant 0 : i32
    %c0_i32_1 = arith.constant 0 : i32
    return %c0_i32, %c0_i32_0 : i32, i32
  }
  func.func @transform_4(%arg0: i32) -> (i32, i32) {
    %c0_i32 = arith.constant 0 : i32
    %c0_i32_0 = arith.constant 0 : i32
    %c0_i32_1 = arith.constant 0 : i32
    return %c0_i32, %c0_i32_0 : i32, i32
  }
  func.func @transform_5(%arg0: i32) -> (i32, i32) {
    %c0_i32 = arith.constant 0 : i32
    %c0_i32_0 = arith.constant 0 : i32
    return %arg0, %c0_i32 : i32, i32
  }
}

</mosaic_0001>

<sc_bundles>
// kernel: kernel.12.cloned.1.call-start
scs
__scs_entry_jumppad:
0x0: {  	(pc) =	sbr.rel $0x88, $3  }
0x1: {  	(tag) =	ssettag $0x0;
	lr =	simm.s32 $0x1  }
0x2: {  	[smem:$0x3F9B] =	sst lr;
	_ =	strace $0xD0000000  }
0x3: {  	_ = 	snop  }
0x4: {  	_ = 	snop  }
0x5: {  	_ = 	snop  }
0x6: {  	_ = 	snop  }
0x7: {  	_ = 	snop  }
__scs_overlays_trampoline_lowered:
0x8: {  	[smem:$0x3FAA] =	sst s0  }
0x9: {  	[smem:$0x3FAB] =	sst s1  }
0xa: {  	[smem:$0x3FAC] =	sst s2  }
0xb: {  	[smem:$0x3FAD] =	sst s3  }
0xc: {  	[smem:$0x3FAE] =	sst s4  }
0xd: {  	[smem:$0x3FAF] =	sst s5  }
0xe: {  	[smem:$0x3FB0] =	sst s6  }
0xf: {  	[smem:$0x3FB1] =	sst s7  }
0x10: {  	[smem:$0x3FB2] =	sst s8  }
0x11: {  	[smem:$0x3FB3] =	sst s9;
	s0 =	simm.s32 @!p0 $0x0  }
0x12: {  	s1 =	sld [smem:$0x3F99];
	s0 =	simm.s32 @p0 $0x1  }
0x13: {  	[smem:$0x3FB4] =	sst s0;
	s0 =	simm.s32 @!p1 $0x0  }
0x14: {  	s2 =	sld [smem:$0x3F98];
	s0 =	simm.s32 @p1 $0x1  }
0x15: {  	[smem:$0x3FB5] =	sst s0;
	s0 =	simm.s32 @!p2 $0x0  }
0x16: {  	s3 =	sld [smem:$0x3FDB];
	s0 =	simm.s32 @p2 $0x1  }
0x17: {  	s4 =	simm.s32 $0x1BF5;
	[smem:$0x3FB7] =	sst s0  }
0x18: {  	s0 =	sld [smem:$0x3F9A];
	_ =	swait.ge [sflag:s4], $0x0  }
0x19: {  	s7 =	sld [smem:$0x3F9B]  }
0x1a: {  	s8 =	sadd.s32 $0xFFFFE003, lr  }
0x1b: {  	s9 =	sadd.s32 $0xFFFFFEF7, lr;
	s5 =	simm.s32 $0xFFFFFFFF;
	p2 =	slt.u32 s8, $0xFFFFF086  }
0x1c: {  	p1 =	slt.u32 s9, $0xF7A;
	s5 =	simm.s32 @!p2 $0x0  }
0x1d: {  	s5 =	simm.s32 @p1 $0x1;
	p0 =	seq.s32 s7, s2  }
0x1e: {  	s7 =	smul.u32 @!p0 $0xF7A, s2;
	p2 =	seq.s32 @!p0 s5, $0x0  }
0x1f: {  	s9 =	smul.u32 $0xF7A, s1;
	s8 =	simm.s32 @!p0 $0x1BF5;
	p2 =	por !p2, p0  }
0x20: {  	[sflag:s8] =	ssyncset.s32 @!p0 $0xFFFFF086;
	s6 =	sadd.s32 @!p0 s3, s7;
	s7 =	simm.s32 @!p0 $0x108  }
0x21: {  	s3 =	sadd.s32 s3, s9;
	s6 =	sadd.s32 @!p0 $0x88, s6;
	s7 =	simm.s32 @p2 $0x1082  }
0x22: {  	[simem:s7], [sflag:s8] =	dma.local @!p0 [hbm:s6], $0xF7A  }
0x23: {  	s9 =	sor.u32 $0xD0000000, s2;
	s6 =	simm.s32 $0x108;
	_ =	swait.ge @!p0 [sflag:s8], $0x0  }
0x24: {  	s3 =	sadd.s32 $0x88, s3;
	s6 =	simm.s32 @!p1 $0x1082;
	[sflag:s4] =	ssyncset.s32 $0xFFFFF086  }
0x25: {  	[simem:s6], [sflag:s4] =	dma.local [hbm:s3], $0xF7A  }
0x26: {  	[smem:$0x3F9B] =	sst s1;
	(tag) =	ssettag s2;
	_ =	strace s9  }
0x27: {  	s1 =	sld [smem:$0x3FAB]  }
0x28: {  	s2 =	sld [smem:$0x3FAC]  }
0x29: {  	s4 =	sld [smem:$0x3FAE]  }
0x2a: {  	p0 =	seq.s32 s5, $0x0;
	s5 =	sld [smem:$0x3FAF]  }
0x2b: {  	s6 =	sld [smem:$0x3FB0]  }
0x2c: {  	s7 =	sld [smem:$0x3FB1]  }
0x2d: {  	s3 =	simm.s32 $0x108;
	s8 =	sld [smem:$0x3FB2]  }
0x2e: {  	s3 =	simm.s32 @!p0 $0x1082;
	s9 =	sld [smem:$0x3FB3]  }
0x2f: {  	lr =	sadd.s32 s0, s3;
	s0 =	sld [smem:$0x3FAA]  }
0x30: {  	s3 =	sld [smem:$0x3FAD]  }
0x31: {  	[smem:$0x3FB6] =	sst s10  }
0x32: {  	s10 =	sld [smem:$0x3FB4];
	_ =	sdelay $0x3  }
0x33: {  	p0 =	seq.s32 s10, $0x1;
	s10 =	sld [smem:$0x3FB6];
	_ =	sdelay $0x3  }
0x34: {  	[smem:$0x3FB6] =	sst s10  }
0x35: {  	s10 =	sld [smem:$0x3FB5];
	_ =	sdelay $0x3  }
0x36: {  	p1 =	seq.s32 s10, $0x1;
	s10 =	sld [smem:$0x3FB6];
	_ =	sdelay $0x3  }
0x37: {  	[smem:$0x3FB6] =	sst s10  }
0x38: {  	s10 =	sld [smem:$0x3FB7]  }
0x39: {  	_ = 	snop;
	(pc) =	sbr.ind lr, $3  }
0x3a: {  	_ = 	snop  }
0x3b: {  	_ = 	snop  }
0x3c: {  	p2 =	seq.s32 s10, $0x1;
	s10 =	sld [smem:$0x3FB6]  }
0x3d: {  	_ =	shalt  }
0x3e: {  	_ =	shalt  }
0x3f: {  	_ =	shalt  }
0x40: {  	_ =	shalt  }
0x41: {  	_ =	shalt  }
0x42: {  	_ =	shalt  }
0x43: {  	_ =	shalt  }
0x44: {  	_ =	shalt  }
0x45: {  	_ =	shalt  }
0x46: {  	_ =	shalt  }
0x47: {  	_ =	shalt  }
0x48: {  	_ =	shalt  }
0x49: {  	_ =	shalt  }
0x4a: {  	_ =	shalt  }
0x4b: {  	_ =	shalt  }
0x4c: {  	_ =	shalt  }
0x4d: {  	_ =	shalt  }
0x4e: {  	_ =	shalt  }
0x4f: {  	_ =	shalt  }
0x50: {  	_ =	shalt  }
0x51: {  	_ =	shalt  }
0x52: {  	_ =	shalt  }
0x53: {  	_ =	shalt  }
0x54: {  	_ =	shalt  }
0x55: {  	_ =	shalt  }
0x56: {  	_ =	shalt  }
0x57: {  	_ =	shalt  }
0x58: {  	_ =	shalt  }
0x59: {  	_ =	shalt  }
0x5a: {  	_ =	shalt  }
0x5b: {  	_ =	shalt  }
0x5c: {  	_ =	shalt  }
0x5d: {  	_ =	shalt  }
0x5e: {  	_ =	shalt  }
0x5f: {  	_ =	shalt  }
0x60: {  	_ =	shalt  }
0x61: {  	_ =	shalt  }
0x62: {  	_ =	shalt  }
0x63: {  	_ =	shalt  }
0x64: {  	_ =	shalt  }
0x65: {  	_ =	shalt  }
0x66: {  	_ =	shalt  }
0x67: {  	_ =	shalt  }
0x68: {  	_ =	shalt  }
0x69: {  	_ =	shalt  }
0x6a: {  	_ =	shalt  }
0x6b: {  	_ =	shalt  }
0x6c: {  	_ =	shalt  }
0x6d: {  	_ =	shalt  }
0x6e: {  	_ =	shalt  }
0x6f: {  	_ =	shalt  }
0x70: {  	_ =	shalt  }
0x71: {  	_ =	shalt  }
0x72: {  	_ =	shalt  }
0x73: {  	_ =	shalt  }
0x74: {  	_ =	shalt  }
0x75: {  	_ =	shalt  }
0x76: {  	_ =	shalt  }
0x77: {  	_ =	shalt  }
0x78: {  	_ =	shalt  }
0x79: {  	_ =	shalt  }
0x7a: {  	_ =	shalt  }
0x7b: {  	_ =	shalt  }
0x7c: {  	_ =	shalt  }
0x7d: {  	_ =	shalt  }
0x7e: {  	_ =	shalt  }
0x7f: {  	_ =	shalt  }
0x80: {  	_ =	shalt  }
0x81: {  	_ =	shalt  }
0x82: {  	_ =	shalt  }
0x83: {  	_ =	shalt  }
0x84: {  	_ =	shalt  }
0x85: {  	_ =	shalt  }
0x86: {  	_ =	shalt  }
0x87: {  	_ =	shalt  }
.Lfunc_end0:
.L_simem_size_0:
called_computation.1_lowered:
.L_overlay_start_0:
0x88: {  	s2 =	sld [smem:$0x3FD9]  }
0x89: {  	s3 =	sld [smem:$0x3FFE];
	_ =	sdelay $0x1  }
0x8a: {  	s1 =	srdreg.scid  }
0x8b: {  	s0 =	sand.u32 $0x1, s1  }
0x8c: {  	s17 =	sshll.u32 s0, $0xA;
	s2 =	sadd.s32 s3, s2  }
0x8d: {  	s2 =	sadd.s32 s2, s17  }
0x8e: {  	[smem:$0x3FC2] =	sst s2  }
0x8f: {  	_ = 	snop  }
0x90: {  	s2 =	sld [smem:$0x3FD0];
	(tm) =	ssettm $0x1  }
0x91: {  	s18 =	sld [smem:$0x3FFB];
	_ =	sdelay $0x3  }
0x92: {  	_ =	strace s18  }
0x93: {  	s3 =	sld [smem:$0x3FFC];
	_ =	sdelay $0x3  }
0x94: {  	_ =	strace s3  }
0x95: {  	s3 =	sld [smem:$0x3FFD];
	_ =	sdelay $0x3  }
0x96: {  	_ =	strace s3  }
0x97: {  	_ =	strace $0x8FFFFFFF  }
0x98: {  	s19 =	sld [smem:$0x3FDB];
	_ =	sdelay $0x1  }
0x99: {  	s4 =	simm.s32 $_scs_section_size  }
0x9a: {  	s5 =	simm.s32 $_size__tile_overlayer_lowered;
	s6 =	simm.s32 $_tile_overlayer_lowered  }
0x9b: {  	s22 =	simm.s32 $0x1BFF;
	s21 =	sshll.u32 s6, $0x1;
	s3 =	sadd.s32 s4, s19  }
0x9c: {  	s7 =	simm.s32 $0x0;
	s20 =	sshll.u32 s5, $0x1;
	s5 =	sadd.s32 s21, s3  }
0x9d: {  	[timem:s7], [sflag:s22] =	dma.local [hbm:s5], s20  }
0x9e: {  	_ =	swait.ge [sflag:s22], s20  }
0x9f: {  	s4 =	ssub.s32 $0x0, s20;
	[sflag:s22] =	ssyncset.done $0x0  }
0xa0: {  	[sflag:s22] =	ssyncadd.s32 s4;
	_ =	sdelay $0x1  }
0xa1: {  	s23 =	simm.s32 $0x1B8B  }
0xa2: {  	_ =	swait.ge [sflag:s23], $0x1  }
0xa3: {  	[sflag:s23] =	ssyncset.done $0x0  }
0xa4: {  	s25 =	simm.s32 $0x1B8E;
	s24 =	sld [smem:$0x3FFE];
	[sflag:s23] =	ssyncadd.s32 $0xFFFFFFFF  }
0xa5: {  	s26 =	simm.s32 $execute0_lowered;
	[smem:$0x3FD2] =	sst s25  }
0xa6: {  	s5 =	sshll.u32 s26, $0x1;
	_ =	strace $0x80000049;
	[dreg:$0x1] =	wrdreg $0xFFFFFFFF  }
0xa7: {  	s28 =	simm.s32 $_size_execute0_lowered;
	s3 =	sadd.s32 s3, s5;
	[dreg:$0x0] =	wrdreg $0x0  }
0xa8: {  	s5 =	sshll.u32 s28, $0x1;
	[dreg:$0x2] =	wrdreg s3  }
0xa9: {  	[dreg:$0x3] =	wrdreg s5  }
0xaa: {  	[dreg:$0x4] =	wrdreg $0xC0  }
0xab: {  	_ =	task [dreg:s7], $0x5FFFF  }
0xac: {  	[dreg:$0x1] =	wrdreg $0xFFFFFFFF  }
0xad: {  	[dreg:$0x0] =	wrdreg $0x60  }
0xae: {  	[dreg:$0x2] =	wrdreg s2  }
0xaf: {  	[dreg:$0x3] =	wrdreg s24  }
0xb0: {  	[dreg:$0x4] =	wrdreg $0x150000  }
0xb1: {  	[dreg:$0x5] =	wrdreg $0x9  }
0xb2: {  	_ =	task.clear_ibuf [dreg:s7], $0x6FFFF;
	_ =	strace $0x90000049  }
0xb3: {  	s29 =	simm.s32 $0x9;
	_ =	strace $0x8000004B  }
0xb4: {  	_ =	swait.ge [sflag:s29], $0x1  }
0xb5: {  	[sflag:s29] =	ssyncadd.s32 $0xFFFFFFFF  }
0xb6: {  	_ =	strace $0x9000004B  }
0xb7: {  	_ =	sfence  }
0xb8: {  	s30 =	sld [smem:$0x0];
	_ =	sdelay $0x2  }
0xb9: {  	s31 =	sshll.u32 s1, $0xD;
	s1 =	sshrl.u32 s1, $0x2  }
0xba: {  	s3 =	sand.u32 $0x4000, s31;
	s1 =	sadd.s32 s1, s30  }
0xbb: {  	s0 =	sor.u32 s3, s0;
	s1 =	sshll.u32 s1, $0x11  }
0xbc: {  	s0 =	sor.u32 s1, s0  }
0xbd: {  	s0 =	sadd.s32 $0x8F2B, s0  }
0xbe: {  	[sflag:s0] =	ssyncadd.remote.s32 $0x1  }
0xbf: {  	_ =	sfence.sel $0xFFFF  }
0xc0: {  	[dreg:$0x0] =	wrdreg $0xFFFFFFFF;
	(pc) =	sbr.abs _section_cstart, $3  }
0xc1: {  	[dreg:$0x1] =	wrdreg $0xFFFFFFFF  }
0xc2: {  	_ =	task.clear_ibuf [dreg:s7], $0x2FFFF;
	_ =	strace $0x9FFFFFFF  }
0xc3: {  	(tm) =	ssettm $0x7FFFFFFF  }
tec
execute0_lowered:
.L_overlay_start_1:
0x0: {  	(tag) =	ssettag $0x1  }
0x1: {  	s1 =	rddreg [dreg:$0x0];
	s0 =	srdreg.scid  }
0x2: {  	s9 =	stileid.u32;
	s2 =	rddreg [dreg:$0x1]  }
0x3: {  	s3 =	rddreg [dreg:$0x2];
	s14 =	simm.s32 $0x5000;
	s13 =	simm.s32 $0x11  }
0x4: {  	s28 =	simm.s32 $0x13000;
	s29 =	simm.s32 $0x1;
	s30 =	simm.s32 $0x2  }
0x5: {  	s31 =	simm.s32 $0x3;
	s10 =	simm.s32 $0x10;
	s7 =	smul.u32 $0x28000, s9  }
0x6: {  	s0 =	sand.u32 $0x1, s0;
	s4 =	sshll.u32 s9, $0x1;
	s17 =	smul.u32 $0xA000, s9  }
0x7: {  	s9 =	simm.s32 $0xF;
	s5 =	sor.u32 s0, s4;
	s6 =	smul.u32 $0x14000, s0  }
0x8: {  	s4 =	simm.s32 $0x0;
	s0 =	ssub.s32 $0x2, s0;
	s5 =	smul.u32 $0x500, s5  }
0x9: {  	[smem:$0x7FF] =	sst s4;
	s15 =	sshrl.u32 s0, $0x1;
	s16 =	sshrl.u32 s7, $0x2  }
0xa: {  	s20 =	sshrl.u32 s17, $0x3;
	s7 =	simm.s32 $0xD;
	_ =	strace $0x8000004A  }
0xb: {  	s0 =	ssub.s32 s0, s15;
	s15 =	simm.s32 $0x9;
	s8 =	sadd.s32 s5, s2  }
0xc: {  	s2 =	sadd.s32 s6, s2;
	s5 =	sadd.s32 s16, s3;
	s0 =	smax.u32 s0, $0x1  }
0xd: {  	s6 =	sadd.s32 s17, s3;
	s16 =	simm.s32 $0x80;
	[dreg:$0x8] =	wrdreg s0  }
0xe: {  	s17 =	simm.s32 $0x7000;
	s18 =	sadd.s32 $0xBC00, s8;
	[dreg:$0x5] =	wrdreg s5  }
0xf: {  	s19 =	sadd.s32 $0x1C00, s8;
	s2 =	sadd.s32 $0x15C00, s2;
	[dreg:$0x6] =	wrdreg s18  }
0x10: {  	s21 =	sadd.s32 $0x2000, s5;
	s22 =	sadd.s32 $0x4000, s5;
	[dreg:$0x7] =	wrdreg s19  }
0x11: {  	s23 =	sadd.s32 $0x6000, s5;
	s24 =	sadd.s32 $0x8000, s5;
	[dreg:$0x9] =	wrdreg s21  }
0x12: {  	s26 =	sshrl.u32 s6, $0x3;
	s0 =	simm.s32 $0x7;
	[dreg:$0xa] =	wrdreg s22  }
0x13: {  	s6 =	simm.s32 $0x8;
	s8 =	simm.s32 $0xE;
	[dreg:$0xb] =	wrdreg s23  }
0x14: {  	[dreg:$0xc] =	wrdreg s24;
	s19 =	simm.s32 $0x9000;
	s21 =	simm.s32 $0xB000  }
0x15: {  	s22 =	simm.s32 $0xD000;
	s25 =	sadd.s32 s20, s2;
	s24 =	simm.s32 $0xF000  }
0x16: {  	[dreg:$0xe] =	wrdreg s26;
	s26 =	simm.s32 $0x11000;
	s2 =	simm.s32 $0x4  }
0x17: {  	v0 =	vimm.f32 $0.0e+00;
	s18 =	simm.s32 $0x5;
	s20 =	simm.s32 $0x6;
	[dreg:$0xd] =	wrdreg s25  }
.LBB2_1:
0x18: {  	s12 =	simm.s32 $0x100;
	s11 =	simm.s32 $0x0  }
.LBB2_2:
0x19: {  	p0 =	sne.s32 s12, $0x7F00;
	[tilespmem:s11+$0x5030] =	vst v0;
	s23 =	smov.u32 s12;
	s12 =	sadd.s32 $0x100, s12  }
.Ltmp0:
0x1a: {  	[tilespmem:s11+$0x5020] =	vst v0;
	(pc) =	sbr.rel @p0 .LBB2_2-.Ltmp0, $3  }
0x1b: {  	[tilespmem:s11+$0x5000] =	vst v0  }
0x1c: {  	[tilespmem:s11+$0x5010] =	vst v0;
	_ =	sdelay $0x1  }
0x1d: {  	s11 =	sshra.s32 s23, $0x2  }
0x1e: {  	[tilespmem:s11+$0x5030] =	vst v0  }
0x1f: {  	[tilespmem:s11+$0x5020] =	vst v0  }
0x20: {  	[dreg:$0x4] =	wrdreg s4;
	[tilespmem:s11+$0x5000] =	vst v0  }
0x21: {  	[tilespmem:s11+$0x5010] =	vst v0;
	s25 =	rddreg [dreg:$0x5]  }
0x22: {  	[spmem:s25] =	stream.linear.scatter [tilespmem:s14], [sflag:$0x11], $0x2000, $0x38;
	[tilespmem:$0x1F000] =	vst v63  }
0x23: {  	_ =	swait.ge [sflag:s13], $0x2000  }
0x24: {  	[sflag:s13] =	ssyncset.done $0x0  }
0x25: {  	s5 =	rddreg [dreg:$0x9];
	[sflag:s13] =	ssyncadd.s32 $0xFFFFE000  }
0x26: {  	[spmem:s5] =	stream.linear.scatter [tilespmem:s14], [sflag:$0x11], $0x2000, $0x38;
	[tilespmem:$0x1F000] =	vst v63  }
0x27: {  	_ =	swait.ge [sflag:s13], $0x2000  }
0x28: {  	[sflag:s13] =	ssyncset.done $0x0  }
0x29: {  	s11 =	rddreg [dreg:$0xa];
	[sflag:s13] =	ssyncadd.s32 $0xFFFFE000  }
0x2a: {  	[spmem:s11] =	stream.linear.scatter [tilespmem:s14], [sflag:$0x11], $0x2000, $0x38;
	[tilespmem:$0x1F000] =	vst v63  }
0x2b: {  	_ =	swait.ge [sflag:s13], $0x2000  }
0x2c: {  	[sflag:s13] =	ssyncset.done $0x0  }
0x2d: {  	s12 =	rddreg [dreg:$0xb];
	[sflag:s13] =	ssyncadd.s32 $0xFFFFE000  }
0x2e: {  	[spmem:s12] =	stream.linear.scatter [tilespmem:s14], [sflag:$0x11], $0x2000, $0x38;
	[tilespmem:$0x1F000] =	vst v63  }
0x2f: {  	_ =	swait.ge [sflag:s13], $0x2000  }
0x30: {  	[sflag:s13] =	ssyncset.done $0x0  }
0x31: {  	s23 =	rddreg [dreg:$0xc];
	[sflag:s13] =	ssyncadd.s32 $0xFFFFE000  }
0x32: {  	[spmem:s23] =	stream.linear.scatter [tilespmem:s14], [sflag:$0x11], $0x2000, $0x38;
	[tilespmem:$0x1F000] =	vst v63  }
0x33: {  	_ =	swait.ge [sflag:s13], $0x2000  }
0x34: {  	[sflag:s13] =	ssyncset.done $0x0  }
0x35: {  	s25 =	simm.s32 $0x0;
	s5 =	rddreg [dreg:$0x6];
	[sflag:s13] =	ssyncadd.s32 $0xFFFFE000  }
0x36: {  	[tilespmem:s25], [sflag:$0x11] =	stream.linear.gather [hbm4b:s5+s25], $0x2800, $0x38;
	[tilespmem:$0x1F000] =	vst v63  }
0x37: {  	_ =	swait.ge [sflag:s13], $0x2800  }
0x38: {  	[sflag:s13] =	ssyncset.done $0x0  }
0x39: {  	s5 =	simm.s32 $0x2800;
	s12 =	rddreg [dreg:$0x7];
	[sflag:s13] =	ssyncadd.s32 $0xFFFFD800  }
0x3a: {  	[tilespmem:s5], [sflag:$0x11] =	stream.linear.gather [hbm4b:s12+s25], $0x2800, $0x38;
	[tilespmem:$0x1F000] =	vst v63  }
0x3b: {  	_ =	swait.ge [sflag:s13], $0x2800  }
0x3c: {  	[sflag:s13] =	ssyncset.done $0x0  }
0x3d: {  	[sflag:s13] =	ssyncadd.s32 $0xFFFFD800  }
0x3e: {  	[bflag:$0x0] =	sbarrier.arrive $0xFFFF  }
0x3f: {  	[tilespmem:s14], [sflag:$0x1] =	stream.indirect.gather [hbm4b:s1+s16], $0x40, s25, s16, $0xb8;
	[tilespmem:$0x1F000] =	vst v63  }
0x40: {  	_ = 	snop  }
0x41: {  	[tilespmem:s17], [sflag:$0x2] =	stream.indirect.gather [hbm4b:s1+s16], $0x40, s16, s16, $0xb8;
	[tilespmem:$0x1F000] =	vst v63  }
0x42: {  	s23 =	simm.s32 $0x100  }
0x43: {  	[tilespmem:s19], [sflag:$0x3] =	stream.indirect.gather [hbm4b:s1+s16], $0x40, s23, s16, $0xb8;
	[tilespmem:$0x1F000] =	vst v63  }
0x44: {  	s25 =	simm.s32 $0x180  }
0x45: {  	[tilespmem:s21], [sflag:$0x4] =	stream.indirect.gather [hbm4b:s1+s16], $0x40, s25, s16, $0xb8;
	[tilespmem:$0x1F000] =	vst v63  }
0x46: {  	s4 =	simm.s32 $0x200  }
0x47: {  	[tilespmem:s22], [sflag:$0x5] =	stream.indirect.gather [hbm4b:s1+s16], $0x40, s4, s16, $0xb8;
	[tilespmem:$0x1F000] =	vst v63  }
0x48: {  	s5 =	simm.s32 $0x280  }
0x49: {  	[tilespmem:s24], [sflag:$0x6] =	stream.indirect.gather [hbm4b:s1+s16], $0x40, s5, s16, $0xb8;
	[tilespmem:$0x1F000] =	vst v63  }
0x4a: {  	s12 =	simm.s32 $0x300  }
0x4b: {  	[tilespmem:s26], [sflag:$0x7] =	stream.indirect.gather [hbm4b:s1+s16], $0x40, s12, s16, $0xb8;
	[tilespmem:$0x1F000] =	vst v63  }
0x4c: {  	s13 =	simm.s32 $0x380  }
0x4d: {  	[tilespmem:s28], [sflag:$0x8] =	stream.indirect.gather [hbm4b:s1+s16], $0x40, s13, s16, $0xb8;
	[tilespmem:$0x1F000] =	vst v63  }
0x4e: {  	_ =	swait.ge [sflag:s29], $0x2000  }
0x4f: {  	[sflag:s29] =	ssyncset.done $0x0  }
0x50: {  	s23 =	simm.s32 $0x2800;
	[sflag:s29] =	ssyncadd.s32 $0xFFFFE000  }
0x51: {  	[spmem:s3] =	stream.indirect.scatter.add.f32 [tilespmem:s14], [sflag:$0x9], $0x40, s23, s16, $0xb8;
	[tilespmem:$0x1F000] =	vst v63  }
0x52: {  	_ =	swait.ge [sflag:s30], $0x2000  }
0x53: {  	[sflag:s30] =	ssyncset.done $0x0  }
0x54: {  	s25 =	simm.s32 $0x2880;
	[sflag:s30] =	ssyncadd.s32 $0xFFFFE000  }
0x55: {  	[spmem:s3] =	stream.indirect.scatter.add.f32 [tilespmem:s17], [sflag:$0xA], $0x40, s25, s16, $0xb8;
	[tilespmem:$0x1F000] =	vst v63  }
0x56: {  	_ =	swait.ge [sflag:s31], $0x2000  }
0x57: {  	[sflag:s31] =	ssyncset.done $0x0  }
0x58: {  	s4 =	simm.s32 $0x2900;
	[sflag:s31] =	ssyncadd.s32 $0xFFFFE000  }
0x59: {  	[spmem:s3] =	stream.indirect.scatter.add.f32 [tilespmem:s19], [sflag:$0xB], $0x40, s4, s16, $0xb8;
	[tilespmem:$0x1F000] =	vst v63  }
0x5a: {  	_ =	swait.ge [sflag:s2], $0x2000  }
0x5b: {  	[sflag:s2] =	ssyncset.done $0x0  }
0x5c: {  	s5 =	simm.s32 $0x2980;
	[sflag:s2] =	ssyncadd.s32 $0xFFFFE000  }
0x5d: {  	[spmem:s3] =	stream.indirect.scatter.add.f32 [tilespmem:s21], [sflag:$0xC], $0x40, s5, s16, $0xb8;
	[tilespmem:$0x1F000] =	vst v63  }
0x5e: {  	p0 =	por $0x1, $0x1;
	_ =	swait.ge [sflag:s15], $0x2000  }
0x5f: {  	s11 =	simm.s32 @p0 $0x80;
	[sflag:s15] =	ssyncset.done $0x0  }
0x60: {  	s12 =	simm.s32 @p0 $0x400;
	s23 =	simm.s32 @p0 $0x5000;
	[sflag:s15] =	ssyncadd.s32 $0xFFFFE000  }
0x61: {  	[tilespmem:s23], [sflag:$0x1] =	stream.indirect.gather @p0 [hbm4b:s1+s11], $0x40, s12, s11, $0xb8;
	[tilespmem:$0x1F000] =	vst v63  }
0x62: {  	s12 =	simm.s32 @p0 $0xA  }
0x63: {  	_ =	swait.ge @p0 [sflag:s12], $0x2000  }
0x64: {  	[sflag:s12] =	ssyncset.done @p0 $0x0  }
0x65: {  	s23 =	simm.s32 @p0 $0x480;
	[sflag:s12] =	ssyncadd.s32 @p0 $0xFFFFE000;
	s12 =	simm.s32 @p0 $0x7000  }
0x66: {  	[tilespmem:s12], [sflag:$0x2] =	stream.indirect.gather @p0 [hbm4b:s1+s11], $0x40, s23, s11, $0xb8;
	[tilespmem:$0x1F000] =	vst v63  }
0x67: {  	s12 =	simm.s32 @p0 $0xB  }
0x68: {  	_ =	swait.ge @p0 [sflag:s12], $0x2000  }
0x69: {  	[sflag:s12] =	ssyncset.done @p0 $0x0  }
0x6a: {  	s23 =	simm.s32 @p0 $0x500;
	[sflag:s12] =	ssyncadd.s32 @p0 $0xFFFFE000;
	s12 =	simm.s32 @p0 $0x9000  }
0x6b: {  	[tilespmem:s12], [sflag:$0x3] =	stream.indirect.gather @p0 [hbm4b:s1+s11], $0x40, s23, s11, $0xb8;
	[tilespmem:$0x1F000] =	vst v63  }
0x6c: {  	s12 =	simm.s32 @p0 $0xC  }
0x6d: {  	_ =	swait.ge @p0 [sflag:s12], $0x2000  }
0x6e: {  	[sflag:s12] =	ssyncset.done @p0 $0x0  }
0x6f: {  	s23 =	simm.s32 @p0 $0x580;
	[sflag:s12] =	ssyncadd.s32 @p0 $0xFFFFE000;
	s12 =	simm.s32 @p0 $0xB000  }
0x70: {  	[tilespmem:s12], [sflag:$0x4] =	stream.indirect.gather @p0 [hbm4b:s1+s11], $0x40, s23, s11, $0xb8;
	[tilespmem:$0x1F000] =	vst v63  }
0x71: {  	s11 =	simm.s32 @!p0 $0xA  }
0x72: {  	_ =	swait.ge @!p0 [sflag:s11], $0x2000  }
0x73: {  	[sflag:s11] =	ssyncset.done @!p0 $0x0  }
0x74: {  	s12 =	simm.s32 @!p0 $0xB;
	[sflag:s11] =	ssyncadd.s32 @!p0 $0xFFFFE000  }
0x75: {  	_ =	swait.ge @!p0 [sflag:s12], $0x2000  }
0x76: {  	[sflag:s12] =	ssyncset.done @!p0 $0x0  }
0x77: {  	s11 =	simm.s32 @!p0 $0xC;
	[sflag:s12] =	ssyncadd.s32 @!p0 $0xFFFFE000  }
0x78: {  	_ =	swait.ge @!p0 [sflag:s11], $0x2000  }
0x79: {  	[sflag:s11] =	ssyncset.done @!p0 $0x0  }
0x7a: {  	[sflag:s11] =	ssyncadd.s32 @!p0 $0xFFFFE000  }
0x7b: {  	_ =	swait.ge [sflag:s18], $0x2000  }
0x7c: {  	[sflag:s18] =	ssyncset.done $0x0  }
0x7d: {  	s12 =	simm.s32 $0x2A00;
	[sflag:s18] =	ssyncadd.s32 $0xFFFFE000  }
0x7e: {  	[spmem:s3] =	stream.indirect.scatter.add.f32 [tilespmem:s22], [sflag:$0xD], $0x40, s12, s16, $0xb8;
	[tilespmem:$0x1F000] =	vst v63  }
0x7f: {  	_ =	swait.ge [sflag:s20], $0x2000  }
0x80: {  	[sflag:s20] =	ssyncset.done $0x0  }
0x81: {  	s13 =	simm.s32 $0x2A80;
	[sflag:s20] =	ssyncadd.s32 $0xFFFFE000  }
0x82: {  	[spmem:s3] =	stream.indirect.scatter.add.f32 [tilespmem:s24], [sflag:$0xE], $0x40, s13, s16, $0xb8;
	[tilespmem:$0x1F000] =	vst v63  }
0x83: {  	_ =	swait.ge [sflag:s0], $0x2000  }
0x84: {  	[sflag:s0] =	ssyncset.done $0x0  }
0x85: {  	s23 =	simm.s32 $0x2B00;
	[sflag:s0] =	ssyncadd.s32 $0xFFFFE000  }
0x86: {  	[spmem:s3] =	stream.indirect.scatter.add.f32 [tilespmem:s26], [sflag:$0xF], $0x40, s23, s16, $0xb8;
	[tilespmem:$0x1F000] =	vst v63  }
0x87: {  	_ =	swait.ge [sflag:s6], $0x2000  }
0x88: {  	[sflag:s6] =	ssyncset.done $0x0  }
0x89: {  	s25 =	simm.s32 $0x2B80;
	[sflag:s6] =	ssyncadd.s32 $0xFFFFE000  }
0x8a: {  	[spmem:s3] =	stream.indirect.scatter.add.f32 [tilespmem:s28], [sflag:$0x10], $0x40, s25, s16, $0xb8;
	[tilespmem:$0x1F000] =	vst v63  }
0x8b: {  	_ =	swait.ge [sflag:s7], $0x2000  }
0x8c: {  	[sflag:s7] =	ssyncset.done $0x0  }
0x8d: {  	[sflag:s7] =	ssyncadd.s32 $0xFFFFE000  }
0x8e: {  	_ =	swait.ge [sflag:s8], $0x2000  }
0x8f: {  	[sflag:s8] =	ssyncset.done $0x0  }
0x90: {  	[sflag:s8] =	ssyncadd.s32 $0xFFFFE000  }
0x91: {  	_ =	swait.ge [sflag:s9], $0x2000  }
0x92: {  	[sflag:s9] =	ssyncset.done $0x0  }
0x93: {  	s11 =	simm.s32 $0x400;
	[sflag:s9] =	ssyncadd.s32 $0xFFFFE000  }
0x94: {  	s12 =	simm.s32 $0x1000;
	s23 =	simm.s32 $0x2000;
	_ =	swait.ge [sflag:s10], $0x2000  }
.LBB2_4:
0x95: {  	s5 =	sadd.s32 $0x200, s11  }
0x96: {  	[sflag:s10] =	ssyncset.done $0x0;
	s25 =	smov.u32 s23;
	s23 =	sadd.s32 $0x1000, s23  }
0x97: {  	p0 =	sne.s32 s23, $0xA000;
	[sflag:s10] =	ssyncadd.s32 $0xFFFFE000  }
0x98: {  	[tilespmem:s22], [sflag:$0x5] =	stream.indirect.gather [hbm4b:s1+s16], $0x40, s5, s16, $0xb8;
	[tilespmem:$0x1F000] =	vst v63  }
0x99: {  	s5 =	sadd.s32 $0x280, s11  }
0x9a: {  	[tilespmem:s24], [sflag:$0x6] =	stream.indirect.gather [hbm4b:s1+s16], $0x40, s5, s16, $0xb8;
	[tilespmem:$0x1F000] =	vst v63  }
0x9b: {  	s5 =	sadd.s32 $0x300, s11  }
0x9c: {  	[tilespmem:s26], [sflag:$0x7] =	stream.indirect.gather [hbm4b:s1+s16], $0x40, s5, s16, $0xb8;
	[tilespmem:$0x1F000] =	vst v63  }
0x9d: {  	s5 =	sadd.s32 $0x380, s11  }
0x9e: {  	[tilespmem:s28], [sflag:$0x8] =	stream.indirect.gather [hbm4b:s1+s16], $0x40, s5, s16, $0xb8;
	[tilespmem:$0x1F000] =	vst v63  }
0x9f: {  	_ =	swait.ge [sflag:s29], $0x2000  }
0xa0: {  	s5 =	sadd.s32 $0x2800, s11;
	[sflag:s29] =	ssyncset.done $0x0  }
0xa1: {  	[sflag:s29] =	ssyncadd.s32 $0xFFFFE000  }
0xa2: {  	[spmem:s3] =	stream.indirect.scatter.add.f32 [tilespmem:s14], [sflag:$0x9], $0x40, s5, s16, $0xb8;
	[tilespmem:$0x1F000] =	vst v63  }
0xa3: {  	_ =	swait.ge [sflag:s30], $0x2000  }
0xa4: {  	s5 =	sadd.s32 $0x2880, s11;
	[sflag:s30] =	ssyncset.done $0x0  }
0xa5: {  	[sflag:s30] =	ssyncadd.s32 $0xFFFFE000  }
0xa6: {  	[spmem:s3] =	stream.indirect.scatter.add.f32 [tilespmem:s17], [sflag:$0xA], $0x40, s5, s16, $0xb8;
	[tilespmem:$0x1F000] =	vst v63  }
0xa7: {  	_ =	swait.ge [sflag:s31], $0x2000  }
0xa8: {  	s5 =	sadd.s32 $0x2900, s11;
	[sflag:s31] =	ssyncset.done $0x0  }
0xa9: {  	[sflag:s31] =	ssyncadd.s32 $0xFFFFE000  }
0xaa: {  	[spmem:s3] =	stream.indirect.scatter.add.f32 [tilespmem:s19], [sflag:$0xB], $0x40, s5, s16, $0xb8;
	[tilespmem:$0x1F000] =	vst v63  }
0xab: {  	_ =	swait.ge [sflag:s2], $0x2000  }
0xac: {  	s5 =	sadd.s32 $0x2980, s11;
	[sflag:s2] =	ssyncset.done $0x0  }
0xad: {  	p1 =	sne.s32 s12, $0x9000;
	[sflag:s2] =	ssyncadd.s32 $0xFFFFE000  }
0xae: {  	[spmem:s3] =	stream.indirect.scatter.add.f32 [tilespmem:s21], [sflag:$0xC], $0x40, s5, s16, $0xb8;
	[tilespmem:$0x1F000] =	vst v63  }
0xaf: {  	s4 =	simm.s32 @p1 $0x80;
	s5 =	sshra.s32 @p1 s12, $0x2;
	_ =	swait.ge [sflag:s15], $0x2000  }
0xb0: {  	s13 =	simm.s32 @p1 $0x5000;
	s14 =	sadd.s32 @p1 $0x400, s5;
	[sflag:s15] =	ssyncset.done $0x0  }
0xb1: {  	s17 =	simm.s32 @p1 $0xA;
	s12 =	smov.u32 s25;
	[sflag:s15] =	ssyncadd.s32 $0xFFFFE000  }
0xb2: {  	[tilespmem:s13], [sflag:$0x1] =	stream.indirect.gather @p1 [hbm4b:s1+s4], $0x40, s14, s4, $0xb8;
	[tilespmem:$0x1F000] =	vst v63  }
0xb3: {  	_ =	swait.ge @p1 [sflag:s17], $0x2000  }
0xb4: {  	s13 =	sadd.s32 @p1 $0x480, s5;
	s14 =	simm.s32 @p1 $0x7000;
	[sflag:s17] =	ssyncset.done @p1 $0x0  }
0xb5: {  	[sflag:s17] =	ssyncadd.s32 @p1 $0xFFFFE000;
	s17 =	simm.s32 @p1 $0xB  }
0xb6: {  	[tilespmem:s14], [sflag:$0x2] =	stream.indirect.gather @p1 [hbm4b:s1+s4], $0x40, s13, s4, $0xb8;
	[tilespmem:$0x1F000] =	vst v63  }
0xb7: {  	_ =	swait.ge @p1 [sflag:s17], $0x2000  }
0xb8: {  	s13 =	sadd.s32 @p1 $0x500, s5;
	s14 =	simm.s32 @p1 $0x9000;
	[sflag:s17] =	ssyncset.done @p1 $0x0  }
0xb9: {  	[sflag:s17] =	ssyncadd.s32 @p1 $0xFFFFE000;
	s17 =	simm.s32 @p1 $0xC  }
0xba: {  	[tilespmem:s14], [sflag:$0x3] =	stream.indirect.gather @p1 [hbm4b:s1+s4], $0x40, s13, s4, $0xb8;
	[tilespmem:$0x1F000] =	vst v63  }
0xbb: {  	_ =	swait.ge @p1 [sflag:s17], $0x2000  }
0xbc: {  	s5 =	sadd.s32 @p1 $0x580, s5;
	s13 =	simm.s32 @p1 $0xB000;
	[sflag:s17] =	ssyncset.done @p1 $0x0  }
0xbd: {  	s14 =	simm.s32 @!p1 $0xA;
	[sflag:s17] =	ssyncadd.s32 @p1 $0xFFFFE000;
	s17 =	simm.s32 $0x7000  }
0xbe: {  	[tilespmem:s13], [sflag:$0x4] =	stream.indirect.gather @p1 [hbm4b:s1+s4], $0x40, s5, s4, $0xb8;
	[tilespmem:$0x1F000] =	vst v63  }
0xbf: {  	_ =	swait.ge @!p1 [sflag:s14], $0x2000  }
0xc0: {  	s4 =	simm.s32 @!p1 $0xB;
	[sflag:s14] =	ssyncset.done @!p1 $0x0  }
0xc1: {  	[sflag:s14] =	ssyncadd.s32 @!p1 $0xFFFFE000;
	s14 =	simm.s32 $0x5000  }
0xc2: {  	_ =	swait.ge @!p1 [sflag:s4], $0x2000  }
0xc3: {  	s5 =	simm.s32 @!p1 $0xC;
	[sflag:s4] =	ssyncset.done @!p1 $0x0  }
0xc4: {  	[sflag:s4] =	ssyncadd.s32 @!p1 $0xFFFFE000  }
0xc5: {  	_ =	swait.ge @!p1 [sflag:s5], $0x2000  }
0xc6: {  	[sflag:s5] =	ssyncset.done @!p1 $0x0  }
0xc7: {  	[sflag:s5] =	ssyncadd.s32 @!p1 $0xFFFFE000  }
0xc8: {  	_ =	swait.ge [sflag:s18], $0x2000  }
0xc9: {  	s4 =	sadd.s32 $0x2A00, s11;
	[sflag:s18] =	ssyncset.done $0x0  }
0xca: {  	[sflag:s18] =	ssyncadd.s32 $0xFFFFE000  }
0xcb: {  	[spmem:s3] =	stream.indirect.scatter.add.f32 [tilespmem:s22], [sflag:$0xD], $0x40, s4, s16, $0xb8;
	[tilespmem:$0x1F000] =	vst v63  }
0xcc: {  	_ =	swait.ge [sflag:s20], $0x2000  }
0xcd: {  	s4 =	sadd.s32 $0x2A80, s11;
	[sflag:s20] =	ssyncset.done $0x0  }
0xce: {  	[sflag:s20] =	ssyncadd.s32 $0xFFFFE000  }
0xcf: {  	[spmem:s3] =	stream.indirect.scatter.add.f32 [tilespmem:s24], [sflag:$0xE], $0x40, s4, s16, $0xb8;
	[tilespmem:$0x1F000] =	vst v63  }
0xd0: {  	_ =	swait.ge [sflag:s0], $0x2000  }
0xd1: {  	s4 =	sadd.s32 $0x2B00, s11;
	[sflag:s0] =	ssyncset.done $0x0  }
0xd2: {  	[sflag:s0] =	ssyncadd.s32 $0xFFFFE000  }
0xd3: {  	[spmem:s3] =	stream.indirect.scatter.add.f32 [tilespmem:s26], [sflag:$0xF], $0x40, s4, s16, $0xb8;
	[tilespmem:$0x1F000] =	vst v63  }
0xd4: {  	_ =	swait.ge [sflag:s6], $0x2000  }
0xd5: {  	s4 =	sadd.s32 $0x2B80, s11;
	[sflag:s6] =	ssyncset.done $0x0  }
0xd6: {  	[sflag:s6] =	ssyncadd.s32 $0xFFFFE000  }
0xd7: {  	[spmem:s3] =	stream.indirect.scatter.add.f32 [tilespmem:s28], [sflag:$0x10], $0x40, s4, s16, $0xb8;
	[tilespmem:$0x1F000] =	vst v63  }
0xd8: {  	_ =	swait.ge [sflag:s7], $0x2000  }
0xd9: {  	[sflag:s7] =	ssyncset.done $0x0  }
0xda: {  	[sflag:s7] =	ssyncadd.s32 $0xFFFFE000  }
0xdb: {  	_ =	swait.ge [sflag:s8], $0x2000  }
0xdc: {  	[sflag:s8] =	ssyncset.done $0x0  }
.Ltmp1:
0xdd: {  	[sflag:s8] =	ssyncadd.s32 $0xFFFFE000;
	(pc) =	sbr.rel @p0 .LBB2_4-.Ltmp1, $4  }
0xde: {  	_ =	swait.ge [sflag:s9], $0x2000  }
0xdf: {  	[sflag:s9] =	ssyncset.done $0x0  }
0xe0: {  	[sflag:s9] =	ssyncadd.s32 $0xFFFFE000  }
0xe1: {  	s11 =	sshra.s32 s12, $0x2;
	_ =	swait.ge [sflag:s10], $0x2000  }
0xe2: {  	[sflag:s10] =	ssyncset.done $0x0  }
0xe3: {  	s4 =	sadd.s32 $0x200, s11;
	[sflag:s10] =	ssyncadd.s32 $0xFFFFE000  }
0xe4: {  	[tilespmem:s22], [sflag:$0x5] =	stream.indirect.gather [hbm4b:s1+s16], $0x40, s4, s16, $0xb8;
	[tilespmem:$0x1F000] =	vst v63  }
0xe5: {  	s23 =	sadd.s32 $0x280, s11  }
0xe6: {  	[tilespmem:s24], [sflag:$0x6] =	stream.indirect.gather [hbm4b:s1+s16], $0x40, s23, s16, $0xb8;
	[tilespmem:$0x1F000] =	vst v63  }
0xe7: {  	s25 =	sadd.s32 $0x300, s11  }
0xe8: {  	[tilespmem:s26], [sflag:$0x7] =	stream.indirect.gather [hbm4b:s1+s16], $0x40, s25, s16, $0xb8;
	[tilespmem:$0x1F000] =	vst v63  }
0xe9: {  	s5 =	sadd.s32 $0x380, s11  }
0xea: {  	[tilespmem:s28], [sflag:$0x8] =	stream.indirect.gather [hbm4b:s1+s16], $0x40, s5, s16, $0xb8;
	[tilespmem:$0x1F000] =	vst v63  }
0xeb: {  	_ =	swait.ge [sflag:s29], $0x2000  }
0xec: {  	[sflag:s29] =	ssyncset.done $0x0  }
0xed: {  	s13 =	sadd.s32 $0x2800, s11;
	[sflag:s29] =	ssyncadd.s32 $0xFFFFE000  }
0xee: {  	[spmem:s3] =	stream.indirect.scatter.add.f32 [tilespmem:s14], [sflag:$0x9], $0x40, s13, s16, $0xb8;
	[tilespmem:$0x1F000] =	vst v63  }
0xef: {  	_ =	swait.ge [sflag:s30], $0x2000  }
0xf0: {  	[sflag:s30] =	ssyncset.done $0x0  }
0xf1: {  	s23 =	sadd.s32 $0x2880, s11;
	[sflag:s30] =	ssyncadd.s32 $0xFFFFE000  }
0xf2: {  	[spmem:s3] =	stream.indirect.scatter.add.f32 [tilespmem:s17], [sflag:$0xA], $0x40, s23, s16, $0xb8;
	[tilespmem:$0x1F000] =	vst v63  }
0xf3: {  	_ =	swait.ge [sflag:s31], $0x2000  }
0xf4: {  	[sflag:s31] =	ssyncset.done $0x0  }
0xf5: {  	s25 =	sadd.s32 $0x2900, s11;
	[sflag:s31] =	ssyncadd.s32 $0xFFFFE000  }
0xf6: {  	[spmem:s3] =	stream.indirect.scatter.add.f32 [tilespmem:s19], [sflag:$0xB], $0x40, s25, s16, $0xb8;
	[tilespmem:$0x1F000] =	vst v63  }
0xf7: {  	_ =	swait.ge [sflag:s2], $0x2000  }
0xf8: {  	[sflag:s2] =	ssyncset.done $0x0  }
0xf9: {  	p0 =	sne.s32 s12, $0x9000;
	s5 =	sadd.s32 $0x2980, s11;
	[sflag:s2] =	ssyncadd.s32 $0xFFFFE000  }
0xfa: {  	[spmem:s3] =	stream.indirect.scatter.add.f32 [tilespmem:s21], [sflag:$0xC], $0x40, s5, s16, $0xb8;
	[tilespmem:$0x1F000] =	vst v63  }
0xfb: {  	s4 =	sshra.s32 @p0 s12, $0x2;
	_ =	swait.ge [sflag:s15], $0x2000  }
0xfc: {  	s12 =	sadd.s32 @p0 $0x400, s4;
	[sflag:s15] =	ssyncset.done $0x0  }
0xfd: {  	s13 =	simm.s32 @p0 $0x5000;
	s5 =	simm.s32 @p0 $0x80;
	[sflag:s15] =	ssyncadd.s32 $0xFFFFE000  }
0xfe: {  	[tilespmem:s13], [sflag:$0x1] =	stream.indirect.gather @p0 [hbm4b:s1+s5], $0x40, s12, s5, $0xb8;
	[tilespmem:$0x1F000] =	vst v63  }
0xff: {  	s12 =	simm.s32 @p0 $0xA  }
0x100: {  	_ =	swait.ge @p0 [sflag:s12], $0x2000  }
0x101: {  	[sflag:s12] =	ssyncset.done @p0 $0x0  }
0x102: {  	s13 =	sadd.s32 @p0 $0x480, s4;
	[sflag:s12] =	ssyncadd.s32 @p0 $0xFFFFE000;
	s12 =	simm.s32 @p0 $0x7000  }
0x103: {  	[tilespmem:s12], [sflag:$0x2] =	stream.indirect.gather @p0 [hbm4b:s1+s5], $0x40, s13, s5, $0xb8;
	[tilespmem:$0x1F000] =	vst v63  }
0x104: {  	s12 =	simm.s32 @p0 $0xB  }
0x105: {  	_ =	swait.ge @p0 [sflag:s12], $0x2000  }
0x106: {  	[sflag:s12] =	ssyncset.done @p0 $0x0  }
0x107: {  	s13 =	sadd.s32 @p0 $0x500, s4;
	[sflag:s12] =	ssyncadd.s32 @p0 $0xFFFFE000;
	s12 =	simm.s32 @p0 $0x9000  }
0x108: {  	[tilespmem:s12], [sflag:$0x3] =	stream.indirect.gather @p0 [hbm4b:s1+s5], $0x40, s13, s5, $0xb8;
	[tilespmem:$0x1F000] =	vst v63  }
0x109: {  	s12 =	simm.s32 @p0 $0xC  }
0x10a: {  	_ =	swait.ge @p0 [sflag:s12], $0x2000  }
0x10b: {  	[sflag:s12] =	ssyncset.done @p0 $0x0  }
0x10c: {  	s4 =	sadd.s32 @p0 $0x580, s4;
	[sflag:s12] =	ssyncadd.s32 @p0 $0xFFFFE000;
	s12 =	simm.s32 @p0 $0xB000  }
0x10d: {  	[tilespmem:s12], [sflag:$0x4] =	stream.indirect.gather @p0 [hbm4b:s1+s5], $0x40, s4, s5, $0xb8;
	[tilespmem:$0x1F000] =	vst v63  }
0x10e: {  	s4 =	simm.s32 @!p0 $0xA  }
0x10f: {  	_ =	swait.ge @!p0 [sflag:s4], $0x2000  }
0x110: {  	[sflag:s4] =	ssyncset.done @!p0 $0x0  }
0x111: {  	[sflag:s4] =	ssyncadd.s32 @!p0 $0xFFFFE000;
	s4 =	simm.s32 @!p0 $0xB  }
0x112: {  	_ =	swait.ge @!p0 [sflag:s4], $0x2000  }
0x113: {  	[sflag:s4] =	ssyncset.done @!p0 $0x0  }
0x114: {  	[sflag:s4] =	ssyncadd.s32 @!p0 $0xFFFFE000;
	s4 =	simm.s32 @!p0 $0xC  }
0x115: {  	_ =	swait.ge @!p0 [sflag:s4], $0x2000  }
0x116: {  	[sflag:s4] =	ssyncset.done @!p0 $0x0  }
0x117: {  	[sflag:s4] =	ssyncadd.s32 @!p0 $0xFFFFE000  }
0x118: {  	_ =	swait.ge [sflag:s18], $0x2000  }
0x119: {  	[sflag:s18] =	ssyncset.done $0x0  }
0x11a: {  	s13 =	sadd.s32 $0x2A00, s11;
	[sflag:s18] =	ssyncadd.s32 $0xFFFFE000  }
0x11b: {  	[spmem:s3] =	stream.indirect.scatter.add.f32 [tilespmem:s22], [sflag:$0xD], $0x40, s13, s16, $0xb8;
	[tilespmem:$0x1F000] =	vst v63  }
0x11c: {  	_ =	swait.ge [sflag:s20], $0x2000  }
0x11d: {  	[sflag:s20] =	ssyncset.done $0x0  }
0x11e: {  	s23 =	sadd.s32 $0x2A80, s11;
	[sflag:s20] =	ssyncadd.s32 $0xFFFFE000  }
0x11f: {  	[spmem:s3] =	stream.indirect.scatter.add.f32 [tilespmem:s24], [sflag:$0xE], $0x40, s23, s16, $0xb8;
	[tilespmem:$0x1F000] =	vst v63  }
0x120: {  	_ =	swait.ge [sflag:s0], $0x2000  }
0x121: {  	[sflag:s0] =	ssyncset.done $0x0  }
0x122: {  	s25 =	sadd.s32 $0x2B00, s11;
	[sflag:s0] =	ssyncadd.s32 $0xFFFFE000  }
0x123: {  	[spmem:s3] =	stream.indirect.scatter.add.f32 [tilespmem:s26], [sflag:$0xF], $0x40, s25, s16, $0xb8;
	[tilespmem:$0x1F000] =	vst v63  }
0x124: {  	_ =	swait.ge [sflag:s6], $0x2000  }
0x125: {  	[sflag:s6] =	ssyncset.done $0x0  }
0x126: {  	s5 =	sadd.s32 $0x2B80, s11;
	[sflag:s6] =	ssyncadd.s32 $0xFFFFE000  }
0x127: {  	[spmem:s3] =	stream.indirect.scatter.add.f32 [tilespmem:s28], [sflag:$0x10], $0x40, s5, s16, $0xb8;
	[tilespmem:$0x1F000] =	vst v63  }
0x128: {  	_ =	swait.ge [sflag:s7], $0x2000  }
0x129: {  	[sflag:s7] =	ssyncset.done $0x0  }
0x12a: {  	[sflag:s7] =	ssyncadd.s32 $0xFFFFE000  }
0x12b: {  	_ =	swait.ge [sflag:s8], $0x2000  }
0x12c: {  	[sflag:s8] =	ssyncset.done $0x0  }
0x12d: {  	[sflag:s8] =	ssyncadd.s32 $0xFFFFE000  }
0x12e: {  	_ =	swait.ge [sflag:s9], $0x2000  }
0x12f: {  	[sflag:s9] =	ssyncset.done $0x0  }
0x130: {  	[sflag:s9] =	ssyncadd.s32 $0xFFFFE000  }
0x131: {  	_ =	swait.ge [sflag:s10], $0x2000  }
0x132: {  	[sflag:s10] =	ssyncset.done $0x0  }
0x133: {  	[sflag:s10] =	ssyncadd.s32 $0xFFFFE000  }
0x134: {  	s11 =	stileid.u32;
	[bflag:$0x0] =	sbarrier.arrive $0xFFFF  }
0x135: {  	s4 =	sshll.u32 s11, $0x6;
	s12 =	rddreg [dreg:$0xd]  }
0x136: {  	s4 =	sor.u32 $0x1C11, s4;
	s13 =	rddreg [dreg:$0xe]  }
0x137: {  	[hbm:s12], [sflag:s4] =	dma.local [spmem:s13], $0x1400  }
0x138: {  	s13 =	simm.s32 $0x11  }
0x139: {  	_ =	swait.ge [sflag:s13], $0x1400  }
0x13a: {  	s23 =	rddreg [dreg:$0x4]  }
0x13b: {  	s25 =	rddreg [dreg:$0x8];
	s4 =	sadd.s32 $0x1, s23  }
0x13c: {  	p0 =	sne.s32 s4, s25  }
.Ltmp2:
0x13d: {  	_ = 	snop;
	(pc) =	sbr.rel @p0 .LBB2_1-.Ltmp2, $3  }
0x13e: {  	_ =	sdelay $0x1  }
0x13f: {  	[sflag:s13] =	ssyncset.done $0x0  }
0x140: {  	[sflag:s13] =	ssyncadd.s32 $0xFFFFEC00  }
0x141: {  	_ =	sfence.sel $0x180000  }
0x142: {  	[bflag:$0x0] =	sbarrier.arrive $0xFFFF  }
0x143: {  	_ =	strace $0x9000004A  }
0x144: {  	s0 =	stileid.u32;
	[bflag:$0x2] =	sbarrier.arrive $0xFFFF  }
0x145: {  	p0 =	sne.s32 s0, $0x0;
	s0 =	rddreg [dreg:$0x3]  }
0x146: {  	s0 =	sadd.s32 @!p0 $0x100000, s0  }
0x147: {  	[sflag:s0] =	ssyncadd.tile.s32 @!p0 $0x1;
	_ =	shalt  }
.Lfunc_end2:
_tile_overlayer_lowered:
.L_overlay_start_2:
0x148: {  	(tag) =	ssettag $0x2  }
0x149: {  	s0 =	rddreg [dreg:$0x0];
	s2 =	stileid.u32  }
0x14a: {  	s1 =	rddreg [dreg:$0x1];
	p0 =	sne.s32 s2, $0x0  }
0x14b: {  	s3 =	rddreg [dreg:$0x2];
	[bflag:$0x3] =	sbarrier.arrive $0xFFFF;
	s2 =	simm.s32 @!p0 $0x1C11  }
0x14c: {  	[timem:s3], [sflag:s2] =	dma.local @!p0 [hbm:s0], s1  }
0x14d: {  	s0 =	simm.s32 @!p0 $0x11  }
0x14e: {  	_ =	swait.ge @!p0 [sflag:s0], s1  }
0x14f: {  	s1 =	ssub.s32 @!p0 $0x0, s1;
	[sflag:s0] =	ssyncset.done @!p0 $0x0  }
0x150: {  	[sflag:s0] =	ssyncadd.s32 @!p0 s1  }
0x151: {  	[bflag:$0x3] =	sbarrier.arrive $0xFFFF  }
0x152: {  	_ =	shalt  }

// kernel: kernel.15.cloned.1.call-start
scs
__scs_entry_jumppad:
0x0: {  	(pc) =	sbr.rel $0x88, $3  }
0x1: {  	(tag) =	ssettag $0x0;
	lr =	simm.s32 $0x1  }
0x2: {  	[smem:$0x3F9B] =	sst lr;
	_ =	strace $0xD0000000  }
0x3: {  	_ = 	snop  }
0x4: {  	_ = 	snop  }
0x5: {  	_ = 	snop  }
0x6: {  	_ = 	snop  }
0x7: {  	_ = 	snop  }
__scs_overlays_trampoline_lowered:
0x8: {  	[smem:$0x3FAA] =	sst s0  }
0x9: {  	[smem:$0x3FAB] =	sst s1  }
0xa: {  	[smem:$0x3FAC] =	sst s2  }
0xb: {  	[smem:$0x3FAD] =	sst s3  }
0xc: {  	[smem:$0x3FAE] =	sst s4  }
0xd: {  	[smem:$0x3FAF] =	sst s5  }
0xe: {  	[smem:$0x3FB0] =	sst s6  }
0xf: {  	[smem:$0x3FB1] =	sst s7  }
0x10: {  	[smem:$0x3FB2] =	sst s8  }
0x11: {  	[smem:$0x3FB3] =	sst s9;
	s0 =	simm.s32 @!p0 $0x0  }
0x12: {  	s1 =	sld [smem:$0x3F99];
	s0 =	simm.s32 @p0 $0x1  }
0x13: {  	[smem:$0x3FB4] =	sst s0;
	s0 =	simm.s32 @!p1 $0x0  }
0x14: {  	s2 =	sld [smem:$0x3F98];
	s0 =	simm.s32 @p1 $0x1  }
0x15: {  	[smem:$0x3FB5] =	sst s0;
	s0 =	simm.s32 @!p2 $0x0  }
0x16: {  	s3 =	sld [smem:$0x3FDB];
	s0 =	simm.s32 @p2 $0x1  }
0x17: {  	s4 =	simm.s32 $0x1BF5;
	[smem:$0x3FB7] =	sst s0  }
0x18: {  	s0 =	sld [smem:$0x3F9A];
	_ =	swait.ge [sflag:s4], $0x0  }
0x19: {  	s7 =	sld [smem:$0x3F9B]  }
0x1a: {  	s8 =	sadd.s32 $0xFFFFE003, lr  }
0x1b: {  	s9 =	sadd.s32 $0xFFFFFEF7, lr;
	s5 =	simm.s32 $0xFFFFFFFF;
	p2 =	slt.u32 s8, $0xFFFFF086  }
0x1c: {  	p1 =	slt.u32 s9, $0xF7A;
	s5 =	simm.s32 @!p2 $0x0  }
0x1d: {  	s5 =	simm.s32 @p1 $0x1;
	p0 =	seq.s32 s7, s2  }
0x1e: {  	s7 =	smul.u32 @!p0 $0xF7A, s2;
	p2 =	seq.s32 @!p0 s5, $0x0  }
0x1f: {  	s9 =	smul.u32 $0xF7A, s1;
	s8 =	simm.s32 @!p0 $0x1BF5;
	p2 =	por !p2, p0  }
0x20: {  	[sflag:s8] =	ssyncset.s32 @!p0 $0xFFFFF086;
	s6 =	sadd.s32 @!p0 s3, s7;
	s7 =	simm.s32 @!p0 $0x108  }
0x21: {  	s3 =	sadd.s32 s3, s9;
	s6 =	sadd.s32 @!p0 $0x88, s6;
	s7 =	simm.s32 @p2 $0x1082  }
0x22: {  	[simem:s7], [sflag:s8] =	dma.local @!p0 [hbm:s6], $0xF7A  }
0x23: {  	s9 =	sor.u32 $0xD0000000, s2;
	s6 =	simm.s32 $0x108;
	_ =	swait.ge @!p0 [sflag:s8], $0x0  }
0x24: {  	s3 =	sadd.s32 $0x88, s3;
	s6 =	simm.s32 @!p1 $0x1082;
	[sflag:s4] =	ssyncset.s32 $0xFFFFF086  }
0x25: {  	[simem:s6], [sflag:s4] =	dma.local [hbm:s3], $0xF7A  }
0x26: {  	[smem:$0x3F9B] =	sst s1;
	(tag) =	ssettag s2;
	_ =	strace s9  }
0x27: {  	s1 =	sld [smem:$0x3FAB]  }
0x28: {  	s2 =	sld [smem:$0x3FAC]  }
0x29: {  	s4 =	sld [smem:$0x3FAE]  }
0x2a: {  	p0 =	seq.s32 s5, $0x0;
	s5 =	sld [smem:$0x3FAF]  }
0x2b: {  	s6 =	sld [smem:$0x3FB0]  }
0x2c: {  	s7 =	sld [smem:$0x3FB1]  }
0x2d: {  	s3 =	simm.s32 $0x108;
	s8 =	sld [smem:$0x3FB2]  }
0x2e: {  	s3 =	simm.s32 @!p0 $0x1082;
	s9 =	sld [smem:$0x3FB3]  }
0x2f: {  	lr =	sadd.s32 s0, s3;
	s0 =	sld [smem:$0x3FAA]  }
0x30: {  	s3 =	sld [smem:$0x3FAD]  }
0x31: {  	[smem:$0x3FB6] =	sst s10  }
0x32: {  	s10 =	sld [smem:$0x3FB4];
	_ =	sdelay $0x3  }
0x33: {  	p0 =	seq.s32 s10, $0x1;
	s10 =	sld [smem:$0x3FB6];
	_ =	sdelay $0x3  }
0x34: {  	[smem:$0x3FB6] =	sst s10  }
0x35: {  	s10 =	sld [smem:$0x3FB5];
	_ =	sdelay $0x3  }
0x36: {  	p1 =	seq.s32 s10, $0x1;
	s10 =	sld [smem:$0x3FB6];
	_ =	sdelay $0x3  }
0x37: {  	[smem:$0x3FB6] =	sst s10  }
0x38: {  	s10 =	sld [smem:$0x3FB7]  }
0x39: {  	_ = 	snop;
	(pc) =	sbr.ind lr, $3  }
0x3a: {  	_ = 	snop  }
0x3b: {  	_ = 	snop  }
0x3c: {  	p2 =	seq.s32 s10, $0x1;
	s10 =	sld [smem:$0x3FB6]  }
0x3d: {  	_ =	shalt  }
0x3e: {  	_ =	shalt  }
0x3f: {  	_ =	shalt  }
0x40: {  	_ =	shalt  }
0x41: {  	_ =	shalt  }
0x42: {  	_ =	shalt  }
0x43: {  	_ =	shalt  }
0x44: {  	_ =	shalt  }
0x45: {  	_ =	shalt  }
0x46: {  	_ =	shalt  }
0x47: {  	_ =	shalt  }
0x48: {  	_ =	shalt  }
0x49: {  	_ =	shalt  }
0x4a: {  	_ =	shalt  }
0x4b: {  	_ =	shalt  }
0x4c: {  	_ =	shalt  }
0x4d: {  	_ =	shalt  }
0x4e: {  	_ =	shalt  }
0x4f: {  	_ =	shalt  }
0x50: {  	_ =	shalt  }
0x51: {  	_ =	shalt  }
0x52: {  	_ =	shalt  }
0x53: {  	_ =	shalt  }
0x54: {  	_ =	shalt  }
0x55: {  	_ =	shalt  }
0x56: {  	_ =	shalt  }
0x57: {  	_ =	shalt  }
0x58: {  	_ =	shalt  }
0x59: {  	_ =	shalt  }
0x5a: {  	_ =	shalt  }
0x5b: {  	_ =	shalt  }
0x5c: {  	_ =	shalt  }
0x5d: {  	_ =	shalt  }
0x5e: {  	_ =	shalt  }
0x5f: {  	_ =	shalt  }
0x60: {  	_ =	shalt  }
0x61: {  	_ =	shalt  }
0x62: {  	_ =	shalt  }
0x63: {  	_ =	shalt  }
0x64: {  	_ =	shalt  }
0x65: {  	_ =	shalt  }
0x66: {  	_ =	shalt  }
0x67: {  	_ =	shalt  }
0x68: {  	_ =	shalt  }
0x69: {  	_ =	shalt  }
0x6a: {  	_ =	shalt  }
0x6b: {  	_ =	shalt  }
0x6c: {  	_ =	shalt  }
0x6d: {  	_ =	shalt  }
0x6e: {  	_ =	shalt  }
0x6f: {  	_ =	shalt  }
0x70: {  	_ =	shalt  }
0x71: {  	_ =	shalt  }
0x72: {  	_ =	shalt  }
0x73: {  	_ =	shalt  }
0x74: {  	_ =	shalt  }
0x75: {  	_ =	shalt  }
0x76: {  	_ =	shalt  }
0x77: {  	_ =	shalt  }
0x78: {  	_ =	shalt  }
0x79: {  	_ =	shalt  }
0x7a: {  	_ =	shalt  }
0x7b: {  	_ =	shalt  }
0x7c: {  	_ =	shalt  }
0x7d: {  	_ =	shalt  }
0x7e: {  	_ =	shalt  }
0x7f: {  	_ =	shalt  }
0x80: {  	_ =	shalt  }
0x81: {  	_ =	shalt  }
0x82: {  	_ =	shalt  }
0x83: {  	_ =	shalt  }
0x84: {  	_ =	shalt  }
0x85: {  	_ =	shalt  }
0x86: {  	_ =	shalt  }
0x87: {  	_ =	shalt  }
.Lfunc_end0:
.L_simem_size_0:
called_computation.2_lowered:
.L_overlay_start_0:
0x88: {  	s2 =	sld [smem:$0x3FD9]  }
0x89: {  	s3 =	sld [smem:$0x3FFE];
	_ =	sdelay $0x1  }
0x8a: {  	s1 =	srdreg.scid  }
0x8b: {  	s0 =	sand.u32 $0x1, s1  }
0x8c: {  	s17 =	sshll.u32 s0, $0xA;
	s2 =	sadd.s32 s3, s2  }
0x8d: {  	s2 =	sadd.s32 s2, s17  }
0x8e: {  	[smem:$0x3FC2] =	sst s2  }
0x8f: {  	_ = 	snop  }
0x90: {  	s2 =	sld [smem:$0x3FD0];
	(tm) =	ssettm $0x1  }
0x91: {  	s18 =	sld [smem:$0x3FFB];
	_ =	sdelay $0x3  }
0x92: {  	_ =	strace s18  }
0x93: {  	s3 =	sld [smem:$0x3FFC];
	_ =	sdelay $0x3  }
0x94: {  	_ =	strace s3  }
0x95: {  	s3 =	sld [smem:$0x3FFD];
	_ =	sdelay $0x3  }
0x96: {  	_ =	strace s3  }
0x97: {  	_ =	strace $0x8FFFFFFF  }
0x98: {  	s19 =	sld [smem:$0x3FDB];
	_ =	sdelay $0x1  }
0x99: {  	s4 =	simm.s32 $_scs_section_size  }
0x9a: {  	s5 =	simm.s32 $_size__tile_overlayer_lowered;
	s6 =	simm.s32 $_tile_overlayer_lowered  }
0x9b: {  	s22 =	simm.s32 $0x1BFF;
	s21 =	sshll.u32 s6, $0x1;
	s3 =	sadd.s32 s4, s19  }
0x9c: {  	s7 =	simm.s32 $0x0;
	s20 =	sshll.u32 s5, $0x1;
	s5 =	sadd.s32 s21, s3  }
0x9d: {  	[timem:s7], [sflag:s22] =	dma.local [hbm:s5], s20  }
0x9e: {  	_ =	swait.ge [sflag:s22], s20  }
0x9f: {  	s4 =	ssub.s32 $0x0, s20;
	[sflag:s22] =	ssyncset.done $0x0  }
0xa0: {  	[sflag:s22] =	ssyncadd.s32 s4;
	_ =	sdelay $0x1  }
0xa1: {  	s23 =	simm.s32 $0x1B8B  }
0xa2: {  	_ =	swait.ge [sflag:s23], $0x1  }
0xa3: {  	[sflag:s23] =	ssyncset.done $0x0  }
0xa4: {  	s25 =	simm.s32 $0x1B8E;
	s24 =	sld [smem:$0x3FFE];
	[sflag:s23] =	ssyncadd.s32 $0xFFFFFFFF  }
0xa5: {  	s26 =	simm.s32 $execute0_lowered;
	[smem:$0x3FD2] =	sst s25  }
0xa6: {  	s5 =	sshll.u32 s26, $0x1;
	_ =	strace $0x8000004C;
	[dreg:$0x1] =	wrdreg $0xFFFFFFFF  }
0xa7: {  	s28 =	simm.s32 $_size_execute0_lowered;
	s3 =	sadd.s32 s3, s5;
	[dreg:$0x0] =	wrdreg $0x0  }
0xa8: {  	s5 =	sshll.u32 s28, $0x1;
	[dreg:$0x2] =	wrdreg s3  }
0xa9: {  	[dreg:$0x3] =	wrdreg s5  }
0xaa: {  	[dreg:$0x4] =	wrdreg $0xC0  }
0xab: {  	_ =	task [dreg:s7], $0x5FFFF  }
0xac: {  	[dreg:$0x1] =	wrdreg $0xFFFFFFFF  }
0xad: {  	[dreg:$0x0] =	wrdreg $0x60  }
0xae: {  	[dreg:$0x2] =	wrdreg s2  }
0xaf: {  	[dreg:$0x3] =	wrdreg s24  }
0xb0: {  	[dreg:$0x4] =	wrdreg $0x150000  }
0xb1: {  	[dreg:$0x5] =	wrdreg $0x9  }
0xb2: {  	_ =	task.clear_ibuf [dreg:s7], $0x6FFFF;
	_ =	strace $0x9000004C  }
0xb3: {  	s29 =	simm.s32 $0x9;
	_ =	strace $0x8000004E  }
0xb4: {  	_ =	swait.ge [sflag:s29], $0x1  }
0xb5: {  	[sflag:s29] =	ssyncadd.s32 $0xFFFFFFFF  }
0xb6: {  	_ =	strace $0x9000004E  }
0xb7: {  	_ =	sfence  }
0xb8: {  	s30 =	sld [smem:$0x0];
	_ =	sdelay $0x2  }
0xb9: {  	s31 =	sshll.u32 s1, $0xD;
	s1 =	sshrl.u32 s1, $0x2  }
0xba: {  	s3 =	sand.u32 $0x4000, s31;
	s1 =	sadd.s32 s1, s30  }
0xbb: {  	s0 =	sor.u32 s3, s0;
	s1 =	sshll.u32 s1, $0x11  }
0xbc: {  	s0 =	sor.u32 s1, s0  }
0xbd: {  	s0 =	sadd.s32 $0x8F2B, s0  }
0xbe: {  	[sflag:s0] =	ssyncadd.remote.s32 $0x1  }
0xbf: {  	_ =	sfence.sel $0xFFFF  }
0xc0: {  	[dreg:$0x0] =	wrdreg $0xFFFFFFFF;
	(pc) =	sbr.abs _section_cstart, $3  }
0xc1: {  	[dreg:$0x1] =	wrdreg $0xFFFFFFFF  }
0xc2: {  	_ =	task.clear_ibuf [dreg:s7], $0x2FFFF;
	_ =	strace $0x9FFFFFFF  }
0xc3: {  	(tm) =	ssettm $0x7FFFFFFF  }
tec
execute0_lowered:
.L_overlay_start_1:
0x0: {  	(tag) =	ssettag $0x1  }
0x1: {  	s1 =	rddreg [dreg:$0x0];
	s0 =	srdreg.scid  }
0x2: {  	s9 =	stileid.u32;
	s2 =	rddreg [dreg:$0x1]  }
0x3: {  	s3 =	rddreg [dreg:$0x2];
	s14 =	simm.s32 $0x5000;
	s13 =	simm.s32 $0x11  }
0x4: {  	s28 =	simm.s32 $0x13000;
	s29 =	simm.s32 $0x1;
	s30 =	simm.s32 $0x2  }
0x5: {  	s31 =	simm.s32 $0x3;
	s10 =	simm.s32 $0x10;
	s7 =	smul.u32 $0x28000, s9  }
0x6: {  	s0 =	sand.u32 $0x1, s0;
	s4 =	sshll.u32 s9, $0x1;
	s17 =	smul.u32 $0xA000, s9  }
0x7: {  	s9 =	simm.s32 $0xF;
	s5 =	sor.u32 s0, s4;
	s6 =	smul.u32 $0x14000, s0  }
0x8: {  	s4 =	simm.s32 $0x0;
	s0 =	ssub.s32 $0x2, s0;
	s5 =	smul.u32 $0x500, s5  }
0x9: {  	[smem:$0x7FF] =	sst s4;
	s15 =	sshrl.u32 s0, $0x1;
	s16 =	sshrl.u32 s7, $0x2  }
0xa: {  	s20 =	sshrl.u32 s17, $0x3;
	s7 =	simm.s32 $0xD;
	_ =	strace $0x8000004D  }
0xb: {  	s0 =	ssub.s32 s0, s15;
	s15 =	simm.s32 $0x9;
	s8 =	sadd.s32 s5, s2  }
0xc: {  	s2 =	sadd.s32 s6, s2;
	s5 =	sadd.s32 s16, s3;
	s0 =	smax.u32 s0, $0x1  }
0xd: {  	s6 =	sadd.s32 s17, s3;
	s16 =	simm.s32 $0x80;
	[dreg:$0x8] =	wrdreg s0  }
0xe: {  	s17 =	simm.s32 $0x7000;
	s18 =	sadd.s32 $0xBC00, s8;
	[dreg:$0x5] =	wrdreg s5  }
0xf: {  	s19 =	sadd.s32 $0x1C00, s8;
	s2 =	sadd.s32 $0x15C00, s2;
	[dreg:$0x6] =	wrdreg s18  }
0x10: {  	s21 =	sadd.s32 $0x2000, s5;
	s22 =	sadd.s32 $0x4000, s5;
	[dreg:$0x7] =	wrdreg s19  }
0x11: {  	s23 =	sadd.s32 $0x6000, s5;
	s24 =	sadd.s32 $0x8000, s5;
	[dreg:$0x9] =	wrdreg s21  }
0x12: {  	s26 =	sshrl.u32 s6, $0x3;
	s0 =	simm.s32 $0x7;
	[dreg:$0xa] =	wrdreg s22  }
0x13: {  	s6 =	simm.s32 $0x8;
	s8 =	simm.s32 $0xE;
	[dreg:$0xb] =	wrdreg s23  }
0x14: {  	[dreg:$0xc] =	wrdreg s24;
	s19 =	simm.s32 $0x9000;
	s21 =	simm.s32 $0xB000  }
0x15: {  	s22 =	simm.s32 $0xD000;
	s25 =	sadd.s32 s20, s2;
	s24 =	simm.s32 $0xF000  }
0x16: {  	[dreg:$0xe] =	wrdreg s26;
	s26 =	simm.s32 $0x11000;
	s2 =	simm.s32 $0x4  }
0x17: {  	v0 =	vimm.f32 $0.0e+00;
	s18 =	simm.s32 $0x5;
	s20 =	simm.s32 $0x6;
	[dreg:$0xd] =	wrdreg s25  }
.LBB2_1:
0x18: {  	s12 =	simm.s32 $0x100;
	s11 =	simm.s32 $0x0  }
.LBB2_2:
0x19: {  	p0 =	sne.s32 s12, $0x7F00;
	[tilespmem:s11+$0x5030] =	vst v0;
	s23 =	smov.u32 s12;
	s12 =	sadd.s32 $0x100, s12  }
.Ltmp0:
0x1a: {  	[tilespmem:s11+$0x5020] =	vst v0;
	(pc) =	sbr.rel @p0 .LBB2_2-.Ltmp0, $3  }
0x1b: {  	[tilespmem:s11+$0x5000] =	vst v0  }
0x1c: {  	[tilespmem:s11+$0x5010] =	vst v0;
	_ =	sdelay $0x1  }
0x1d: {  	s11 =	sshra.s32 s23, $0x2  }
0x1e: {  	[tilespmem:s11+$0x5030] =	vst v0  }
0x1f: {  	[tilespmem:s11+$0x5020] =	vst v0  }
0x20: {  	[dreg:$0x4] =	wrdreg s4;
	[tilespmem:s11+$0x5000] =	vst v0  }
0x21: {  	[tilespmem:s11+$0x5010] =	vst v0;
	s25 =	rddreg [dreg:$0x5]  }
0x22: {  	[spmem:s25] =	stream.linear.scatter [tilespmem:s14], [sflag:$0x11], $0x2000, $0x38;
	[tilespmem:$0x1F000] =	vst v63  }
0x23: {  	_ =	swait.ge [sflag:s13], $0x2000  }
0x24: {  	[sflag:s13] =	ssyncset.done $0x0  }
0x25: {  	s5 =	rddreg [dreg:$0x9];
	[sflag:s13] =	ssyncadd.s32 $0xFFFFE000  }
0x26: {  	[spmem:s5] =	stream.linear.scatter [tilespmem:s14], [sflag:$0x11], $0x2000, $0x38;
	[tilespmem:$0x1F000] =	vst v63  }
0x27: {  	_ =	swait.ge [sflag:s13], $0x2000  }
0x28: {  	[sflag:s13] =	ssyncset.done $0x0  }
0x29: {  	s11 =	rddreg [dreg:$0xa];
	[sflag:s13] =	ssyncadd.s32 $0xFFFFE000  }
0x2a: {  	[spmem:s11] =	stream.linear.scatter [tilespmem:s14], [sflag:$0x11], $0x2000, $0x38;
	[tilespmem:$0x1F000] =	vst v63  }
0x2b: {  	_ =	swait.ge [sflag:s13], $0x2000  }
0x2c: {  	[sflag:s13] =	ssyncset.done $0x0  }
0x2d: {  	s12 =	rddreg [dreg:$0xb];
	[sflag:s13] =	ssyncadd.s32 $0xFFFFE000  }
0x2e: {  	[spmem:s12] =	stream.linear.scatter [tilespmem:s14], [sflag:$0x11], $0x2000, $0x38;
	[tilespmem:$0x1F000] =	vst v63  }
0x2f: {  	_ =	swait.ge [sflag:s13], $0x2000  }
0x30: {  	[sflag:s13] =	ssyncset.done $0x0  }
0x31: {  	s23 =	rddreg [dreg:$0xc];
	[sflag:s13] =	ssyncadd.s32 $0xFFFFE000  }
0x32: {  	[spmem:s23] =	stream.linear.scatter [tilespmem:s14], [sflag:$0x11], $0x2000, $0x38;
	[tilespmem:$0x1F000] =	vst v63  }
0x33: {  	_ =	swait.ge [sflag:s13], $0x2000  }
0x34: {  	[sflag:s13] =	ssyncset.done $0x0  }
0x35: {  	s25 =	simm.s32 $0x0;
	s5 =	rddreg [dreg:$0x6];
	[sflag:s13] =	ssyncadd.s32 $0xFFFFE000  }
0x36: {  	[tilespmem:s25], [sflag:$0x11] =	stream.linear.gather [hbm4b:s5+s25], $0x2800, $0x38;
	[tilespmem:$0x1F000] =	vst v63  }
0x37: {  	_ =	swait.ge [sflag:s13], $0x2800  }
0x38: {  	[sflag:s13] =	ssyncset.done $0x0  }
0x39: {  	s5 =	simm.s32 $0x2800;
	s12 =	rddreg [dreg:$0x7];
	[sflag:s13] =	ssyncadd.s32 $0xFFFFD800  }
0x3a: {  	[tilespmem:s5], [sflag:$0x11] =	stream.linear.gather [hbm4b:s12+s25], $0x2800, $0x38;
	[tilespmem:$0x1F000] =	vst v63  }
0x3b: {  	_ =	swait.ge [sflag:s13], $0x2800  }
0x3c: {  	[sflag:s13] =	ssyncset.done $0x0  }
0x3d: {  	[sflag:s13] =	ssyncadd.s32 $0xFFFFD800  }
0x3e: {  	[bflag:$0x0] =	sbarrier.arrive $0xFFFF  }
0x3f: {  	[tilespmem:s14], [sflag:$0x1] =	stream.indirect.gather [hbm4b:s1+s16], $0x40, s25, s16, $0xb8;
	[tilespmem:$0x1F000] =	vst v63  }
0x40: {  	_ = 	snop  }
0x41: {  	[tilespmem:s17], [sflag:$0x2] =	stream.indirect.gather [hbm4b:s1+s16], $0x40, s16, s16, $0xb8;
	[tilespmem:$0x1F000] =	vst v63  }
0x42: {  	s23 =	simm.s32 $0x100  }
0x43: {  	[tilespmem:s19], [sflag:$0x3] =	stream.indirect.gather [hbm4b:s1+s16], $0x40, s23, s16, $0xb8;
	[tilespmem:$0x1F000] =	vst v63  }
0x44: {  	s25 =	simm.s32 $0x180  }
0x45: {  	[tilespmem:s21], [sflag:$0x4] =	stream.indirect.gather [hbm4b:s1+s16], $0x40, s25, s16, $0xb8;
	[tilespmem:$0x1F000] =	vst v63  }
0x46: {  	s4 =	simm.s32 $0x200  }
0x47: {  	[tilespmem:s22], [sflag:$0x5] =	stream.indirect.gather [hbm4b:s1+s16], $0x40, s4, s16, $0xb8;
	[tilespmem:$0x1F000] =	vst v63  }
0x48: {  	s5 =	simm.s32 $0x280  }
0x49: {  	[tilespmem:s24], [sflag:$0x6] =	stream.indirect.gather [hbm4b:s1+s16], $0x40, s5, s16, $0xb8;
	[tilespmem:$0x1F000] =	vst v63  }
0x4a: {  	s12 =	simm.s32 $0x300  }
0x4b: {  	[tilespmem:s26], [sflag:$0x7] =	stream.indirect.gather [hbm4b:s1+s16], $0x40, s12, s16, $0xb8;
	[tilespmem:$0x1F000] =	vst v63  }
0x4c: {  	s13 =	simm.s32 $0x380  }
0x4d: {  	[tilespmem:s28], [sflag:$0x8] =	stream.indirect.gather [hbm4b:s1+s16], $0x40, s13, s16, $0xb8;
	[tilespmem:$0x1F000] =	vst v63  }
0x4e: {  	_ =	swait.ge [sflag:s29], $0x2000  }
0x4f: {  	[sflag:s29] =	ssyncset.done $0x0  }
0x50: {  	s23 =	simm.s32 $0x2800;
	[sflag:s29] =	ssyncadd.s32 $0xFFFFE000  }
0x51: {  	[spmem:s3] =	stream.indirect.scatter.add.f32 [tilespmem:s14], [sflag:$0x9], $0x40, s23, s16, $0xb8;
	[tilespmem:$0x1F000] =	vst v63  }
0x52: {  	_ =	swait.ge [sflag:s30], $0x2000  }
0x53: {  	[sflag:s30] =	ssyncset.done $0x0  }
0x54: {  	s25 =	simm.s32 $0x2880;
	[sflag:s30] =	ssyncadd.s32 $0xFFFFE000  }
0x55: {  	[spmem:s3] =	stream.indirect.scatter.add.f32 [tilespmem:s17], [sflag:$0xA], $0x40, s25, s16, $0xb8;
	[tilespmem:$0x1F000] =	vst v63  }
0x56: {  	_ =	swait.ge [sflag:s31], $0x2000  }
0x57: {  	[sflag:s31] =	ssyncset.done $0x0  }
0x58: {  	s4 =	simm.s32 $0x2900;
	[sflag:s31] =	ssyncadd.s32 $0xFFFFE000  }
0x59: {  	[spmem:s3] =	stream.indirect.scatter.add.f32 [tilespmem:s19], [sflag:$0xB], $0x40, s4, s16, $0xb8;
	[tilespmem:$0x1F000] =	vst v63  }
0x5a: {  	_ =	swait.ge [sflag:s2], $0x2000  }
0x5b: {  	[sflag:s2] =	ssyncset.done $0x0  }
0x5c: {  	s5 =	simm.s32 $0x2980;
	[sflag:s2] =	ssyncadd.s32 $0xFFFFE000  }
0x5d: {  	[spmem:s3] =	stream.indirect.scatter.add.f32 [tilespmem:s21], [sflag:$0xC], $0x40, s5, s16, $0xb8;
	[tilespmem:$0x1F000] =	vst v63  }
0x5e: {  	p0 =	por $0x1, $0x1;
	_ =	swait.ge [sflag:s15], $0x2000  }
0x5f: {  	s11 =	simm.s32 @p0 $0x80;
	[sflag:s15] =	ssyncset.done $0x0  }
0x60: {  	s12 =	simm.s32 @p0 $0x400;
	s23 =	simm.s32 @p0 $0x5000;
	[sflag:s15] =	ssyncadd.s32 $0xFFFFE000  }
0x61: {  	[tilespmem:s23], [sflag:$0x1] =	stream.indirect.gather @p0 [hbm4b:s1+s11], $0x40, s12, s11, $0xb8;
	[tilespmem:$0x1F000] =	vst v63  }
0x62: {  	s12 =	simm.s32 @p0 $0xA  }
0x63: {  	_ =	swait.ge @p0 [sflag:s12], $0x2000  }
0x64: {  	[sflag:s12] =	ssyncset.done @p0 $0x0  }
0x65: {  	s23 =	simm.s32 @p0 $0x480;
	[sflag:s12] =	ssyncadd.s32 @p0 $0xFFFFE000;
	s12 =	simm.s32 @p0 $0x7000  }
0x66: {  	[tilespmem:s12], [sflag:$0x2] =	stream.indirect.gather @p0 [hbm4b:s1+s11], $0x40, s23, s11, $0xb8;
	[tilespmem:$0x1F000] =	vst v63  }
0x67: {  	s12 =	simm.s32 @p0 $0xB  }
0x68: {  	_ =	swait.ge @p0 [sflag:s12], $0x2000  }
0x69: {  	[sflag:s12] =	ssyncset.done @p0 $0x0  }
0x6a: {  	s23 =	simm.s32 @p0 $0x500;
	[sflag:s12] =	ssyncadd.s32 @p0 $0xFFFFE000;
	s12 =	simm.s32 @p0 $0x9000  }
0x6b: {  	[tilespmem:s12], [sflag:$0x3] =	stream.indirect.gather @p0 [hbm4b:s1+s11], $0x40, s23, s11, $0xb8;
	[tilespmem:$0x1F000] =	vst v63  }
0x6c: {  	s12 =	simm.s32 @p0 $0xC  }
0x6d: {  	_ =	swait.ge @p0 [sflag:s12], $0x2000  }
0x6e: {  	[sflag:s12] =	ssyncset.done @p0 $0x0  }
0x6f: {  	s23 =	simm.s32 @p0 $0x580;
	[sflag:s12] =	ssyncadd.s32 @p0 $0xFFFFE000;
	s12 =	simm.s32 @p0 $0xB000  }
0x70: {  	[tilespmem:s12], [sflag:$0x4] =	stream.indirect.gather @p0 [hbm4b:s1+s11], $0x40, s23, s11, $0xb8;
	[tilespmem:$0x1F000] =	vst v63  }
0x71: {  	s11 =	simm.s32 @!p0 $0xA  }
0x72: {  	_ =	swait.ge @!p0 [sflag:s11], $0x2000  }
0x73: {  	[sflag:s11] =	ssyncset.done @!p0 $0x0  }
0x74: {  	s12 =	simm.s32 @!p0 $0xB;
	[sflag:s11] =	ssyncadd.s32 @!p0 $0xFFFFE000  }
0x75: {  	_ =	swait.ge @!p0 [sflag:s12], $0x2000  }
0x76: {  	[sflag:s12] =	ssyncset.done @!p0 $0x0  }
0x77: {  	s11 =	simm.s32 @!p0 $0xC;
	[sflag:s12] =	ssyncadd.s32 @!p0 $0xFFFFE000  }
0x78: {  	_ =	swait.ge @!p0 [sflag:s11], $0x2000  }
0x79: {  	[sflag:s11] =	ssyncset.done @!p0 $0x0  }
0x7a: {  	[sflag:s11] =	ssyncadd.s32 @!p0 $0xFFFFE000  }
0x7b: {  	_ =	swait.ge [sflag:s18], $0x2000  }
0x7c: {  	[sflag:s18] =	ssyncset.done $0x0  }
0x7d: {  	s12 =	simm.s32 $0x2A00;
	[sflag:s18] =	ssyncadd.s32 $0xFFFFE000  }
0x7e: {  	[spmem:s3] =	stream.indirect.scatter.add.f32 [tilespmem:s22], [sflag:$0xD], $0x40, s12, s16, $0xb8;
	[tilespmem:$0x1F000] =	vst v63  }
0x7f: {  	_ =	swait.ge [sflag:s20], $0x2000  }
0x80: {  	[sflag:s20] =	ssyncset.done $0x0  }
0x81: {  	s13 =	simm.s32 $0x2A80;
	[sflag:s20] =	ssyncadd.s32 $0xFFFFE000  }
0x82: {  	[spmem:s3] =	stream.indirect.scatter.add.f32 [tilespmem:s24], [sflag:$0xE], $0x40, s13, s16, $0xb8;
	[tilespmem:$0x1F000] =	vst v63  }
0x83: {  	_ =	swait.ge [sflag:s0], $0x2000  }
0x84: {  	[sflag:s0] =	ssyncset.done $0x0  }
0x85: {  	s23 =	simm.s32 $0x2B00;
	[sflag:s0] =	ssyncadd.s32 $0xFFFFE000  }
0x86: {  	[spmem:s3] =	stream.indirect.scatter.add.f32 [tilespmem:s26], [sflag:$0xF], $0x40, s23, s16, $0xb8;
	[tilespmem:$0x1F000] =	vst v63  }
0x87: {  	_ =	swait.ge [sflag:s6], $0x2000  }
0x88: {  	[sflag:s6] =	ssyncset.done $0x0  }
0x89: {  	s25 =	simm.s32 $0x2B80;
	[sflag:s6] =	ssyncadd.s32 $0xFFFFE000  }
0x8a: {  	[spmem:s3] =	stream.indirect.scatter.add.f32 [tilespmem:s28], [sflag:$0x10], $0x40, s25, s16, $0xb8;
	[tilespmem:$0x1F000] =	vst v63  }
0x8b: {  	_ =	swait.ge [sflag:s7], $0x2000  }
0x8c: {  	[sflag:s7] =	ssyncset.done $0x0  }
0x8d: {  	[sflag:s7] =	ssyncadd.s32 $0xFFFFE000  }
0x8e: {  	_ =	swait.ge [sflag:s8], $0x2000  }
0x8f: {  	[sflag:s8] =	ssyncset.done $0x0  }
0x90: {  	[sflag:s8] =	ssyncadd.s32 $0xFFFFE000  }
0x91: {  	_ =	swait.ge [sflag:s9], $0x2000  }
0x92: {  	[sflag:s9] =	ssyncset.done $0x0  }
0x93: {  	s11 =	simm.s32 $0x400;
	[sflag:s9] =	ssyncadd.s32 $0xFFFFE000  }
0x94: {  	s12 =	simm.s32 $0x1000;
	s23 =	simm.s32 $0x2000;
	_ =	swait.ge [sflag:s10], $0x2000  }
.LBB2_4:
0x95: {  	s5 =	sadd.s32 $0x200, s11  }
0x96: {  	[sflag:s10] =	ssyncset.done $0x0;
	s25 =	smov.u32 s23;
	s23 =	sadd.s32 $0x1000, s23  }
0x97: {  	p0 =	sne.s32 s23, $0xA000;
	[sflag:s10] =	ssyncadd.s32 $0xFFFFE000  }
0x98: {  	[tilespmem:s22], [sflag:$0x5] =	stream.indirect.gather [hbm4b:s1+s16], $0x40, s5, s16, $0xb8;
	[tilespmem:$0x1F000] =	vst v63  }
0x99: {  	s5 =	sadd.s32 $0x280, s11  }
0x9a: {  	[tilespmem:s24], [sflag:$0x6] =	stream.indirect.gather [hbm4b:s1+s16], $0x40, s5, s16, $0xb8;
	[tilespmem:$0x1F000] =	vst v63  }
0x9b: {  	s5 =	sadd.s32 $0x300, s11  }
0x9c: {  	[tilespmem:s26], [sflag:$0x7] =	stream.indirect.gather [hbm4b:s1+s16], $0x40, s5, s16, $0xb8;
	[tilespmem:$0x1F000] =	vst v63  }
0x9d: {  	s5 =	sadd.s32 $0x380, s11  }
0x9e: {  	[tilespmem:s28], [sflag:$0x8] =	stream.indirect.gather [hbm4b:s1+s16], $0x40, s5, s16, $0xb8;
	[tilespmem:$0x1F000] =	vst v63  }
0x9f: {  	_ =	swait.ge [sflag:s29], $0x2000  }
0xa0: {  	s5 =	sadd.s32 $0x2800, s11;
	[sflag:s29] =	ssyncset.done $0x0  }
0xa1: {  	[sflag:s29] =	ssyncadd.s32 $0xFFFFE000  }
0xa2: {  	[spmem:s3] =	stream.indirect.scatter.add.f32 [tilespmem:s14], [sflag:$0x9], $0x40, s5, s16, $0xb8;
	[tilespmem:$0x1F000] =	vst v63  }
0xa3: {  	_ =	swait.ge [sflag:s30], $0x2000  }
0xa4: {  	s5 =	sadd.s32 $0x2880, s11;
	[sflag:s30] =	ssyncset.done $0x0  }
0xa5: {  	[sflag:s30] =	ssyncadd.s32 $0xFFFFE000  }
0xa6: {  	[spmem:s3] =	stream.indirect.scatter.add.f32 [tilespmem:s17], [sflag:$0xA], $0x40, s5, s16, $0xb8;
	[tilespmem:$0x1F000] =	vst v63  }
0xa7: {  	_ =	swait.ge [sflag:s31], $0x2000  }
0xa8: {  	s5 =	sadd.s32 $0x2900, s11;
	[sflag:s31] =	ssyncset.done $0x0  }
0xa9: {  	[sflag:s31] =	ssyncadd.s32 $0xFFFFE000  }
0xaa: {  	[spmem:s3] =	stream.indirect.scatter.add.f32 [tilespmem:s19], [sflag:$0xB], $0x40, s5, s16, $0xb8;
	[tilespmem:$0x1F000] =	vst v63  }
0xab: {  	_ =	swait.ge [sflag:s2], $0x2000  }
0xac: {  	s5 =	sadd.s32 $0x2980, s11;
	[sflag:s2] =	ssyncset.done $0x0  }
0xad: {  	p1 =	sne.s32 s12, $0x9000;
	[sflag:s2] =	ssyncadd.s32 $0xFFFFE000  }
0xae: {  	[spmem:s3] =	stream.indirect.scatter.add.f32 [tilespmem:s21], [sflag:$0xC], $0x40, s5, s16, $0xb8;
	[tilespmem:$0x1F000] =	vst v63  }
0xaf: {  	s4 =	simm.s32 @p1 $0x80;
	s5 =	sshra.s32 @p1 s12, $0x2;
	_ =	swait.ge [sflag:s15], $0x2000  }
0xb0: {  	s13 =	simm.s32 @p1 $0x5000;
	s14 =	sadd.s32 @p1 $0x400, s5;
	[sflag:s15] =	ssyncset.done $0x0  }
0xb1: {  	s17 =	simm.s32 @p1 $0xA;
	s12 =	smov.u32 s25;
	[sflag:s15] =	ssyncadd.s32 $0xFFFFE000  }
0xb2: {  	[tilespmem:s13], [sflag:$0x1] =	stream.indirect.gather @p1 [hbm4b:s1+s4], $0x40, s14, s4, $0xb8;
	[tilespmem:$0x1F000] =	vst v63  }
0xb3: {  	_ =	swait.ge @p1 [sflag:s17], $0x2000  }
0xb4: {  	s13 =	sadd.s32 @p1 $0x480, s5;
	s14 =	simm.s32 @p1 $0x7000;
	[sflag:s17] =	ssyncset.done @p1 $0x0  }
0xb5: {  	[sflag:s17] =	ssyncadd.s32 @p1 $0xFFFFE000;
	s17 =	simm.s32 @p1 $0xB  }
0xb6: {  	[tilespmem:s14], [sflag:$0x2] =	stream.indirect.gather @p1 [hbm4b:s1+s4], $0x40, s13, s4, $0xb8;
	[tilespmem:$0x1F000] =	vst v63  }
0xb7: {  	_ =	swait.ge @p1 [sflag:s17], $0x2000  }
0xb8: {  	s13 =	sadd.s32 @p1 $0x500, s5;
	s14 =	simm.s32 @p1 $0x9000;
	[sflag:s17] =	ssyncset.done @p1 $0x0  }
0xb9: {  	[sflag:s17] =	ssyncadd.s32 @p1 $0xFFFFE000;
	s17 =	simm.s32 @p1 $0xC  }
0xba: {  	[tilespmem:s14], [sflag:$0x3] =	stream.indirect.gather @p1 [hbm4b:s1+s4], $0x40, s13, s4, $0xb8;
	[tilespmem:$0x1F000] =	vst v63  }
0xbb: {  	_ =	swait.ge @p1 [sflag:s17], $0x2000  }
0xbc: {  	s5 =	sadd.s32 @p1 $0x580, s5;
	s13 =	simm.s32 @p1 $0xB000;
	[sflag:s17] =	ssyncset.done @p1 $0x0  }
0xbd: {  	s14 =	simm.s32 @!p1 $0xA;
	[sflag:s17] =	ssyncadd.s32 @p1 $0xFFFFE000;
	s17 =	simm.s32 $0x7000  }
0xbe: {  	[tilespmem:s13], [sflag:$0x4] =	stream.indirect.gather @p1 [hbm4b:s1+s4], $0x40, s5, s4, $0xb8;
	[tilespmem:$0x1F000] =	vst v63  }
0xbf: {  	_ =	swait.ge @!p1 [sflag:s14], $0x2000  }
0xc0: {  	s4 =	simm.s32 @!p1 $0xB;
	[sflag:s14] =	ssyncset.done @!p1 $0x0  }
0xc1: {  	[sflag:s14] =	ssyncadd.s32 @!p1 $0xFFFFE000;
	s14 =	simm.s32 $0x5000  }
0xc2: {  	_ =	swait.ge @!p1 [sflag:s4], $0x2000  }
0xc3: {  	s5 =	simm.s32 @!p1 $0xC;
	[sflag:s4] =	ssyncset.done @!p1 $0x0  }
0xc4: {  	[sflag:s4] =	ssyncadd.s32 @!p1 $0xFFFFE000  }
0xc5: {  	_ =	swait.ge @!p1 [sflag:s5], $0x2000  }
0xc6: {  	[sflag:s5] =	ssyncset.done @!p1 $0x0  }
0xc7: {  	[sflag:s5] =	ssyncadd.s32 @!p1 $0xFFFFE000  }
0xc8: {  	_ =	swait.ge [sflag:s18], $0x2000  }
0xc9: {  	s4 =	sadd.s32 $0x2A00, s11;
	[sflag:s18] =	ssyncset.done $0x0  }
0xca: {  	[sflag:s18] =	ssyncadd.s32 $0xFFFFE000  }
0xcb: {  	[spmem:s3] =	stream.indirect.scatter.add.f32 [tilespmem:s22], [sflag:$0xD], $0x40, s4, s16, $0xb8;
	[tilespmem:$0x1F000] =	vst v63  }
0xcc: {  	_ =	swait.ge [sflag:s20], $0x2000  }
0xcd: {  	s4 =	sadd.s32 $0x2A80, s11;
	[sflag:s20] =	ssyncset.done $0x0  }
0xce: {  	[sflag:s20] =	ssyncadd.s32 $0xFFFFE000  }
0xcf: {  	[spmem:s3] =	stream.indirect.scatter.add.f32 [tilespmem:s24], [sflag:$0xE], $0x40, s4, s16, $0xb8;
	[tilespmem:$0x1F000] =	vst v63  }
0xd0: {  	_ =	swait.ge [sflag:s0], $0x2000  }
0xd1: {  	s4 =	sadd.s32 $0x2B00, s11;
	[sflag:s0] =	ssyncset.done $0x0  }
0xd2: {  	[sflag:s0] =	ssyncadd.s32 $0xFFFFE000  }
0xd3: {  	[spmem:s3] =	stream.indirect.scatter.add.f32 [tilespmem:s26], [sflag:$0xF], $0x40, s4, s16, $0xb8;
	[tilespmem:$0x1F000] =	vst v63  }
0xd4: {  	_ =	swait.ge [sflag:s6], $0x2000  }
0xd5: {  	s4 =	sadd.s32 $0x2B80, s11;
	[sflag:s6] =	ssyncset.done $0x0  }
0xd6: {  	[sflag:s6] =	ssyncadd.s32 $0xFFFFE000  }
0xd7: {  	[spmem:s3] =	stream.indirect.scatter.add.f32 [tilespmem:s28], [sflag:$0x10], $0x40, s4, s16, $0xb8;
	[tilespmem:$0x1F000] =	vst v63  }
0xd8: {  	_ =	swait.ge [sflag:s7], $0x2000  }
0xd9: {  	[sflag:s7] =	ssyncset.done $0x0  }
0xda: {  	[sflag:s7] =	ssyncadd.s32 $0xFFFFE000  }
0xdb: {  	_ =	swait.ge [sflag:s8], $0x2000  }
0xdc: {  	[sflag:s8] =	ssyncset.done $0x0  }
.Ltmp1:
0xdd: {  	[sflag:s8] =	ssyncadd.s32 $0xFFFFE000;
	(pc) =	sbr.rel @p0 .LBB2_4-.Ltmp1, $4  }
0xde: {  	_ =	swait.ge [sflag:s9], $0x2000  }
0xdf: {  	[sflag:s9] =	ssyncset.done $0x0  }
0xe0: {  	[sflag:s9] =	ssyncadd.s32 $0xFFFFE000  }
0xe1: {  	s11 =	sshra.s32 s12, $0x2;
	_ =	swait.ge [sflag:s10], $0x2000  }
0xe2: {  	[sflag:s10] =	ssyncset.done $0x0  }
0xe3: {  	s4 =	sadd.s32 $0x200, s11;
	[sflag:s10] =	ssyncadd.s32 $0xFFFFE000  }
0xe4: {  	[tilespmem:s22], [sflag:$0x5] =	stream.indirect.gather [hbm4b:s1+s16], $0x40, s4, s16, $0xb8;
	[tilespmem:$0x1F000] =	vst v63  }
0xe5: {  	s23 =	sadd.s32 $0x280, s11  }
0xe6: {  	[tilespmem:s24], [sflag:$0x6] =	stream.indirect.gather [hbm4b:s1+s16], $0x40, s23, s16, $0xb8;
	[tilespmem:$0x1F000] =	vst v63  }
0xe7: {  	s25 =	sadd.s32 $0x300, s11  }
0xe8: {  	[tilespmem:s26], [sflag:$0x7] =	stream.indirect.gather [hbm4b:s1+s16], $0x40, s25, s16, $0xb8;
	[tilespmem:$0x1F000] =	vst v63  }
0xe9: {  	s5 =	sadd.s32 $0x380, s11  }
0xea: {  	[tilespmem:s28], [sflag:$0x8] =	stream.indirect.gather [hbm4b:s1+s16], $0x40, s5, s16, $0xb8;
	[tilespmem:$0x1F000] =	vst v63  }
0xeb: {  	_ =	swait.ge [sflag:s29], $0x2000  }
0xec: {  	[sflag:s29] =	ssyncset.done $0x0  }
0xed: {  	s13 =	sadd.s32 $0x2800, s11;
	[sflag:s29] =	ssyncadd.s32 $0xFFFFE000  }
0xee: {  	[spmem:s3] =	stream.indirect.scatter.add.f32 [tilespmem:s14], [sflag:$0x9], $0x40, s13, s16, $0xb8;
	[tilespmem:$0x1F000] =	vst v63  }
0xef: {  	_ =	swait.ge [sflag:s30], $0x2000  }
0xf0: {  	[sflag:s30] =	ssyncset.done $0x0  }
0xf1: {  	s23 =	sadd.s32 $0x2880, s11;
	[sflag:s30] =	ssyncadd.s32 $0xFFFFE000  }
0xf2: {  	[spmem:s3] =	stream.indirect.scatter.add.f32 [tilespmem:s17], [sflag:$0xA], $0x40, s23, s16, $0xb8;
	[tilespmem:$0x1F000] =	vst v63  }
0xf3: {  	_ =	swait.ge [sflag:s31], $0x2000  }
0xf4: {  	[sflag:s31] =	ssyncset.done $0x0  }
0xf5: {  	s25 =	sadd.s32 $0x2900, s11;
	[sflag:s31] =	ssyncadd.s32 $0xFFFFE000  }
0xf6: {  	[spmem:s3] =	stream.indirect.scatter.add.f32 [tilespmem:s19], [sflag:$0xB], $0x40, s25, s16, $0xb8;
	[tilespmem:$0x1F000] =	vst v63  }
0xf7: {  	_ =	swait.ge [sflag:s2], $0x2000  }
0xf8: {  	[sflag:s2] =	ssyncset.done $0x0  }
0xf9: {  	p0 =	sne.s32 s12, $0x9000;
	s5 =	sadd.s32 $0x2980, s11;
	[sflag:s2] =	ssyncadd.s32 $0xFFFFE000  }
0xfa: {  	[spmem:s3] =	stream.indirect.scatter.add.f32 [tilespmem:s21], [sflag:$0xC], $0x40, s5, s16, $0xb8;
	[tilespmem:$0x1F000] =	vst v63  }
0xfb: {  	s4 =	sshra.s32 @p0 s12, $0x2;
	_ =	swait.ge [sflag:s15], $0x2000  }
0xfc: {  	s12 =	sadd.s32 @p0 $0x400, s4;
	[sflag:s15] =	ssyncset.done $0x0  }
0xfd: {  	s13 =	simm.s32 @p0 $0x5000;
	s5 =	simm.s32 @p0 $0x80;
	[sflag:s15] =	ssyncadd.s32 $0xFFFFE000  }
0xfe: {  	[tilespmem:s13], [sflag:$0x1] =	stream.indirect.gather @p0 [hbm4b:s1+s5], $0x40, s12, s5, $0xb8;
	[tilespmem:$0x1F000] =	vst v63  }
0xff: {  	s12 =	simm.s32 @p0 $0xA  }
0x100: {  	_ =	swait.ge @p0 [sflag:s12], $0x2000  }
0x101: {  	[sflag:s12] =	ssyncset.done @p0 $0x0  }
0x102: {  	s13 =	sadd.s32 @p0 $0x480, s4;
	[sflag:s12] =	ssyncadd.s32 @p0 $0xFFFFE000;
	s12 =	simm.s32 @p0 $0x7000  }
0x103: {  	[tilespmem:s12], [sflag:$0x2] =	stream.indirect.gather @p0 [hbm4b:s1+s5], $0x40, s13, s5, $0xb8;
	[tilespmem:$0x1F000] =	vst v63  }
0x104: {  	s12 =	simm.s32 @p0 $0xB  }
0x105: {  	_ =	swait.ge @p0 [sflag:s12], $0x2000  }
0x106: {  	[sflag:s12] =	ssyncset.done @p0 $0x0  }
0x107: {  	s13 =	sadd.s32 @p0 $0x500, s4;
	[sflag:s12] =	ssyncadd.s32 @p0 $0xFFFFE000;
	s12 =	simm.s32 @p0 $0x9000  }
0x108: {  	[tilespmem:s12], [sflag:$0x3] =	stream.indirect.gather @p0 [hbm4b:s1+s5], $0x40, s13, s5, $0xb8;
	[tilespmem:$0x1F000] =	vst v63  }
0x109: {  	s12 =	simm.s32 @p0 $0xC  }
0x10a: {  	_ =	swait.ge @p0 [sflag:s12], $0x2000  }
0x10b: {  	[sflag:s12] =	ssyncset.done @p0 $0x0  }
0x10c: {  	s4 =	sadd.s32 @p0 $0x580, s4;
	[sflag:s12] =	ssyncadd.s32 @p0 $0xFFFFE000;
	s12 =	simm.s32 @p0 $0xB000  }
0x10d: {  	[tilespmem:s12], [sflag:$0x4] =	stream.indirect.gather @p0 [hbm4b:s1+s5], $0x40, s4, s5, $0xb8;
	[tilespmem:$0x1F000] =	vst v63  }
0x10e: {  	s4 =	simm.s32 @!p0 $0xA  }
0x10f: {  	_ =	swait.ge @!p0 [sflag:s4], $0x2000  }
0x110: {  	[sflag:s4] =	ssyncset.done @!p0 $0x0  }
0x111: {  	[sflag:s4] =	ssyncadd.s32 @!p0 $0xFFFFE000;
	s4 =	simm.s32 @!p0 $0xB  }
0x112: {  	_ =	swait.ge @!p0 [sflag:s4], $0x2000  }
0x113: {  	[sflag:s4] =	ssyncset.done @!p0 $0x0  }
0x114: {  	[sflag:s4] =	ssyncadd.s32 @!p0 $0xFFFFE000;
	s4 =	simm.s32 @!p0 $0xC  }
0x115: {  	_ =	swait.ge @!p0 [sflag:s4], $0x2000  }
0x116: {  	[sflag:s4] =	ssyncset.done @!p0 $0x0  }
0x117: {  	[sflag:s4] =	ssyncadd.s32 @!p0 $0xFFFFE000  }
0x118: {  	_ =	swait.ge [sflag:s18], $0x2000  }
0x119: {  	[sflag:s18] =	ssyncset.done $0x0  }
0x11a: {  	s13 =	sadd.s32 $0x2A00, s11;
	[sflag:s18] =	ssyncadd.s32 $0xFFFFE000  }
0x11b: {  	[spmem:s3] =	stream.indirect.scatter.add.f32 [tilespmem:s22], [sflag:$0xD], $0x40, s13, s16, $0xb8;
	[tilespmem:$0x1F000] =	vst v63  }
0x11c: {  	_ =	swait.ge [sflag:s20], $0x2000  }
0x11d: {  	[sflag:s20] =	ssyncset.done $0x0  }
0x11e: {  	s23 =	sadd.s32 $0x2A80, s11;
	[sflag:s20] =	ssyncadd.s32 $0xFFFFE000  }
0x11f: {  	[spmem:s3] =	stream.indirect.scatter.add.f32 [tilespmem:s24], [sflag:$0xE], $0x40, s23, s16, $0xb8;
	[tilespmem:$0x1F000] =	vst v63  }
0x120: {  	_ =	swait.ge [sflag:s0], $0x2000  }
0x121: {  	[sflag:s0] =	ssyncset.done $0x0  }
0x122: {  	s25 =	sadd.s32 $0x2B00, s11;
	[sflag:s0] =	ssyncadd.s32 $0xFFFFE000  }
0x123: {  	[spmem:s3] =	stream.indirect.scatter.add.f32 [tilespmem:s26], [sflag:$0xF], $0x40, s25, s16, $0xb8;
	[tilespmem:$0x1F000] =	vst v63  }
0x124: {  	_ =	swait.ge [sflag:s6], $0x2000  }
0x125: {  	[sflag:s6] =	ssyncset.done $0x0  }
0x126: {  	s5 =	sadd.s32 $0x2B80, s11;
	[sflag:s6] =	ssyncadd.s32 $0xFFFFE000  }
0x127: {  	[spmem:s3] =	stream.indirect.scatter.add.f32 [tilespmem:s28], [sflag:$0x10], $0x40, s5, s16, $0xb8;
	[tilespmem:$0x1F000] =	vst v63  }
0x128: {  	_ =	swait.ge [sflag:s7], $0x2000  }
0x129: {  	[sflag:s7] =	ssyncset.done $0x0  }
0x12a: {  	[sflag:s7] =	ssyncadd.s32 $0xFFFFE000  }
0x12b: {  	_ =	swait.ge [sflag:s8], $0x2000  }
0x12c: {  	[sflag:s8] =	ssyncset.done $0x0  }
0x12d: {  	[sflag:s8] =	ssyncadd.s32 $0xFFFFE000  }
0x12e: {  	_ =	swait.ge [sflag:s9], $0x2000  }
0x12f: {  	[sflag:s9] =	ssyncset.done $0x0  }
0x130: {  	[sflag:s9] =	ssyncadd.s32 $0xFFFFE000  }
0x131: {  	_ =	swait.ge [sflag:s10], $0x2000  }
0x132: {  	[sflag:s10] =	ssyncset.done $0x0  }
0x133: {  	[sflag:s10] =	ssyncadd.s32 $0xFFFFE000  }
0x134: {  	s11 =	stileid.u32;
	[bflag:$0x0] =	sbarrier.arrive $0xFFFF  }
0x135: {  	s4 =	sshll.u32 s11, $0x6;
	s12 =	rddreg [dreg:$0xd]  }
0x136: {  	s4 =	sor.u32 $0x1C11, s4;
	s13 =	rddreg [dreg:$0xe]  }
0x137: {  	[hbm:s12], [sflag:s4] =	dma.local [spmem:s13], $0x1400  }
0x138: {  	s13 =	simm.s32 $0x11  }
0x139: {  	_ =	swait.ge [sflag:s13], $0x1400  }
0x13a: {  	s23 =	rddreg [dreg:$0x4]  }
0x13b: {  	s25 =	rddreg [dreg:$0x8];
	s4 =	sadd.s32 $0x1, s23  }
0x13c: {  	p0 =	sne.s32 s4, s25  }
.Ltmp2:
0x13d: {  	_ = 	snop;
	(pc) =	sbr.rel @p0 .LBB2_1-.Ltmp2, $3  }
0x13e: {  	_ =	sdelay $0x1  }
0x13f: {  	[sflag:s13] =	ssyncset.done $0x0  }
0x140: {  	[sflag:s13] =	ssyncadd.s32 $0xFFFFEC00  }
0x141: {  	_ =	sfence.sel $0x180000  }
0x142: {  	[bflag:$0x0] =	sbarrier.arrive $0xFFFF  }
0x143: {  	_ =	strace $0x9000004D  }
0x144: {  	s0 =	stileid.u32;
	[bflag:$0x2] =	sbarrier.arrive $0xFFFF  }
0x145: {  	p0 =	sne.s32 s0, $0x0;
	s0 =	rddreg [dreg:$0x3]  }
0x146: {  	s0 =	sadd.s32 @!p0 $0x100000, s0  }
0x147: {  	[sflag:s0] =	ssyncadd.tile.s32 @!p0 $0x1;
	_ =	shalt  }
.Lfunc_end2:
_tile_overlayer_lowered:
.L_overlay_start_2:
0x148: {  	(tag) =	ssettag $0x2  }
0x149: {  	s0 =	rddreg [dreg:$0x0];
	s2 =	stileid.u32  }
0x14a: {  	s1 =	rddreg [dreg:$0x1];
	p0 =	sne.s32 s2, $0x0  }
0x14b: {  	s3 =	rddreg [dreg:$0x2];
	[bflag:$0x3] =	sbarrier.arrive $0xFFFF;
	s2 =	simm.s32 @!p0 $0x1C11  }
0x14c: {  	[timem:s3], [sflag:s2] =	dma.local @!p0 [hbm:s0], s1  }
0x14d: {  	s0 =	simm.s32 @!p0 $0x11  }
0x14e: {  	_ =	swait.ge @!p0 [sflag:s0], s1  }
0x14f: {  	s1 =	ssub.s32 @!p0 $0x0, s1;
	[sflag:s0] =	ssyncset.done @!p0 $0x0  }
0x150: {  	[sflag:s0] =	ssyncadd.s32 @!p0 s1  }
0x151: {  	[bflag:$0x3] =	sbarrier.arrive $0xFFFF  }
0x152: {  	_ =	shalt  }

// kernel: kernel.9.cloned.1.call-start
scs
__scs_entry_jumppad:
0x0: {  	(pc) =	sbr.rel $0x88, $3  }
0x1: {  	(tag) =	ssettag $0x0;
	lr =	simm.s32 $0x1  }
0x2: {  	[smem:$0x3F9B] =	sst lr;
	_ =	strace $0xD0000000  }
0x3: {  	_ = 	snop  }
0x4: {  	_ = 	snop  }
0x5: {  	_ = 	snop  }
0x6: {  	_ = 	snop  }
0x7: {  	_ = 	snop  }
__scs_overlays_trampoline_lowered:
0x8: {  	[smem:$0x3FAA] =	sst s0  }
0x9: {  	[smem:$0x3FAB] =	sst s1  }
0xa: {  	[smem:$0x3FAC] =	sst s2  }
0xb: {  	[smem:$0x3FAD] =	sst s3  }
0xc: {  	[smem:$0x3FAE] =	sst s4  }
0xd: {  	[smem:$0x3FAF] =	sst s5  }
0xe: {  	[smem:$0x3FB0] =	sst s6  }
0xf: {  	[smem:$0x3FB1] =	sst s7  }
0x10: {  	[smem:$0x3FB2] =	sst s8  }
0x11: {  	[smem:$0x3FB3] =	sst s9;
	s0 =	simm.s32 @!p0 $0x0  }
0x12: {  	s1 =	sld [smem:$0x3F99];
	s0 =	simm.s32 @p0 $0x1  }
0x13: {  	[smem:$0x3FB4] =	sst s0;
	s0 =	simm.s32 @!p1 $0x0  }
0x14: {  	s2 =	sld [smem:$0x3F98];
	s0 =	simm.s32 @p1 $0x1  }
0x15: {  	[smem:$0x3FB5] =	sst s0;
	s0 =	simm.s32 @!p2 $0x0  }
0x16: {  	s3 =	sld [smem:$0x3FDB];
	s0 =	simm.s32 @p2 $0x1  }
0x17: {  	s4 =	simm.s32 $0x1BF5;
	[smem:$0x3FB7] =	sst s0  }
0x18: {  	s0 =	sld [smem:$0x3F9A];
	_ =	swait.ge [sflag:s4], $0x0  }
0x19: {  	s7 =	sld [smem:$0x3F9B]  }
0x1a: {  	s8 =	sadd.s32 $0xFFFFE003, lr  }
0x1b: {  	s9 =	sadd.s32 $0xFFFFFEF7, lr;
	s5 =	simm.s32 $0xFFFFFFFF;
	p2 =	slt.u32 s8, $0xFFFFF086  }
0x1c: {  	p1 =	slt.u32 s9, $0xF7A;
	s5 =	simm.s32 @!p2 $0x0  }
0x1d: {  	s5 =	simm.s32 @p1 $0x1;
	p0 =	seq.s32 s7, s2  }
0x1e: {  	s7 =	smul.u32 @!p0 $0xF7A, s2;
	p2 =	seq.s32 @!p0 s5, $0x0  }
0x1f: {  	s9 =	smul.u32 $0xF7A, s1;
	s8 =	simm.s32 @!p0 $0x1BF5;
	p2 =	por !p2, p0  }
0x20: {  	[sflag:s8] =	ssyncset.s32 @!p0 $0xFFFFF086;
	s6 =	sadd.s32 @!p0 s3, s7;
	s7 =	simm.s32 @!p0 $0x108  }
0x21: {  	s3 =	sadd.s32 s3, s9;
	s6 =	sadd.s32 @!p0 $0x88, s6;
	s7 =	simm.s32 @p2 $0x1082  }
0x22: {  	[simem:s7], [sflag:s8] =	dma.local @!p0 [hbm:s6], $0xF7A  }
0x23: {  	s9 =	sor.u32 $0xD0000000, s2;
	s6 =	simm.s32 $0x108;
	_ =	swait.ge @!p0 [sflag:s8], $0x0  }
0x24: {  	s3 =	sadd.s32 $0x88, s3;
	s6 =	simm.s32 @!p1 $0x1082;
	[sflag:s4] =	ssyncset.s32 $0xFFFFF086  }
0x25: {  	[simem:s6], [sflag:s4] =	dma.local [hbm:s3], $0xF7A  }
0x26: {  	[smem:$0x3F9B] =	sst s1;
	(tag) =	ssettag s2;
	_ =	strace s9  }
0x27: {  	s1 =	sld [smem:$0x3FAB]  }
0x28: {  	s2 =	sld [smem:$0x3FAC]  }
0x29: {  	s4 =	sld [smem:$0x3FAE]  }
0x2a: {  	p0 =	seq.s32 s5, $0x0;
	s5 =	sld [smem:$0x3FAF]  }
0x2b: {  	s6 =	sld [smem:$0x3FB0]  }
0x2c: {  	s7 =	sld [smem:$0x3FB1]  }
0x2d: {  	s3 =	simm.s32 $0x108;
	s8 =	sld [smem:$0x3FB2]  }
0x2e: {  	s3 =	simm.s32 @!p0 $0x1082;
	s9 =	sld [smem:$0x3FB3]  }
0x2f: {  	lr =	sadd.s32 s0, s3;
	s0 =	sld [smem:$0x3FAA]  }
0x30: {  	s3 =	sld [smem:$0x3FAD]  }
0x31: {  	[smem:$0x3FB6] =	sst s10  }
0x32: {  	s10 =	sld [smem:$0x3FB4];
	_ =	sdelay $0x3  }
0x33: {  	p0 =	seq.s32 s10, $0x1;
	s10 =	sld [smem:$0x3FB6];
	_ =	sdelay $0x3  }
0x34: {  	[smem:$0x3FB6] =	sst s10  }
0x35: {  	s10 =	sld [smem:$0x3FB5];
	_ =	sdelay $0x3  }
0x36: {  	p1 =	seq.s32 s10, $0x1;
	s10 =	sld [smem:$0x3FB6];
	_ =	sdelay $0x3  }
0x37: {  	[smem:$0x3FB6] =	sst s10  }
0x38: {  	s10 =	sld [smem:$0x3FB7]  }
0x39: {  	_ = 	snop;
	(pc) =	sbr.ind lr, $3  }
0x3a: {  	_ = 	snop  }
0x3b: {  	_ = 	snop  }
0x3c: {  	p2 =	seq.s32 s10, $0x1;
	s10 =	sld [smem:$0x3FB6]  }
0x3d: {  	_ =	shalt  }
0x3e: {  	_ =	shalt  }
0x3f: {  	_ =	shalt  }
0x40: {  	_ =	shalt  }
0x41: {  	_ =	shalt  }
0x42: {  	_ =	shalt  }
0x43: {  	_ =	shalt  }
0x44: {  	_ =	shalt  }
0x45: {  	_ =	shalt  }
0x46: {  	_ =	shalt  }
0x47: {  	_ =	shalt  }
0x48: {  	_ =	shalt  }
0x49: {  	_ =	shalt  }
0x4a: {  	_ =	shalt  }
0x4b: {  	_ =	shalt  }
0x4c: {  	_ =	shalt  }
0x4d: {  	_ =	shalt  }
0x4e: {  	_ =	shalt  }
0x4f: {  	_ =	shalt  }
0x50: {  	_ =	shalt  }
0x51: {  	_ =	shalt  }
0x52: {  	_ =	shalt  }
0x53: {  	_ =	shalt  }
0x54: {  	_ =	shalt  }
0x55: {  	_ =	shalt  }
0x56: {  	_ =	shalt  }
0x57: {  	_ =	shalt  }
0x58: {  	_ =	shalt  }
0x59: {  	_ =	shalt  }
0x5a: {  	_ =	shalt  }
0x5b: {  	_ =	shalt  }
0x5c: {  	_ =	shalt  }
0x5d: {  	_ =	shalt  }
0x5e: {  	_ =	shalt  }
0x5f: {  	_ =	shalt  }
0x60: {  	_ =	shalt  }
0x61: {  	_ =	shalt  }
0x62: {  	_ =	shalt  }
0x63: {  	_ =	shalt  }
0x64: {  	_ =	shalt  }
0x65: {  	_ =	shalt  }
0x66: {  	_ =	shalt  }
0x67: {  	_ =	shalt  }
0x68: {  	_ =	shalt  }
0x69: {  	_ =	shalt  }
0x6a: {  	_ =	shalt  }
0x6b: {  	_ =	shalt  }
0x6c: {  	_ =	shalt  }
0x6d: {  	_ =	shalt  }
0x6e: {  	_ =	shalt  }
0x6f: {  	_ =	shalt  }
0x70: {  	_ =	shalt  }
0x71: {  	_ =	shalt  }
0x72: {  	_ =	shalt  }
0x73: {  	_ =	shalt  }
0x74: {  	_ =	shalt  }
0x75: {  	_ =	shalt  }
0x76: {  	_ =	shalt  }
0x77: {  	_ =	shalt  }
0x78: {  	_ =	shalt  }
0x79: {  	_ =	shalt  }
0x7a: {  	_ =	shalt  }
0x7b: {  	_ =	shalt  }
0x7c: {  	_ =	shalt  }
0x7d: {  	_ =	shalt  }
0x7e: {  	_ =	shalt  }
0x7f: {  	_ =	shalt  }
0x80: {  	_ =	shalt  }
0x81: {  	_ =	shalt  }
0x82: {  	_ =	shalt  }
0x83: {  	_ =	shalt  }
0x84: {  	_ =	shalt  }
0x85: {  	_ =	shalt  }
0x86: {  	_ =	shalt  }
0x87: {  	_ =	shalt  }
.Lfunc_end0:
.L_simem_size_0:
called_computation_lowered:
.L_overlay_start_0:
0x88: {  	s2 =	sld [smem:$0x3FD9]  }
0x89: {  	s3 =	sld [smem:$0x3FFE];
	_ =	sdelay $0x1  }
0x8a: {  	s1 =	srdreg.scid  }
0x8b: {  	s0 =	sand.u32 $0x1, s1  }
0x8c: {  	s17 =	sshll.u32 s0, $0xA;
	s2 =	sadd.s32 s3, s2  }
0x8d: {  	s2 =	sadd.s32 s2, s17  }
0x8e: {  	[smem:$0x3FC2] =	sst s2  }
0x8f: {  	_ = 	snop  }
0x90: {  	s2 =	sld [smem:$0x3FD0];
	(tm) =	ssettm $0x1  }
0x91: {  	s18 =	sld [smem:$0x3FFB];
	_ =	sdelay $0x3  }
0x92: {  	_ =	strace s18  }
0x93: {  	s3 =	sld [smem:$0x3FFC];
	_ =	sdelay $0x3  }
0x94: {  	_ =	strace s3  }
0x95: {  	s3 =	sld [smem:$0x3FFD];
	_ =	sdelay $0x3  }
0x96: {  	_ =	strace s3  }
0x97: {  	_ =	strace $0x8FFFFFFF  }
0x98: {  	s19 =	sld [smem:$0x3FDB];
	_ =	sdelay $0x1  }
0x99: {  	s4 =	simm.s32 $_scs_section_size  }
0x9a: {  	s5 =	simm.s32 $_size__tile_overlayer_lowered;
	s6 =	simm.s32 $_tile_overlayer_lowered  }
0x9b: {  	s22 =	simm.s32 $0x1BFF;
	s21 =	sshll.u32 s6, $0x1;
	s3 =	sadd.s32 s4, s19  }
0x9c: {  	s7 =	simm.s32 $0x0;
	s20 =	sshll.u32 s5, $0x1;
	s5 =	sadd.s32 s21, s3  }
0x9d: {  	[timem:s7], [sflag:s22] =	dma.local [hbm:s5], s20  }
0x9e: {  	_ =	swait.ge [sflag:s22], s20  }
0x9f: {  	s4 =	ssub.s32 $0x0, s20;
	[sflag:s22] =	ssyncset.done $0x0  }
0xa0: {  	[sflag:s22] =	ssyncadd.s32 s4;
	_ =	sdelay $0x1  }
0xa1: {  	s23 =	simm.s32 $0x1B8B  }
0xa2: {  	_ =	swait.ge [sflag:s23], $0x1  }
0xa3: {  	[sflag:s23] =	ssyncset.done $0x0  }
0xa4: {  	s25 =	simm.s32 $0x1B8E;
	s24 =	sld [smem:$0x3FFE];
	[sflag:s23] =	ssyncadd.s32 $0xFFFFFFFF  }
0xa5: {  	s26 =	simm.s32 $execute0_lowered;
	[smem:$0x3FD2] =	sst s25  }
0xa6: {  	s5 =	sshll.u32 s26, $0x1;
	_ =	strace $0x80000046;
	[dreg:$0x1] =	wrdreg $0xFFFFFFFF  }
0xa7: {  	s28 =	simm.s32 $_size_execute0_lowered;
	s3 =	sadd.s32 s3, s5;
	[dreg:$0x0] =	wrdreg $0x0  }
0xa8: {  	s5 =	sshll.u32 s28, $0x1;
	[dreg:$0x2] =	wrdreg s3  }
0xa9: {  	[dreg:$0x3] =	wrdreg s5  }
0xaa: {  	[dreg:$0x4] =	wrdreg $0xC0  }
0xab: {  	_ =	task [dreg:s7], $0x5FFFF  }
0xac: {  	[dreg:$0x1] =	wrdreg $0xFFFFFFFF  }
0xad: {  	[dreg:$0x0] =	wrdreg $0x60  }
0xae: {  	[dreg:$0x2] =	wrdreg s24  }
0xaf: {  	[dreg:$0x3] =	wrdreg s2  }
0xb0: {  	[dreg:$0x4] =	wrdreg $0x58000  }
0xb1: {  	[dreg:$0x5] =	wrdreg $0x9  }
0xb2: {  	_ =	task.clear_ibuf [dreg:s7], $0x6FFFF;
	_ =	strace $0x90000046  }
0xb3: {  	s29 =	simm.s32 $0x9;
	_ =	strace $0x80000048  }
0xb4: {  	_ =	swait.ge [sflag:s29], $0x1  }
0xb5: {  	[sflag:s29] =	ssyncadd.s32 $0xFFFFFFFF  }
0xb6: {  	_ =	strace $0x90000048  }
0xb7: {  	_ =	sfence  }
0xb8: {  	s30 =	sld [smem:$0x0];
	_ =	sdelay $0x2  }
0xb9: {  	s31 =	sshll.u32 s1, $0xD;
	s1 =	sshrl.u32 s1, $0x2  }
0xba: {  	s3 =	sand.u32 $0x4000, s31;
	s1 =	sadd.s32 s1, s30  }
0xbb: {  	s0 =	sor.u32 s3, s0;
	s1 =	sshll.u32 s1, $0x11  }
0xbc: {  	s0 =	sor.u32 s1, s0  }
0xbd: {  	s0 =	sadd.s32 $0x8F2B, s0  }
0xbe: {  	[sflag:s0] =	ssyncadd.remote.s32 $0x1  }
0xbf: {  	_ =	sfence.sel $0xFFFF  }
0xc0: {  	[dreg:$0x0] =	wrdreg $0xFFFFFFFF;
	(pc) =	sbr.abs _section_cstart, $3  }
0xc1: {  	[dreg:$0x1] =	wrdreg $0xFFFFFFFF  }
0xc2: {  	_ =	task.clear_ibuf [dreg:s7], $0x2FFFF;
	_ =	strace $0x9FFFFFFF  }
0xc3: {  	(tm) =	ssettm $0x7FFFFFFF  }
tec
execute0_lowered:
.L_overlay_start_1:
0x0: {  	(tag) =	ssettag $0x1  }
0x1: {  	s4 =	rddreg [dreg:$0x0]  }
0x2: {  	s6 =	rddreg [dreg:$0x1];
	s1 =	srdreg.scid  }
0x3: {  	s0 =	stileid.u32;
	s2 =	rddreg [dreg:$0x2];
	s3 =	simm.s32 $0x0  }
0x4: {  	s11 =	simm.s32 $0x1;
	s12 =	simm.s32 $0x2;
	s13 =	simm.s32 $0x3  }
0x5: {  	s14 =	simm.s32 $0x4;
	s5 =	sand.u32 $0x1, s1;
	s1 =	rddreg [dreg:$0x3]  }
0x6: {  	s7 =	sshll.u32 s0, $0x1;
	[smem:$0x7FF] =	sst s3;
	s9 =	smul.u32 $0x2800, s0  }
0x7: {  	s17 =	sshll.u32 s0, $0x6;
	s7 =	sor.u32 s5, s7;
	s10 =	smul.u32 $0x5000, s5  }
0x8: {  	_ =	strace $0x80000047;
	s8 =	ssub.s32 $0x2, s5;
	s7 =	smul.u32 $0x500, s7  }
0x9: {  	s31 =	sshrl.u32 s8, $0x1;
	s5 =	sadd.s32 s9, s2;
	s16 =	sshrl.u32 s9, $0x3  }
0xa: {  	s9 =	simm.s32 $0x80;
	s15 =	sadd.s32 s6, s10;
	s10 =	simm.s32 $0x2800  }
0xb: {  	s4 =	sadd.s32 s7, s4;
	s7 =	ssub.s32 s8, s31;
	s8 =	simm.s32 $0x3000  }
0xc: {  	s15 =	sadd.s32 s16, s15;
	s16 =	sor.u32 $0x1C05, s17;
	s17 =	sshrl.u32 s5, $0x3  }
0xd: {  	v0 =	vimm.f32 $1.000000000e+00;
	v1 =	vimm.f32 $0.0e+00;
	s4 =	sadd.s32 $0x1C00, s4;
	s6 =	smax.u32 s7, $0x1;
	s7 =	simm.s32 $0x5  }
.LBB2_1:
0xe: {  	s18 =	simm.s32 $0x0  }
.LBB2_2:
0xf: {  	p0 =	sne.s32 s18, $0x1FC0  }
.Ltmp0:
0x10: {  	_ = 	snop;
	(pc) =	sbr.rel @p0 .LBB2_2-.Ltmp0, $3  }
0x11: {  	_ =	sdelay $0x1  }
0x12: {  	s19 =	sshra.s32 s18, $0x2  }
0x13: {  	s18 =	sadd.s32 $0x40, s18;
	[tilespmem:s19+$0x2800] =	vst v0  }
0x14: {  	s18 =	simm.s32 $0x40;
	s19 =	simm.s32 $0x0  }
.LBB2_4:
0x15: {  	p0 =	sne.s32 s18, $0x9FC0;
	[tilespmem:s19+$0x3000] =	vst v1;
	s19 =	smov.u32 s18;
	s18 =	sadd.s32 $0x40, s18  }
.Ltmp1:
0x16: {  	(pc) =	sbr.rel @p0 .LBB2_4-.Ltmp1, $2  }
0x17: {  	_ =	sdelay $0x2  }
0x18: {  	s19 =	sshra.s32 s19, $0x2  }
0x19: {  	[tilespmem:s19+$0x3000] =	vst v1;
	s18 =	simm.s32 $0x0  }
0x1a: {  	[tilespmem:s18], [sflag:$0x5] =	stream.linear.gather [hbm4b:s4+s18], $0x2800, $0x38;
	[tilespmem:$0x8000] =	vst v63  }
0x1b: {  	_ =	swait.ge [sflag:s7], $0x2800  }
0x1c: {  	[sflag:s7] =	ssyncset.done $0x0  }
0x1d: {  	[sflag:s7] =	ssyncadd.s32 $0xFFFFD800  }
0x1e: {  	[spmem:s5] =	stream.linear.scatter [tilespmem:s8], [sflag:$0x5], $0x2800, $0x38;
	[tilespmem:$0x8000] =	vst v63  }
0x1f: {  	_ =	swait.ge [sflag:s7], $0x2800  }
0x20: {  	[sflag:s7] =	ssyncset.done $0x0  }
0x21: {  	[sflag:s7] =	ssyncadd.s32 $0xFFFFD800  }
0x22: {  	s28 =	simm.s32 $0x0;
	[bflag:$0x0] =	sbarrier.arrive $0xFFFF  }
0x23: {  	[spmem:s2] =	stream.indirect.scatter.add.f32 [tilespmem:s10], [sflag:$0x1], $0x10, s28, s9, $0xb8;
	[tilespmem:$0x8000] =	vst v63  }
0x24: {  	s29 =	simm.s32 $0x80  }
0x25: {  	[spmem:s2] =	stream.indirect.scatter.add.f32 [tilespmem:s10], [sflag:$0x2], $0x10, s29, s9, $0xb8;
	[tilespmem:$0x8000] =	vst v63  }
0x26: {  	s30 =	simm.s32 $0x100  }
0x27: {  	[spmem:s2] =	stream.indirect.scatter.add.f32 [tilespmem:s10], [sflag:$0x3], $0x10, s30, s9, $0xb8;
	[tilespmem:$0x8000] =	vst v63  }
0x28: {  	s31 =	simm.s32 $0x180  }
0x29: {  	[spmem:s2] =	stream.indirect.scatter.add.f32 [tilespmem:s10], [sflag:$0x4], $0x10, s31, s9, $0xb8;
	[tilespmem:$0x8000] =	vst v63  }
0x2a: {  	_ =	swait.ge [sflag:s11], $0x800  }
0x2b: {  	[sflag:s11] =	ssyncset.done $0x0  }
0x2c: {  	[sflag:s11] =	ssyncadd.s32 $0xFFFFF800  }
0x2d: {  	_ =	swait.ge [sflag:s12], $0x800  }
0x2e: {  	[sflag:s12] =	ssyncset.done $0x0  }
0x2f: {  	[sflag:s12] =	ssyncadd.s32 $0xFFFFF800  }
0x30: {  	_ =	swait.ge [sflag:s13], $0x800  }
0x31: {  	[sflag:s13] =	ssyncset.done $0x0  }
0x32: {  	[sflag:s13] =	ssyncadd.s32 $0xFFFFF800  }
0x33: {  	_ =	swait.ge [sflag:s14], $0x800  }
0x34: {  	s19 =	simm.s32 $0x1000;
	s18 =	simm.s32 $0x800;
	[sflag:s14] =	ssyncset.done $0x0  }
.LBB2_6:
0x35: {  	s20 =	sshra.s32 s18, $0x2  }
0x36: {  	[sflag:s14] =	ssyncadd.s32 $0xFFFFF800;
	s18 =	smov.u32 s19;
	s21 =	sadd.s32 $0x800, s19  }
0x37: {  	[spmem:s2] =	stream.indirect.scatter.add.f32 [tilespmem:s10], [sflag:$0x1], $0x10, s20, s9, $0xb8;
	[tilespmem:$0x8000] =	vst v63  }
0x38: {  	p0 =	sne.s32 s19, $0x9800;
	s19 =	sadd.s32 $0x80, s20  }
0x39: {  	[spmem:s2] =	stream.indirect.scatter.add.f32 [tilespmem:s10], [sflag:$0x2], $0x10, s19, s9, $0xb8;
	[tilespmem:$0x8000] =	vst v63  }
0x3a: {  	s19 =	sadd.s32 $0x100, s20  }
0x3b: {  	[spmem:s2] =	stream.indirect.scatter.add.f32 [tilespmem:s10], [sflag:$0x3], $0x10, s19, s9, $0xb8;
	[tilespmem:$0x8000] =	vst v63  }
0x3c: {  	s19 =	sadd.s32 $0x180, s20  }
0x3d: {  	[spmem:s2] =	stream.indirect.scatter.add.f32 [tilespmem:s10], [sflag:$0x4], $0x10, s19, s9, $0xb8;
	[tilespmem:$0x8000] =	vst v63  }
0x3e: {  	_ =	swait.ge [sflag:s11], $0x800  }
0x3f: {  	[sflag:s11] =	ssyncset.done $0x0  }
0x40: {  	[sflag:s11] =	ssyncadd.s32 $0xFFFFF800  }
0x41: {  	_ =	swait.ge [sflag:s12], $0x800  }
0x42: {  	[sflag:s12] =	ssyncset.done $0x0  }
0x43: {  	[sflag:s12] =	ssyncadd.s32 $0xFFFFF800  }
.Ltmp2:
0x44: {  	_ =	swait.ge [sflag:s13], $0x800;
	(pc) =	sbr.rel @p0 .LBB2_6-.Ltmp2, $4  }
0x45: {  	[sflag:s13] =	ssyncset.done $0x0  }
0x46: {  	[sflag:s13] =	ssyncadd.s32 $0xFFFFF800  }
0x47: {  	_ =	swait.ge [sflag:s14], $0x800  }
0x48: {  	s19 =	smov.u32 s21;
	[sflag:s14] =	ssyncset.done $0x0  }
0x49: {  	s18 =	sshra.s32 s18, $0x2;
	[sflag:s14] =	ssyncadd.s32 $0xFFFFF800  }
0x4a: {  	[spmem:s2] =	stream.indirect.scatter.add.f32 [tilespmem:s10], [sflag:$0x1], $0x10, s18, s9, $0xb8;
	[tilespmem:$0x8000] =	vst v63  }
0x4b: {  	s19 =	sadd.s32 $0x80, s18  }
0x4c: {  	[spmem:s2] =	stream.indirect.scatter.add.f32 [tilespmem:s10], [sflag:$0x2], $0x10, s19, s9, $0xb8;
	[tilespmem:$0x8000] =	vst v63  }
0x4d: {  	s31 =	sadd.s32 $0x100, s18  }
0x4e: {  	[spmem:s2] =	stream.indirect.scatter.add.f32 [tilespmem:s10], [sflag:$0x3], $0x10, s31, s9, $0xb8;
	[tilespmem:$0x8000] =	vst v63  }
0x4f: {  	s18 =	sadd.s32 $0x180, s18  }
0x50: {  	[spmem:s2] =	stream.indirect.scatter.add.f32 [tilespmem:s10], [sflag:$0x4], $0x10, s18, s9, $0xb8;
	[tilespmem:$0x8000] =	vst v63  }
0x51: {  	_ =	swait.ge [sflag:s11], $0x800  }
0x52: {  	[sflag:s11] =	ssyncset.done $0x0  }
0x53: {  	[sflag:s11] =	ssyncadd.s32 $0xFFFFF800  }
0x54: {  	_ =	swait.ge [sflag:s12], $0x800  }
0x55: {  	[sflag:s12] =	ssyncset.done $0x0  }
0x56: {  	[sflag:s12] =	ssyncadd.s32 $0xFFFFF800  }
0x57: {  	_ =	swait.ge [sflag:s13], $0x800  }
0x58: {  	[sflag:s13] =	ssyncset.done $0x0  }
0x59: {  	[sflag:s13] =	ssyncadd.s32 $0xFFFFF800  }
0x5a: {  	_ =	swait.ge [sflag:s14], $0x800  }
0x5b: {  	s3 =	sadd.s32 $0x1, s3;
	[sflag:s14] =	ssyncset.done $0x0  }
0x5c: {  	p0 =	sne.s32 s3, s6;
	[sflag:s14] =	ssyncadd.s32 $0xFFFFF800  }
.Ltmp3:
0x5d: {  	[bflag:$0x0] =	sbarrier.arrive $0xFFFF;
	(pc) =	sbr.rel @p0 .LBB2_1-.Ltmp3, $4  }
0x5e: {  	[hbm:s15], [sflag:s16] =	dma.local [spmem:s17], $0x500  }
0x5f: {  	_ =	swait.ge [sflag:s7], $0x500  }
0x60: {  	[sflag:s7] =	ssyncset.done $0x0  }
0x61: {  	[sflag:s7] =	ssyncadd.s32 $0xFFFFFB00  }
0x62: {  	_ =	sfence.sel $0x180000  }
0x63: {  	[bflag:$0x0] =	sbarrier.arrive $0xFFFF  }
0x64: {  	p0 =	sne.s32 s0, $0x0;
	_ =	strace $0x90000047  }
0x65: {  	s0 =	sadd.s32 @!p0 $0x100000, s1;
	[bflag:$0x2] =	sbarrier.arrive $0xFFFF  }
0x66: {  	[sflag:s0] =	ssyncadd.tile.s32 @!p0 $0x1;
	_ =	shalt  }
.Lfunc_end2:
_tile_overlayer_lowered:
.L_overlay_start_2:
0x67: {  	(tag) =	ssettag $0x2  }
0x68: {  	s0 =	rddreg [dreg:$0x0];
	s2 =	stileid.u32  }
0x69: {  	s1 =	rddreg [dreg:$0x1];
	p0 =	sne.s32 s2, $0x0  }
0x6a: {  	s3 =	rddreg [dreg:$0x2];
	[bflag:$0x3] =	sbarrier.arrive $0xFFFF;
	s2 =	simm.s32 @!p0 $0x1C05  }
0x6b: {  	[timem:s3], [sflag:s2] =	dma.local @!p0 [hbm:s0], s1  }
0x6c: {  	s0 =	simm.s32 @!p0 $0x5  }
0x6d: {  	_ =	swait.ge @!p0 [sflag:s0], s1  }
0x6e: {  	s1 =	ssub.s32 @!p0 $0x0, s1;
	[sflag:s0] =	ssyncset.done @!p0 $0x0  }
0x6f: {  	[sflag:s0] =	ssyncadd.s32 @!p0 s1  }
0x70: {  	[bflag:$0x3] =	sbarrier.arrive $0xFFFF  }
0x71: {  	_ =	shalt  }

</sc_bundles>
